<compile_context>
chip_gen: v7x
topology: tpu7x:2x2x1
jax: 0.10.2.dev20260603
libtpu: 0.0.44.dev20260713+nightly
codegen_flags: <defaults>
</compile_context>

<pallas_src>
import functools
import math

import jax
import jax.numpy as jnp
import numpy as np
from jax import lax
from jax.experimental import pallas as pl
from jax.experimental.pallas import tpu as pltpu
from jax.experimental.pallas import tpu_sc as plsc

VOCAB = 100000
D = 512
BATCH = 16
SEQ = 2048
L = 16
NC = 2
NS = 16
NW = NC * NS
N = BATCH * SEQ
P_PER_W = SEQ // NW
C = 32
N_CHUNKS = BATCH * P_PER_W // C
SCALE = math.sqrt(float(D))


def _pe_table():
    pos = np.arange(SEQ, dtype=np.float32).reshape(-1, 1)
    i = np.arange(D, dtype=np.float32)
    rads = pos / np.power(10000.0, 2.0 * np.floor(i / 2.0) / D)
    pe = np.zeros((SEQ, D), dtype=np.float32)
    pe[:, 0::2] = np.sin(rads[:, 0::2])
    pe[:, 1::2] = np.cos(rads[:, 1::2])
    return pe


_PE = _pe_table()


@functools.partial(
    pl.kernel,
    out_type=jax.ShapeDtypeStruct((N, D), jnp.float32),
    mesh=plsc.VectorSubcoreMesh(core_axis_name="c", subcore_axis_name="s"),
    scratch_types=[
        pltpu.VMEM((BATCH, 2 * P_PER_W), jnp.int32),
        pltpu.VMEM((P_PER_W, D), jnp.float32),
        pltpu.VMEM((C, D), jnp.float32),
        pltpu.VMEM((C, D), jnp.float32),
        pltpu.VMEM((C, D), jnp.float32),
        pltpu.VMEM((C, D), jnp.float32),
        pltpu.SemaphoreType.DMA,
        pltpu.SemaphoreType.DMA,
        pltpu.SemaphoreType.DMA,
        pltpu.SemaphoreType.DMA,
    ],
)
def _emb_lookup(table_hbm, idx_hbm, pe_hbm, out_hbm,
                idx_all, pe_v, rows0, rows1, ost0, ost1,
                g0, g1, o0, o1):
    rows = (rows0, rows1)
    ost = (ost0, ost1)
    gsm = (g0, g1)
    osm = (o0, o1)

    wid = lax.axis_index("s") * NC + lax.axis_index("c")
    pos0 = wid * P_PER_W

    half = lax.rem(wid, 2) * P_PER_W
    pltpu.sync_copy(pe_hbm.at[pl.ds(pos0, P_PER_W)], pe_v)
    pltpu.sync_copy(idx_hbm.at[:, pl.ds((wid // 2) * (2 * P_PER_W),
                                        2 * P_PER_W)], idx_all)

    def idx_slice(bj, h):
        return idx_all.at[bj, pl.ds(half + h * C, C)]

    def out_slice(bj, h):
        return out_hbm.at[pl.ds(bj * SEQ + pos0 + h * C, C)]

    pltpu.async_copy(table_hbm.at[idx_slice(0, 0)], rows[0], gsm[0])

    @pl.loop(0, BATCH)
    def _batch(bj):
        for h in (0, 1):
            j = 2 * bj + h

            if h == 0:
                pltpu.async_copy(table_hbm.at[idx_slice(bj, 1)],
                                 rows[1], gsm[1])
            else:
                @pl.when(bj + 1 < BATCH)
                def _():
                    pltpu.async_copy(table_hbm.at[idx_slice(bj + 1, 0)],
                                     rows[0], gsm[0])

            pltpu.make_async_copy(table_hbm.at[idx_slice(bj, h)],
                                  rows[h], gsm[h]).wait()

            @pl.when(j >= 2)
            def _():
                pltpu.make_async_copy(ost[h], out_slice(bj - 1, h),
                                      osm[h]).wait()

            @plsc.parallel_loop(0, C, unroll=1)
            def row_body(r, _h=h):
                for c in range(D // L):
                    sl = pl.ds(c * L, L)
                    ost[_h][r, sl] = (rows[_h][r, sl] * SCALE
                                      + pe_v[_h * C + r, sl])

            pltpu.async_copy(ost[h], out_slice(bj, h), osm[h])

    pltpu.make_async_copy(ost[0], out_slice(BATCH - 1, 0), osm[0]).wait()
    pltpu.make_async_copy(ost[1], out_slice(BATCH - 1, 1), osm[1]).wait()


def kernel(x, table):
    pe = jnp.asarray(_PE)
    out = _emb_lookup(table, x, pe)
    return out.reshape(BATCH, SEQ, D)

# --- scband reference (transcript-rebuilt; emitter-appended) ---
"""Pipeline reference for scband-transformer-embedding-81716047774116 (READ-ONLY COPY).

The authoritative reference and input builder live on the scoring server;
editing this copy changes nothing except your own understanding.
"""

import jax, jax.numpy as jnp
import numpy as np
import math

VOCAB = 100000
D_MODEL = 512
MAX_SEQ = 5000


def _build_pe():
    pos = jnp.arange(MAX_SEQ, dtype=jnp.float32).reshape(-1, 1)
    i = jnp.arange(D_MODEL, dtype=jnp.float32)
    rads = pos / jnp.power(10000.0, 2.0 * jnp.floor(i / 2.0) / D_MODEL)
    pe = jnp.zeros((MAX_SEQ, D_MODEL), dtype=jnp.float32)
    pe = pe.at[:, 0::2].set(jnp.sin(rads[:, 0::2]))
    pe = pe.at[:, 1::2].set(jnp.cos(rads[:, 1::2]))
    return pe[None, :, :]  # [1, MAX_SEQ, D_MODEL]


def setup_inputs(seed: int = 0) -> dict:
    key = jax.random.key(seed)
    k1, k2 = jax.random.split(key)
    x = jax.random.randint(k1, (16, 2048), 0, VOCAB, dtype=jnp.int32)
    # nn.Embedding default init: N(0, 1)
    table = jax.random.normal(k2, (VOCAB, D_MODEL), dtype=jnp.float32)
    return {"x": x, "table": table}


def reference(x, table):
    # Embedding: lookup * sqrt(d_model)
    emb = jnp.take(table, x, axis=0) * math.sqrt(D_MODEL)
    # PositionalEncoding: add precomputed sinusoidal table (dropout is identity in eval)
    pe = _build_pe()
    seq_len = emb.shape[1]
    out = emb + pe[:, :seq_len, :]
    return out

if __name__ == "__main__":
    import jax
    _d = setup_inputs()
    print(jax.jit(kernel)(*tuple(_d.values())))

</pallas_src>

<mosaic_0001>
#map = affine_map<(d0, d1) -> (0, 0)>
module attributes {stable_mosaic.version = 14 : i64} {
  func.func @_emb_lookup(%arg0: i32, %arg1: i32, %arg2: memref<100000x512xf32, #tpu.memory_space<hbm>>, %arg3: memref<16x2048xi32, #tpu.memory_space<hbm>>, %arg4: memref<2048x512xf32, #tpu.memory_space<hbm>>, %arg5: memref<32768x512xf32, #tpu.memory_space<hbm>>, %arg6: memref<16x128xi32, #tpu.memory_space<vmem>>, %arg7: memref<64x512xf32, #tpu.memory_space<vmem>>, %arg8: memref<32x512xf32, #tpu.memory_space<vmem>>, %arg9: memref<32x512xf32, #tpu.memory_space<vmem>>, %arg10: memref<32x512xf32, #tpu.memory_space<vmem>>, %arg11: memref<32x512xf32, #tpu.memory_space<vmem>>, %arg12: memref<!tpu.dma_semaphore, #tpu.memory_space<semaphore_mem>>, %arg13: memref<!tpu.dma_semaphore, #tpu.memory_space<semaphore_mem>>, %arg14: memref<!tpu.dma_semaphore, #tpu.memory_space<semaphore_mem>>, %arg15: memref<!tpu.dma_semaphore, #tpu.memory_space<semaphore_mem>>) attributes {dimension_semantics = [#tpu.dimension_semantics<core_parallel>, #tpu.dimension_semantics<subcore_parallel>], iteration_bounds = array<i64: 2, 16>, scalar_prefetch = 0 : i64, scratch_operands = 10 : i64, tpu.core_type = #tpu.core_type<sc_vector_subcore>, window_params = [{transform_indices = #map}, {transform_indices = #map}, {transform_indices = #map}, {transform_indices = #map}]} {
    %mul3A = arith.constant 2 : i32
    %mul3A_0 = arith.muli %arg1, %mul3A : i32
    %add3A = arith.addi %mul3A_0, %arg0 : i32
    %mul3A_1 = arith.constant 64 : i32
    %mul3A_2 = arith.muli %add3A, %mul3A_1 : i32
    %rem3A = arith.constant 2 : i32
    %rem3A_3 = arith.remsi %add3A, %rem3A : i32
    %mul3A_4 = arith.constant 64 : i32
    %mul3A_5 = arith.muli %rem3A_3, %mul3A_4 : i32
    "tpu.region"() ({
      %run_scoped3A = tpu.sem_alloc : memref<!tpu.dma_semaphore, #tpu.memory_space<semaphore_mem>>
      %dma_start3A_51 = arith.constant 0 : i32
      %dma_start3A_52 = tpu.memref_slice %arg4[%mul3A_2, %dma_start3A_51] : memref<2048x512xf32, #tpu.memory_space<hbm>> -> memref<64x512xf32, #tpu.memory_space<hbm>>
      %dma_start3A_53 = arith.constant 0 : i32
      %dma_start3A_54 = tpu.memref_slice %arg4[%mul3A_2, %dma_start3A_53] : memref<2048x512xf32, #tpu.memory_space<hbm>> -> memref<64x512xf32, #tpu.memory_space<hbm>>
      tpu.enqueue_dma source(%dma_start3A_54 : memref<64x512xf32, #tpu.memory_space<hbm>>) target(%arg7 : memref<64x512xf32, #tpu.memory_space<vmem>>) target_semaphore(%run_scoped3A : memref<!tpu.dma_semaphore, #tpu.memory_space<semaphore_mem>>)
      %dma_wait3A_55 = arith.constant 0 : i32
      %dma_wait3A_56 = tpu.memref_slice %arg4[%mul3A_2, %dma_wait3A_55] : memref<2048x512xf32, #tpu.memory_space<hbm>> -> memref<64x512xf32, #tpu.memory_space<hbm>>
      %dma_wait3A_57 = arith.constant 0 : i32
      %dma_wait3A_58 = tpu.memref_slice %arg4[%mul3A_2, %dma_wait3A_57] : memref<2048x512xf32, #tpu.memory_space<hbm>> -> memref<64x512xf32, #tpu.memory_space<hbm>>
      tpu.wait_dma2 semaphore(%run_scoped3A : memref<!tpu.dma_semaphore, #tpu.memory_space<semaphore_mem>>) src(%dma_wait3A_58 : memref<64x512xf32, #tpu.memory_space<hbm>>) dst(%arg7 : memref<64x512xf32, #tpu.memory_space<vmem>>)
      tpu.yield
    }) : () -> ()
    %jit3A = arith.constant 2 : i32
    %div3A = arith.divsi %add3A, %jit3A : i32
    %sign3A = arith.constant 0 : i32
    %sign3A_6 = arith.cmpi sgt, %add3A, %sign3A : i32
    %sign3A_7 = arith.extui %sign3A_6 : i1 to i32
    %sign3A_8 = arith.constant 0 : i32
    %sign3A_9 = arith.cmpi slt, %add3A, %sign3A_8 : i32
    %sign3A_10 = arith.extui %sign3A_9 : i1 to i32
    %sign3A_11 = arith.subi %sign3A_7, %sign3A_10 : i32
    %sign3A_12 = arith.constant 0 : i32
    %sign3A_13 = arith.cmpi sgt, %jit3A, %sign3A_12 : i32
    %sign3A_14 = arith.extui %sign3A_13 : i1 to i32
    %sign3A_15 = arith.constant 0 : i32
    %sign3A_16 = arith.cmpi slt, %jit3A, %sign3A_15 : i32
    %sign3A_17 = arith.extui %sign3A_16 : i1 to i32
    %sign3A_18 = arith.subi %sign3A_14, %sign3A_17 : i32
    %ne3A = arith.cmpi ne, %sign3A_11, %sign3A_18 : i32
    %rem3A_19 = arith.remsi %add3A, %jit3A : i32
    %ne3A_20 = arith.constant 0 : i32
    %ne3A_21 = arith.cmpi ne, %rem3A_19, %ne3A_20 : i32
    %and3A = arith.andi %ne3A, %ne3A_21 : i1
    %sub3A = arith.constant 1 : i32
    %sub3A_22 = arith.subi %div3A, %sub3A : i32
    %select_n3A = arith.select %and3A, %sub3A_22, %div3A : i32
    %mul3A_23 = arith.constant 128 : i32
    %mul3A_24 = arith.muli %select_n3A, %mul3A_23 : i32
    "tpu.region"() ({
      %run_scoped3A = tpu.sem_alloc : memref<!tpu.dma_semaphore, #tpu.memory_space<semaphore_mem>>
      %dma_start3A_51 = arith.constant 0 : i32
      %dma_start3A_52 = tpu.memref_slice %arg3[%dma_start3A_51, %mul3A_24] : memref<16x2048xi32, #tpu.memory_space<hbm>> -> memref<16x128xi32, #tpu.memory_space<hbm>>
      %dma_start3A_53 = arith.constant 0 : i32
      %dma_start3A_54 = tpu.memref_slice %arg3[%dma_start3A_53, %mul3A_24] : memref<16x2048xi32, #tpu.memory_space<hbm>> -> memref<16x128xi32, #tpu.memory_space<hbm>>
      tpu.enqueue_dma source(%dma_start3A_54 : memref<16x128xi32, #tpu.memory_space<hbm>>) target(%arg6 : memref<16x128xi32, #tpu.memory_space<vmem>>) target_semaphore(%run_scoped3A : memref<!tpu.dma_semaphore, #tpu.memory_space<semaphore_mem>>)
      %dma_wait3A_55 = arith.constant 0 : i32
      %dma_wait3A_56 = tpu.memref_slice %arg3[%dma_wait3A_55, %mul3A_24] : memref<16x2048xi32, #tpu.memory_space<hbm>> -> memref<16x128xi32, #tpu.memory_space<hbm>>
      %dma_wait3A_57 = arith.constant 0 : i32
      %dma_wait3A_58 = tpu.memref_slice %arg3[%dma_wait3A_57, %mul3A_24] : memref<16x2048xi32, #tpu.memory_space<hbm>> -> memref<16x128xi32, #tpu.memory_space<hbm>>
      tpu.wait_dma2 semaphore(%run_scoped3A : memref<!tpu.dma_semaphore, #tpu.memory_space<semaphore_mem>>) src(%dma_wait3A_58 : memref<16x128xi32, #tpu.memory_space<hbm>>) dst(%arg6 : memref<16x128xi32, #tpu.memory_space<vmem>>)
      tpu.yield
    }) : () -> ()
    %add3A_25 = arith.constant 0 : i32
    %add3A_26 = arith.addi %mul3A_5, %add3A_25 : i32
    %dma_start3A = arith.constant 0 : i32
    %dma_start3A_27 = tpu.memref_slice %arg6[%dma_start3A, %add3A_26] : memref<16x128xi32, #tpu.memory_space<vmem>> -> memref<1x32xi32, #tpu.memory_space<vmem>>
    %dma_start3A_28 = tpu.memref_squeeze %dma_start3A_27 : memref<1x32xi32, #tpu.memory_space<vmem>> -> memref<32xi32, #tpu.memory_space<vmem>>
    %dma_start3A_29 = arith.constant 0 : i32
    %dma_start3A_30 = arith.constant 0 : i32
    %dma_start3A_31 = tpu.memref_slice %arg2[%dma_start3A_29, %dma_start3A_30] : memref<100000x512xf32, #tpu.memory_space<hbm>> -> memref<100000x512xf32, #tpu.memory_space<hbm>>
    tpu.enqueue_indirect_dma source(%dma_start3A_31 : memref<100000x512xf32, #tpu.memory_space<hbm>>) target(%arg8 : memref<32x512xf32, #tpu.memory_space<vmem>>) offsets(%dma_start3A_28 : memref<32xi32, #tpu.memory_space<vmem>>) semaphore(%arg12 : memref<!tpu.dma_semaphore, #tpu.memory_space<semaphore_mem>>)
    %scan3A = arith.constant 0 : i32
    %scan3A_32 = arith.constant 16 : i32
    %scan3A_33 = arith.addi %scan3A, %scan3A_32 : i32
    %scan3A_34 = arith.constant 1 : i32
    scf.for %scan3A_51 = %scan3A to %scan3A_33 step %scan3A_34  : i32 {
      %mul3A_52 = arith.constant 1 : i32
      %mul3A_53 = arith.muli %scan3A_51, %mul3A_52 : i32
      %add3A_54 = arith.constant 0 : i32
      %add3A_55 = arith.addi %add3A_54, %mul3A_53 : i32
      %mul3A_56 = arith.constant 2 : i32
      %mul3A_57 = arith.muli %mul3A_56, %add3A_55 : i32
      %add3A_58 = arith.constant 0 : i32
      %add3A_59 = arith.addi %mul3A_57, %add3A_58 : i32
      %add3A_60 = arith.constant 32 : i32
      %add3A_61 = arith.addi %mul3A_5, %add3A_60 : i32
      %dma_start3A_62 = tpu.memref_slice %arg6[%add3A_55, %add3A_61] : memref<16x128xi32, #tpu.memory_space<vmem>> -> memref<1x32xi32, #tpu.memory_space<vmem>>
      %dma_start3A_63 = tpu.memref_squeeze %dma_start3A_62 : memref<1x32xi32, #tpu.memory_space<vmem>> -> memref<32xi32, #tpu.memory_space<vmem>>
      %dma_start3A_64 = arith.constant 0 : i32
      %dma_start3A_65 = arith.constant 0 : i32
      %dma_start3A_66 = tpu.memref_slice %arg2[%dma_start3A_64, %dma_start3A_65] : memref<100000x512xf32, #tpu.memory_space<hbm>> -> memref<100000x512xf32, #tpu.memory_space<hbm>>
      tpu.enqueue_indirect_dma source(%dma_start3A_66 : memref<100000x512xf32, #tpu.memory_space<hbm>>) target(%arg9 : memref<32x512xf32, #tpu.memory_space<vmem>>) offsets(%dma_start3A_63 : memref<32xi32, #tpu.memory_space<vmem>>) semaphore(%arg13 : memref<!tpu.dma_semaphore, #tpu.memory_space<semaphore_mem>>)
      %add3A_67 = arith.constant 0 : i32
      %add3A_68 = arith.addi %mul3A_5, %add3A_67 : i32
      %dma_wait3A_69 = tpu.memref_slice %arg6[%add3A_55, %add3A_68] : memref<16x128xi32, #tpu.memory_space<vmem>> -> memref<1x32xi32, #tpu.memory_space<vmem>>
      %dma_wait3A_70 = tpu.memref_squeeze %dma_wait3A_69 : memref<1x32xi32, #tpu.memory_space<vmem>> -> memref<32xi32, #tpu.memory_space<vmem>>
      %dma_wait3A_71 = arith.constant 0 : i32
      %dma_wait3A_72 = arith.constant 0 : i32
      %dma_wait3A_73 = tpu.memref_slice %arg2[%dma_wait3A_71, %dma_wait3A_72] : memref<100000x512xf32, #tpu.memory_space<hbm>> -> memref<100000x512xf32, #tpu.memory_space<hbm>>
      tpu.wait_indirect_dma semaphore(%arg12 : memref<!tpu.dma_semaphore, #tpu.memory_space<semaphore_mem>>) src(%dma_wait3A_73 : memref<100000x512xf32, #tpu.memory_space<hbm>>) dst(%arg8 : memref<32x512xf32, #tpu.memory_space<vmem>>)
      %ge3A = arith.constant 2 : i32
      %ge3A_74 = arith.cmpi sge, %add3A_59, %ge3A : i32
      %convert_element_type3A = arith.extui %ge3A_74 : i1 to i32
      %cond3A = arith.constant 0 : i32
      %cond3A_75 = arith.cmpi ne, %convert_element_type3A, %cond3A : i32
      scf.if %cond3A_75 {
        %sub3A_121 = arith.constant 1 : i32
        %sub3A_122 = arith.subi %add3A_55, %sub3A_121 : i32
        %mul3A_123 = arith.constant 2048 : i32
        %mul3A_124 = arith.muli %sub3A_122, %mul3A_123 : i32
        %add3A_125 = arith.addi %mul3A_124, %mul3A_2 : i32
        %add3A_126 = arith.constant 0 : i32
        %add3A_127 = arith.addi %add3A_125, %add3A_126 : i32
        %dma_wait3A_128 = arith.constant 0 : i32
        %dma_wait3A_129 = tpu.memref_slice %arg5[%add3A_127, %dma_wait3A_128] : memref<32768x512xf32, #tpu.memory_space<hbm>> -> memref<32x512xf32, #tpu.memory_space<hbm>>
        %dma_wait3A_130 = arith.constant 0 : i32
        %dma_wait3A_131 = tpu.memref_slice %arg5[%add3A_127, %dma_wait3A_130] : memref<32768x512xf32, #tpu.memory_space<hbm>> -> memref<32x512xf32, #tpu.memory_space<hbm>>
        tpu.wait_dma2 semaphore(%arg14 : memref<!tpu.dma_semaphore, #tpu.memory_space<semaphore_mem>>) src(%arg10 : memref<32x512xf32, #tpu.memory_space<vmem>>) dst(%dma_wait3A_131 : memref<32x512xf32, #tpu.memory_space<hbm>>)
      } else {
      }
      %parallel_loop3A = arith.constant 0 : i32
      %parallel_loop3A_76 = arith.constant 32 : i32
      %parallel_loop3A_77 = arith.constant 1 : i32
      scf.for %parallel_loop3A_121 = %parallel_loop3A to %parallel_loop3A_76 step %parallel_loop3A_77  : i32 {
        %parallel_loop3A_122 = arith.index_cast %parallel_loop3A_121 : i32 to index
        %parallel_loop3A_123 = arith.constant 0 : index
        %parallel_loop3A_124 = tpu.vector_load %arg8[%parallel_loop3A_122, %parallel_loop3A_123] {strides = array<i32>} : memref<32x512xf32, #tpu.memory_space<vmem>>, vector<1x16xf32>,
        %parallel_loop3A_125 = vector.shape_cast %parallel_loop3A_124 : vector<1x16xf32> to vector<16xf32>
        %parallel_loop3A_126 = arith.constant 22.6274166 : f32
        %parallel_loop3A_127 = vector.broadcast %parallel_loop3A_126 : f32 to vector<16xf32>
        %parallel_loop3A_128 = arith.mulf %parallel_loop3A_125, %parallel_loop3A_127 : vector<16xf32>
        %parallel_loop3A_129 = arith.constant 0 : i32
        %parallel_loop3A_130 = arith.addi %parallel_loop3A_129, %parallel_loop3A_121 : i32
        %parallel_loop3A_131 = arith.index_cast %parallel_loop3A_130 : i32 to index
        %parallel_loop3A_132 = arith.constant 0 : index
        %parallel_loop3A_133 = tpu.vector_load %arg7[%parallel_loop3A_131, %parallel_loop3A_132] {strides = array<i32>} : memref<64x512xf32, #tpu.memory_space<vmem>>, vector<1x16xf32>,
        %parallel_loop3A_134 = vector.shape_cast %parallel_loop3A_133 : vector<1x16xf32> to vector<16xf32>
        %parallel_loop3A_135 = arith.addf %parallel_loop3A_128, %parallel_loop3A_134 : vector<16xf32>
        %parallel_loop3A_136 = arith.index_cast %parallel_loop3A_121 : i32 to index
        %parallel_loop3A_137 = arith.constant 0 : index
        %parallel_loop3A_138 = tpu.vector_load %arg10[%parallel_loop3A_136, %parallel_loop3A_137] {strides = array<i32>} : memref<32x512xf32, #tpu.memory_space<vmem>>, vector<1x16xf32>,
        %parallel_loop3A_139 = vector.shape_cast %parallel_loop3A_138 : vector<1x16xf32> to vector<16xf32>
        %parallel_loop3A_140 = vector.shape_cast %parallel_loop3A_135 : vector<16xf32> to vector<1x16xf32>
        tpu.vector_store %arg10[%parallel_loop3A_136, %parallel_loop3A_137], %parallel_loop3A_140 {strides = array<i32>} : memref<32x512xf32, #tpu.memory_space<vmem>>, vector<1x16xf32>,
        %parallel_loop3A_141 = arith.index_cast %parallel_loop3A_121 : i32 to index
        %parallel_loop3A_142 = arith.constant 16 : index
        %parallel_loop3A_143 = tpu.vector_load %arg8[%parallel_loop3A_141, %parallel_loop3A_142] {strides = array<i32>} : memref<32x512xf32, #tpu.memory_space<vmem>>, vector<1x16xf32>,
        %parallel_loop3A_144 = vector.shape_cast %parallel_loop3A_143 : vector<1x16xf32> to vector<16xf32>
        %parallel_loop3A_145 = arith.constant 22.6274166 : f32
        %parallel_loop3A_146 = vector.broadcast %parallel_loop3A_145 : f32 to vector<16xf32>
        %parallel_loop3A_147 = arith.mulf %parallel_loop3A_144, %parallel_loop3A_146 : vector<16xf32>
        %parallel_loop3A_148 = arith.constant 0 : i32
        %parallel_loop3A_149 = arith.addi %parallel_loop3A_148, %parallel_loop3A_121 : i32
        %parallel_loop3A_150 = arith.index_cast %parallel_loop3A_149 : i32 to index
        %parallel_loop3A_151 = arith.constant 16 : index
        %parallel_loop3A_152 = tpu.vector_load %arg7[%parallel_loop3A_150, %parallel_loop3A_151] {strides = array<i32>} : memref<64x512xf32, #tpu.memory_space<vmem>>, vector<1x16xf32>,
        %parallel_loop3A_153 = vector.shape_cast %parallel_loop3A_152 : vector<1x16xf32> to vector<16xf32>
        %parallel_loop3A_154 = arith.addf %parallel_loop3A_147, %parallel_loop3A_153 : vector<16xf32>
        %parallel_loop3A_155 = arith.index_cast %parallel_loop3A_121 : i32 to index
        %parallel_loop3A_156 = arith.constant 16 : index
        %parallel_loop3A_157 = tpu.vector_load %arg10[%parallel_loop3A_155, %parallel_loop3A_156] {strides = array<i32>} : memref<32x512xf32, #tpu.memory_space<vmem>>, vector<1x16xf32>,
        %parallel_loop3A_158 = vector.shape_cast %parallel_loop3A_157 : vector<1x16xf32> to vector<16xf32>
        %parallel_loop3A_159 = vector.shape_cast %parallel_loop3A_154 : vector<16xf32> to vector<1x16xf32>
        tpu.vector_store %arg10[%parallel_loop3A_155, %parallel_loop3A_156], %parallel_loop3A_159 {strides = array<i32>} : memref<32x512xf32, #tpu.memory_space<vmem>>, vector<1x16xf32>,
        %parallel_loop3A_160 = arith.index_cast %parallel_loop3A_121 : i32 to index
        %parallel_loop3A_161 = arith.constant 32 : index
        %parallel_loop3A_162 = tpu.vector_load %arg8[%parallel_loop3A_160, %parallel_loop3A_161] {strides = array<i32>} : memref<32x512xf32, #tpu.memory_space<vmem>>, vector<1x16xf32>,
        %parallel_loop3A_163 = vector.shape_cast %parallel_loop3A_162 : vector<1x16xf32> to vector<16xf32>
        %parallel_loop3A_164 = arith.constant 22.6274166 : f32
        %parallel_loop3A_165 = vector.broadcast %parallel_loop3A_164 : f32 to vector<16xf32>
        %parallel_loop3A_166 = arith.mulf %parallel_loop3A_163, %parallel_loop3A_165 : vector<16xf32>
        %parallel_loop3A_167 = arith.constant 0 : i32
        %parallel_loop3A_168 = arith.addi %parallel_loop3A_167, %parallel_loop3A_121 : i32
        %parallel_loop3A_169 = arith.index_cast %parallel_loop3A_168 : i32 to index
        %parallel_loop3A_170 = arith.constant 32 : index
        %parallel_loop3A_171 = tpu.vector_load %arg7[%parallel_loop3A_169, %parallel_loop3A_170] {strides = array<i32>} : memref<64x512xf32, #tpu.memory_space<vmem>>, vector<1x16xf32>,
        %parallel_loop3A_172 = vector.shape_cast %parallel_loop3A_171 : vector<1x16xf32> to vector<16xf32>
        %parallel_loop3A_173 = arith.addf %parallel_loop3A_166, %parallel_loop3A_172 : vector<16xf32>
        %parallel_loop3A_174 = arith.index_cast %parallel_loop3A_121 : i32 to index
        %parallel_loop3A_175 = arith.constant 32 : index
        %parallel_loop3A_176 = tpu.vector_load %arg10[%parallel_loop3A_174, %parallel_loop3A_175] {strides = array<i32>} : memref<32x512xf32, #tpu.memory_space<vmem>>, vector<1x16xf32>,
        %parallel_loop3A_177 = vector.shape_cast %parallel_loop3A_176 : vector<1x16xf32> to vector<16xf32>
        %parallel_loop3A_178 = vector.shape_cast %parallel_loop3A_173 : vector<16xf32> to vector<1x16xf32>
        tpu.vector_store %arg10[%parallel_loop3A_174, %parallel_loop3A_175], %parallel_loop3A_178 {strides = array<i32>} : memref<32x512xf32, #tpu.memory_space<vmem>>, vector<1x16xf32>,
        %parallel_loop3A_179 = arith.index_cast %parallel_loop3A_121 : i32 to index
        %parallel_loop3A_180 = arith.constant 48 : index
        %parallel_loop3A_181 = tpu.vector_load %arg8[%parallel_loop3A_179, %parallel_loop3A_180] {strides = array<i32>} : memref<32x512xf32, #tpu.memory_space<vmem>>, vector<1x16xf32>,
        %parallel_loop3A_182 = vector.shape_cast %parallel_loop3A_181 : vector<1x16xf32> to vector<16xf32>
        %parallel_loop3A_183 = arith.constant 22.6274166 : f32
        %parallel_loop3A_184 = vector.broadcast %parallel_loop3A_183 : f32 to vector<16xf32>
        %parallel_loop3A_185 = arith.mulf %parallel_loop3A_182, %parallel_loop3A_184 : vector<16xf32>
        %parallel_loop3A_186 = arith.constant 0 : i32
        %parallel_loop3A_187 = arith.addi %parallel_loop3A_186, %parallel_loop3A_121 : i32
        %parallel_loop3A_188 = arith.index_cast %parallel_loop3A_187 : i32 to index
        %parallel_loop3A_189 = arith.constant 48 : index
        %parallel_loop3A_190 = tpu.vector_load %arg7[%parallel_loop3A_188, %parallel_loop3A_189] {strides = array<i32>} : memref<64x512xf32, #tpu.memory_space<vmem>>, vector<1x16xf32>,
        %parallel_loop3A_191 = vector.shape_cast %parallel_loop3A_190 : vector<1x16xf32> to vector<16xf32>
        %parallel_loop3A_192 = arith.addf %parallel_loop3A_185, %parallel_loop3A_191 : vector<16xf32>
        %parallel_loop3A_193 = arith.index_cast %parallel_loop3A_121 : i32 to index
        %parallel_loop3A_194 = arith.constant 48 : index
        %parallel_loop3A_195 = tpu.vector_load %arg10[%parallel_loop3A_193, %parallel_loop3A_194] {strides = array<i32>} : memref<32x512xf32, #tpu.memory_space<vmem>>, vector<1x16xf32>,
        %parallel_loop3A_196 = vector.shape_cast %parallel_loop3A_195 : vector<1x16xf32> to vector<16xf32>
        %parallel_loop3A_197 = vector.shape_cast %parallel_loop3A_192 : vector<16xf32> to vector<1x16xf32>
        tpu.vector_store %arg10[%parallel_loop3A_193, %parallel_loop3A_194], %parallel_loop3A_197 {strides = array<i32>} : memref<32x512xf32, #tpu.memory_space<vmem>>, vector<1x16xf32>,
        %parallel_loop3A_198 = arith.index_cast %parallel_loop3A_121 : i32 to index
        %parallel_loop3A_199 = arith.constant 64 : index
        %parallel_loop3A_200 = tpu.vector_load %arg8[%parallel_loop3A_198, %parallel_loop3A_199] {strides = array<i32>} : memref<32x512xf32, #tpu.memory_space<vmem>>, vector<1x16xf32>,
        %parallel_loop3A_201 = vector.shape_cast %parallel_loop3A_200 : vector<1x16xf32> to vector<16xf32>
        %parallel_loop3A_202 = arith.constant 22.6274166 : f32
        %parallel_loop3A_203 = vector.broadcast %parallel_loop3A_202 : f32 to vector<16xf32>
        %parallel_loop3A_204 = arith.mulf %parallel_loop3A_201, %parallel_loop3A_203 : vector<16xf32>
        %parallel_loop3A_205 = arith.constant 0 : i32
        %parallel_loop3A_206 = arith.addi %parallel_loop3A_205, %parallel_loop3A_121 : i32
        %parallel_loop3A_207 = arith.index_cast %parallel_loop3A_206 : i32 to index
        %parallel_loop3A_208 = arith.constant 64 : index
        %parallel_loop3A_209 = tpu.vector_load %arg7[%parallel_loop3A_207, %parallel_loop3A_208] {strides = array<i32>} : memref<64x512xf32, #tpu.memory_space<vmem>>, vector<1x16xf32>,
        %parallel_loop3A_210 = vector.shape_cast %parallel_loop3A_209 : vector<1x16xf32> to vector<16xf32>
        %parallel_loop3A_211 = arith.addf %parallel_loop3A_204, %parallel_loop3A_210 : vector<16xf32>
        %parallel_loop3A_212 = arith.index_cast %parallel_loop3A_121 : i32 to index
        %parallel_loop3A_213 = arith.constant 64 : index
        %parallel_loop3A_214 = tpu.vector_load %arg10[%parallel_loop3A_212, %parallel_loop3A_213] {strides = array<i32>} : memref<32x512xf32, #tpu.memory_space<vmem>>, vector<1x16xf32>,
        %parallel_loop3A_215 = vector.shape_cast %parallel_loop3A_214 : vector<1x16xf32> to vector<16xf32>
        %parallel_loop3A_216 = vector.shape_cast %parallel_loop3A_211 : vector<16xf32> to vector<1x16xf32>
        tpu.vector_store %arg10[%parallel_loop3A_212, %parallel_loop3A_213], %parallel_loop3A_216 {strides = array<i32>} : memref<32x512xf32, #tpu.memory_space<vmem>>, vector<1x16xf32>,
        %parallel_loop3A_217 = arith.index_cast %parallel_loop3A_121 : i32 to index
        %parallel_loop3A_218 = arith.constant 80 : index
        %parallel_loop3A_219 = tpu.vector_load %arg8[%parallel_loop3A_217, %parallel_loop3A_218] {strides = array<i32>} : memref<32x512xf32, #tpu.memory_space<vmem>>, vector<1x16xf32>,
        %parallel_loop3A_220 = vector.shape_cast %parallel_loop3A_219 : vector<1x16xf32> to vector<16xf32>
        %parallel_loop3A_221 = arith.constant 22.6274166 : f32
        %parallel_loop3A_222 = vector.broadcast %parallel_loop3A_221 : f32 to vector<16xf32>
        %parallel_loop3A_223 = arith.mulf %parallel_loop3A_220, %parallel_loop3A_222 : vector<16xf32>
        %parallel_loop3A_224 = arith.constant 0 : i32
        %parallel_loop3A_225 = arith.addi %parallel_loop3A_224, %parallel_loop3A_121 : i32
        %parallel_loop3A_226 = arith.index_cast %parallel_loop3A_225 : i32 to index
        %parallel_loop3A_227 = arith.constant 80 : index
        %parallel_loop3A_228 = tpu.vector_load %arg7[%parallel_loop3A_226, %parallel_loop3A_227] {strides = array<i32>} : memref<64x512xf32, #tpu.memory_space<vmem>>, vector<1x16xf32>,
        %parallel_loop3A_229 = vector.shape_cast %parallel_loop3A_228 : vector<1x16xf32> to vector<16xf32>
        %parallel_loop3A_230 = arith.addf %parallel_loop3A_223, %parallel_loop3A_229 : vector<16xf32>
        %parallel_loop3A_231 = arith.index_cast %parallel_loop3A_121 : i32 to index
        %parallel_loop3A_232 = arith.constant 80 : index
        %parallel_loop3A_233 = tpu.vector_load %arg10[%parallel_loop3A_231, %parallel_loop3A_232] {strides = array<i32>} : memref<32x512xf32, #tpu.memory_space<vmem>>, vector<1x16xf32>,
        %parallel_loop3A_234 = vector.shape_cast %parallel_loop3A_233 : vector<1x16xf32> to vector<16xf32>
        %parallel_loop3A_235 = vector.shape_cast %parallel_loop3A_230 : vector<16xf32> to vector<1x16xf32>
        tpu.vector_store %arg10[%parallel_loop3A_231, %parallel_loop3A_232], %parallel_loop3A_235 {strides = array<i32>} : memref<32x512xf32, #tpu.memory_space<vmem>>, vector<1x16xf32>,
        %parallel_loop3A_236 = arith.index_cast %parallel_loop3A_121 : i32 to index
        %parallel_loop3A_237 = arith.constant 96 : index
        %parallel_loop3A_238 = tpu.vector_load %arg8[%parallel_loop3A_236, %parallel_loop3A_237] {strides = array<i32>} : memref<32x512xf32, #tpu.memory_space<vmem>>, vector<1x16xf32>,
        %parallel_loop3A_239 = vector.shape_cast %parallel_loop3A_238 : vector<1x16xf32> to vector<16xf32>
        %parallel_loop3A_240 = arith.constant 22.6274166 : f32
        %parallel_loop3A_241 = vector.broadcast %parallel_loop3A_240 : f32 to vector<16xf32>
        %parallel_loop3A_242 = arith.mulf %parallel_loop3A_239, %parallel_loop3A_241 : vector<16xf32>
        %parallel_loop3A_243 = arith.constant 0 : i32
        %parallel_loop3A_244 = arith.addi %parallel_loop3A_243, %parallel_loop3A_121 : i32
        %parallel_loop3A_245 = arith.index_cast %parallel_loop3A_244 : i32 to index
        %parallel_loop3A_246 = arith.constant 96 : index
        %parallel_loop3A_247 = tpu.vector_load %arg7[%parallel_loop3A_245, %parallel_loop3A_246] {strides = array<i32>} : memref<64x512xf32, #tpu.memory_space<vmem>>, vector<1x16xf32>,
        %parallel_loop3A_248 = vector.shape_cast %parallel_loop3A_247 : vector<1x16xf32> to vector<16xf32>
        %parallel_loop3A_249 = arith.addf %parallel_loop3A_242, %parallel_loop3A_248 : vector<16xf32>
        %parallel_loop3A_250 = arith.index_cast %parallel_loop3A_121 : i32 to index
        %parallel_loop3A_251 = arith.constant 96 : index
        %parallel_loop3A_252 = tpu.vector_load %arg10[%parallel_loop3A_250, %parallel_loop3A_251] {strides = array<i32>} : memref<32x512xf32, #tpu.memory_space<vmem>>, vector<1x16xf32>,
        %parallel_loop3A_253 = vector.shape_cast %parallel_loop3A_252 : vector<1x16xf32> to vector<16xf32>
        %parallel_loop3A_254 = vector.shape_cast %parallel_loop3A_249 : vector<16xf32> to vector<1x16xf32>
        tpu.vector_store %arg10[%parallel_loop3A_250, %parallel_loop3A_251], %parallel_loop3A_254 {strides = array<i32>} : memref<32x512xf32, #tpu.memory_space<vmem>>, vector<1x16xf32>,
        %parallel_loop3A_255 = arith.index_cast %parallel_loop3A_121 : i32 to index
        %parallel_loop3A_256 = arith.constant 112 : index
        %parallel_loop3A_257 = tpu.vector_load %arg8[%parallel_loop3A_255, %parallel_loop3A_256] {strides = array<i32>} : memref<32x512xf32, #tpu.memory_space<vmem>>, vector<1x16xf32>,
        %parallel_loop3A_258 = vector.shape_cast %parallel_loop3A_257 : vector<1x16xf32> to vector<16xf32>
        %parallel_loop3A_259 = arith.constant 22.6274166 : f32
        %parallel_loop3A_260 = vector.broadcast %parallel_loop3A_259 : f32 to vector<16xf32>
        %parallel_loop3A_261 = arith.mulf %parallel_loop3A_258, %parallel_loop3A_260 : vector<16xf32>
        %parallel_loop3A_262 = arith.constant 0 : i32
        %parallel_loop3A_263 = arith.addi %parallel_loop3A_262, %parallel_loop3A_121 : i32
        %parallel_loop3A_264 = arith.index_cast %parallel_loop3A_263 : i32 to index
        %parallel_loop3A_265 = arith.constant 112 : index
        %parallel_loop3A_266 = tpu.vector_load %arg7[%parallel_loop3A_264, %parallel_loop3A_265] {strides = array<i32>} : memref<64x512xf32, #tpu.memory_space<vmem>>, vector<1x16xf32>,
        %parallel_loop3A_267 = vector.shape_cast %parallel_loop3A_266 : vector<1x16xf32> to vector<16xf32>
        %parallel_loop3A_268 = arith.addf %parallel_loop3A_261, %parallel_loop3A_267 : vector<16xf32>
        %parallel_loop3A_269 = arith.index_cast %parallel_loop3A_121 : i32 to index
        %parallel_loop3A_270 = arith.constant 112 : index
        %parallel_loop3A_271 = tpu.vector_load %arg10[%parallel_loop3A_269, %parallel_loop3A_270] {strides = array<i32>} : memref<32x512xf32, #tpu.memory_space<vmem>>, vector<1x16xf32>,
        %parallel_loop3A_272 = vector.shape_cast %parallel_loop3A_271 : vector<1x16xf32> to vector<16xf32>
        %parallel_loop3A_273 = vector.shape_cast %parallel_loop3A_268 : vector<16xf32> to vector<1x16xf32>
        tpu.vector_store %arg10[%parallel_loop3A_269, %parallel_loop3A_270], %parallel_loop3A_273 {strides = array<i32>} : memref<32x512xf32, #tpu.memory_space<vmem>>, vector<1x16xf32>,
        %parallel_loop3A_274 = arith.index_cast %parallel_loop3A_121 : i32 to index
        %parallel_loop3A_275 = arith.constant 128 : index
        %parallel_loop3A_276 = tpu.vector_load %arg8[%parallel_loop3A_274, %parallel_loop3A_275] {strides = array<i32>} : memref<32x512xf32, #tpu.memory_space<vmem>>, vector<1x16xf32>,
        %parallel_loop3A_277 = vector.shape_cast %parallel_loop3A_276 : vector<1x16xf32> to vector<16xf32>
        %parallel_loop3A_278 = arith.constant 22.6274166 : f32
        %parallel_loop3A_279 = vector.broadcast %parallel_loop3A_278 : f32 to vector<16xf32>
        %parallel_loop3A_280 = arith.mulf %parallel_loop3A_277, %parallel_loop3A_279 : vector<16xf32>
        %parallel_loop3A_281 = arith.constant 0 : i32
        %parallel_loop3A_282 = arith.addi %parallel_loop3A_281, %parallel_loop3A_121 : i32
        %parallel_loop3A_283 = arith.index_cast %parallel_loop3A_282 : i32 to index
        %parallel_loop3A_284 = arith.constant 128 : index
        %parallel_loop3A_285 = tpu.vector_load %arg7[%parallel_loop3A_283, %parallel_loop3A_284] {strides = array<i32>} : memref<64x512xf32, #tpu.memory_space<vmem>>, vector<1x16xf32>,
        %parallel_loop3A_286 = vector.shape_cast %parallel_loop3A_285 : vector<1x16xf32> to vector<16xf32>
        %parallel_loop3A_287 = arith.addf %parallel_loop3A_280, %parallel_loop3A_286 : vector<16xf32>
        %parallel_loop3A_288 = arith.index_cast %parallel_loop3A_121 : i32 to index
        %parallel_loop3A_289 = arith.constant 128 : index
        %parallel_loop3A_290 = tpu.vector_load %arg10[%parallel_loop3A_288, %parallel_loop3A_289] {strides = array<i32>} : memref<32x512xf32, #tpu.memory_space<vmem>>, vector<1x16xf32>,
        %parallel_loop3A_291 = vector.shape_cast %parallel_loop3A_290 : vector<1x16xf32> to vector<16xf32>
        %parallel_loop3A_292 = vector.shape_cast %parallel_loop3A_287 : vector<16xf32> to vector<1x16xf32>
        tpu.vector_store %arg10[%parallel_loop3A_288, %parallel_loop3A_289], %parallel_loop3A_292 {strides = array<i32>} : memref<32x512xf32, #tpu.memory_space<vmem>>, vector<1x16xf32>,
        %parallel_loop3A_293 = arith.index_cast %parallel_loop3A_121 : i32 to index
        %parallel_loop3A_294 = arith.constant 144 : index
        %parallel_loop3A_295 = tpu.vector_load %arg8[%parallel_loop3A_293, %parallel_loop3A_294] {strides = array<i32>} : memref<32x512xf32, #tpu.memory_space<vmem>>, vector<1x16xf32>,
        %parallel_loop3A_296 = vector.shape_cast %parallel_loop3A_295 : vector<1x16xf32> to vector<16xf32>
        %parallel_loop3A_297 = arith.constant 22.6274166 : f32
        %parallel_loop3A_298 = vector.broadcast %parallel_loop3A_297 : f32 to vector<16xf32>
        %parallel_loop3A_299 = arith.mulf %parallel_loop3A_296, %parallel_loop3A_298 : vector<16xf32>
        %parallel_loop3A_300 = arith.constant 0 : i32
        %parallel_loop3A_301 = arith.addi %parallel_loop3A_300, %parallel_loop3A_121 : i32
        %parallel_loop3A_302 = arith.index_cast %parallel_loop3A_301 : i32 to index
        %parallel_loop3A_303 = arith.constant 144 : index
        %parallel_loop3A_304 = tpu.vector_load %arg7[%parallel_loop3A_302, %parallel_loop3A_303] {strides = array<i32>} : memref<64x512xf32, #tpu.memory_space<vmem>>, vector<1x16xf32>,
        %parallel_loop3A_305 = vector.shape_cast %parallel_loop3A_304 : vector<1x16xf32> to vector<16xf32>
        %parallel_loop3A_306 = arith.addf %parallel_loop3A_299, %parallel_loop3A_305 : vector<16xf32>
        %parallel_loop3A_307 = arith.index_cast %parallel_loop3A_121 : i32 to index
        %parallel_loop3A_308 = arith.constant 144 : index
        %parallel_loop3A_309 = tpu.vector_load %arg10[%parallel_loop3A_307, %parallel_loop3A_308] {strides = array<i32>} : memref<32x512xf32, #tpu.memory_space<vmem>>, vector<1x16xf32>,
        %parallel_loop3A_310 = vector.shape_cast %parallel_loop3A_309 : vector<1x16xf32> to vector<16xf32>
        %parallel_loop3A_311 = vector.shape_cast %parallel_loop3A_306 : vector<16xf32> to vector<1x16xf32>
        tpu.vector_store %arg10[%parallel_loop3A_307, %parallel_loop3A_308], %parallel_loop3A_311 {strides = array<i32>} : memref<32x512xf32, #tpu.memory_space<vmem>>, vector<1x16xf32>,
        %parallel_loop3A_312 = arith.index_cast %parallel_loop3A_121 : i32 to index
        %parallel_loop3A_313 = arith.constant 160 : index
        %parallel_loop3A_314 = tpu.vector_load %arg8[%parallel_loop3A_312, %parallel_loop3A_313] {strides = array<i32>} : memref<32x512xf32, #tpu.memory_space<vmem>>, vector<1x16xf32>,
        %parallel_loop3A_315 = vector.shape_cast %parallel_loop3A_314 : vector<1x16xf32> to vector<16xf32>
        %parallel_loop3A_316 = arith.constant 22.6274166 : f32
        %parallel_loop3A_317 = vector.broadcast %parallel_loop3A_316 : f32 to vector<16xf32>
        %parallel_loop3A_318 = arith.mulf %parallel_loop3A_315, %parallel_loop3A_317 : vector<16xf32>
        %parallel_loop3A_319 = arith.constant 0 : i32
        %parallel_loop3A_320 = arith.addi %parallel_loop3A_319, %parallel_loop3A_121 : i32
        %parallel_loop3A_321 = arith.index_cast %parallel_loop3A_320 : i32 to index
        %parallel_loop3A_322 = arith.constant 160 : index
        %parallel_loop3A_323 = tpu.vector_load %arg7[%parallel_loop3A_321, %parallel_loop3A_322] {strides = array<i32>} : memref<64x512xf32, #tpu.memory_space<vmem>>, vector<1x16xf32>,
        %parallel_loop3A_324 = vector.shape_cast %parallel_loop3A_323 : vector<1x16xf32> to vector<16xf32>
        %parallel_loop3A_325 = arith.addf %parallel_loop3A_318, %parallel_loop3A_324 : vector<16xf32>
        %parallel_loop3A_326 = arith.index_cast %parallel_loop3A_121 : i32 to index
        %parallel_loop3A_327 = arith.constant 160 : index
        %parallel_loop3A_328 = tpu.vector_load %arg10[%parallel_loop3A_326, %parallel_loop3A_327] {strides = array<i32>} : memref<32x512xf32, #tpu.memory_space<vmem>>, vector<1x16xf32>,
        %parallel_loop3A_329 = vector.shape_cast %parallel_loop3A_328 : vector<1x16xf32> to vector<16xf32>
        %parallel_loop3A_330 = vector.shape_cast %parallel_loop3A_325 : vector<16xf32> to vector<1x16xf32>
        tpu.vector_store %arg10[%parallel_loop3A_326, %parallel_loop3A_327], %parallel_loop3A_330 {strides = array<i32>} : memref<32x512xf32, #tpu.memory_space<vmem>>, vector<1x16xf32>,
        %parallel_loop3A_331 = arith.index_cast %parallel_loop3A_121 : i32 to index
        %parallel_loop3A_332 = arith.constant 176 : index
        %parallel_loop3A_333 = tpu.vector_load %arg8[%parallel_loop3A_331, %parallel_loop3A_332] {strides = array<i32>} : memref<32x512xf32, #tpu.memory_space<vmem>>, vector<1x16xf32>,
        %parallel_loop3A_334 = vector.shape_cast %parallel_loop3A_333 : vector<1x16xf32> to vector<16xf32>
        %parallel_loop3A_335 = arith.constant 22.6274166 : f32
        %parallel_loop3A_336 = vector.broadcast %parallel_loop3A_335 : f32 to vector<16xf32>
        %parallel_loop3A_337 = arith.mulf %parallel_loop3A_334, %parallel_loop3A_336 : vector<16xf32>
        %parallel_loop3A_338 = arith.constant 0 : i32
        %parallel_loop3A_339 = arith.addi %parallel_loop3A_338, %parallel_loop3A_121 : i32
        %parallel_loop3A_340 = arith.index_cast %parallel_loop3A_339 : i32 to index
        %parallel_loop3A_341 = arith.constant 176 : index
        %parallel_loop3A_342 = tpu.vector_load %arg7[%parallel_loop3A_340, %parallel_loop3A_341] {strides = array<i32>} : memref<64x512xf32, #tpu.memory_space<vmem>>, vector<1x16xf32>,
        %parallel_loop3A_343 = vector.shape_cast %parallel_loop3A_342 : vector<1x16xf32> to vector<16xf32>
        %parallel_loop3A_344 = arith.addf %parallel_loop3A_337, %parallel_loop3A_343 : vector<16xf32>
        %parallel_loop3A_345 = arith.index_cast %parallel_loop3A_121 : i32 to index
        %parallel_loop3A_346 = arith.constant 176 : index
        %parallel_loop3A_347 = tpu.vector_load %arg10[%parallel_loop3A_345, %parallel_loop3A_346] {strides = array<i32>} : memref<32x512xf32, #tpu.memory_space<vmem>>, vector<1x16xf32>,
        %parallel_loop3A_348 = vector.shape_cast %parallel_loop3A_347 : vector<1x16xf32> to vector<16xf32>
        %parallel_loop3A_349 = vector.shape_cast %parallel_loop3A_344 : vector<16xf32> to vector<1x16xf32>
        tpu.vector_store %arg10[%parallel_loop3A_345, %parallel_loop3A_346], %parallel_loop3A_349 {strides = array<i32>} : memref<32x512xf32, #tpu.memory_space<vmem>>, vector<1x16xf32>,
        %parallel_loop3A_350 = arith.index_cast %parallel_loop3A_121 : i32 to index
        %parallel_loop3A_351 = arith.constant 192 : index
        %parallel_loop3A_352 = tpu.vector_load %arg8[%parallel_loop3A_350, %parallel_loop3A_351] {strides = array<i32>} : memref<32x512xf32, #tpu.memory_space<vmem>>, vector<1x16xf32>,
        %parallel_loop3A_353 = vector.shape_cast %parallel_loop3A_352 : vector<1x16xf32> to vector<16xf32>
        %parallel_loop3A_354 = arith.constant 22.6274166 : f32
        %parallel_loop3A_355 = vector.broadcast %parallel_loop3A_354 : f32 to vector<16xf32>
        %parallel_loop3A_356 = arith.mulf %parallel_loop3A_353, %parallel_loop3A_355 : vector<16xf32>
        %parallel_loop3A_357 = arith.constant 0 : i32
        %parallel_loop3A_358 = arith.addi %parallel_loop3A_357, %parallel_loop3A_121 : i32
        %parallel_loop3A_359 = arith.index_cast %parallel_loop3A_358 : i32 to index
        %parallel_loop3A_360 = arith.constant 192 : index
        %parallel_loop3A_361 = tpu.vector_load %arg7[%parallel_loop3A_359, %parallel_loop3A_360] {strides = array<i32>} : memref<64x512xf32, #tpu.memory_space<vmem>>, vector<1x16xf32>,
        %parallel_loop3A_362 = vector.shape_cast %parallel_loop3A_361 : vector<1x16xf32> to vector<16xf32>
        %parallel_loop3A_363 = arith.addf %parallel_loop3A_356, %parallel_loop3A_362 : vector<16xf32>
        %parallel_loop3A_364 = arith.index_cast %parallel_loop3A_121 : i32 to index
        %parallel_loop3A_365 = arith.constant 192 : index
        %parallel_loop3A_366 = tpu.vector_load %arg10[%parallel_loop3A_364, %parallel_loop3A_365] {strides = array<i32>} : memref<32x512xf32, #tpu.memory_space<vmem>>, vector<1x16xf32>,
        %parallel_loop3A_367 = vector.shape_cast %parallel_loop3A_366 : vector<1x16xf32> to vector<16xf32>
        %parallel_loop3A_368 = vector.shape_cast %parallel_loop3A_363 : vector<16xf32> to vector<1x16xf32>
        tpu.vector_store %arg10[%parallel_loop3A_364, %parallel_loop3A_365], %parallel_loop3A_368 {strides = array<i32>} : memref<32x512xf32, #tpu.memory_space<vmem>>, vector<1x16xf32>,
        %parallel_loop3A_369 = arith.index_cast %parallel_loop3A_121 : i32 to index
        %parallel_loop3A_370 = arith.constant 208 : index
        %parallel_loop3A_371 = tpu.vector_load %arg8[%parallel_loop3A_369, %parallel_loop3A_370] {strides = array<i32>} : memref<32x512xf32, #tpu.memory_space<vmem>>, vector<1x16xf32>,
        %parallel_loop3A_372 = vector.shape_cast %parallel_loop3A_371 : vector<1x16xf32> to vector<16xf32>
        %parallel_loop3A_373 = arith.constant 22.6274166 : f32
        %parallel_loop3A_374 = vector.broadcast %parallel_loop3A_373 : f32 to vector<16xf32>
        %parallel_loop3A_375 = arith.mulf %parallel_loop3A_372, %parallel_loop3A_374 : vector<16xf32>
        %parallel_loop3A_376 = arith.constant 0 : i32
        %parallel_loop3A_377 = arith.addi %parallel_loop3A_376, %parallel_loop3A_121 : i32
        %parallel_loop3A_378 = arith.index_cast %parallel_loop3A_377 : i32 to index
        %parallel_loop3A_379 = arith.constant 208 : index
        %parallel_loop3A_380 = tpu.vector_load %arg7[%parallel_loop3A_378, %parallel_loop3A_379] {strides = array<i32>} : memref<64x512xf32, #tpu.memory_space<vmem>>, vector<1x16xf32>,
        %parallel_loop3A_381 = vector.shape_cast %parallel_loop3A_380 : vector<1x16xf32> to vector<16xf32>
        %parallel_loop3A_382 = arith.addf %parallel_loop3A_375, %parallel_loop3A_381 : vector<16xf32>
        %parallel_loop3A_383 = arith.index_cast %parallel_loop3A_121 : i32 to index
        %parallel_loop3A_384 = arith.constant 208 : index
        %parallel_loop3A_385 = tpu.vector_load %arg10[%parallel_loop3A_383, %parallel_loop3A_384] {strides = array<i32>} : memref<32x512xf32, #tpu.memory_space<vmem>>, vector<1x16xf32>,
        %parallel_loop3A_386 = vector.shape_cast %parallel_loop3A_385 : vector<1x16xf32> to vector<16xf32>
        %parallel_loop3A_387 = vector.shape_cast %parallel_loop3A_382 : vector<16xf32> to vector<1x16xf32>
        tpu.vector_store %arg10[%parallel_loop3A_383, %parallel_loop3A_384], %parallel_loop3A_387 {strides = array<i32>} : memref<32x512xf32, #tpu.memory_space<vmem>>, vector<1x16xf32>,
        %parallel_loop3A_388 = arith.index_cast %parallel_loop3A_121 : i32 to index
        %parallel_loop3A_389 = arith.constant 224 : index
        %parallel_loop3A_390 = tpu.vector_load %arg8[%parallel_loop3A_388, %parallel_loop3A_389] {strides = array<i32>} : memref<32x512xf32, #tpu.memory_space<vmem>>, vector<1x16xf32>,
        %parallel_loop3A_391 = vector.shape_cast %parallel_loop3A_390 : vector<1x16xf32> to vector<16xf32>
        %parallel_loop3A_392 = arith.constant 22.6274166 : f32
        %parallel_loop3A_393 = vector.broadcast %parallel_loop3A_392 : f32 to vector<16xf32>
        %parallel_loop3A_394 = arith.mulf %parallel_loop3A_391, %parallel_loop3A_393 : vector<16xf32>
        %parallel_loop3A_395 = arith.constant 0 : i32
        %parallel_loop3A_396 = arith.addi %parallel_loop3A_395, %parallel_loop3A_121 : i32
        %parallel_loop3A_397 = arith.index_cast %parallel_loop3A_396 : i32 to index
        %parallel_loop3A_398 = arith.constant 224 : index
        %parallel_loop3A_399 = tpu.vector_load %arg7[%parallel_loop3A_397, %parallel_loop3A_398] {strides = array<i32>} : memref<64x512xf32, #tpu.memory_space<vmem>>, vector<1x16xf32>,
        %parallel_loop3A_400 = vector.shape_cast %parallel_loop3A_399 : vector<1x16xf32> to vector<16xf32>
        %parallel_loop3A_401 = arith.addf %parallel_loop3A_394, %parallel_loop3A_400 : vector<16xf32>
        %parallel_loop3A_402 = arith.index_cast %parallel_loop3A_121 : i32 to index
        %parallel_loop3A_403 = arith.constant 224 : index
        %parallel_loop3A_404 = tpu.vector_load %arg10[%parallel_loop3A_402, %parallel_loop3A_403] {strides = array<i32>} : memref<32x512xf32, #tpu.memory_space<vmem>>, vector<1x16xf32>,
        %parallel_loop3A_405 = vector.shape_cast %parallel_loop3A_404 : vector<1x16xf32> to vector<16xf32>
        %parallel_loop3A_406 = vector.shape_cast %parallel_loop3A_401 : vector<16xf32> to vector<1x16xf32>
        tpu.vector_store %arg10[%parallel_loop3A_402, %parallel_loop3A_403], %parallel_loop3A_406 {strides = array<i32>} : memref<32x512xf32, #tpu.memory_space<vmem>>, vector<1x16xf32>,
        %parallel_loop3A_407 = arith.index_cast %parallel_loop3A_121 : i32 to index
        %parallel_loop3A_408 = arith.constant 240 : index
        %parallel_loop3A_409 = tpu.vector_load %arg8[%parallel_loop3A_407, %parallel_loop3A_408] {strides = array<i32>} : memref<32x512xf32, #tpu.memory_space<vmem>>, vector<1x16xf32>,
        %parallel_loop3A_410 = vector.shape_cast %parallel_loop3A_409 : vector<1x16xf32> to vector<16xf32>
        %parallel_loop3A_411 = arith.constant 22.6274166 : f32
        %parallel_loop3A_412 = vector.broadcast %parallel_loop3A_411 : f32 to vector<16xf32>
        %parallel_loop3A_413 = arith.mulf %parallel_loop3A_410, %parallel_loop3A_412 : vector<16xf32>
        %parallel_loop3A_414 = arith.constant 0 : i32
        %parallel_loop3A_415 = arith.addi %parallel_loop3A_414, %parallel_loop3A_121 : i32
        %parallel_loop3A_416 = arith.index_cast %parallel_loop3A_415 : i32 to index
        %parallel_loop3A_417 = arith.constant 240 : index
        %parallel_loop3A_418 = tpu.vector_load %arg7[%parallel_loop3A_416, %parallel_loop3A_417] {strides = array<i32>} : memref<64x512xf32, #tpu.memory_space<vmem>>, vector<1x16xf32>,
        %parallel_loop3A_419 = vector.shape_cast %parallel_loop3A_418 : vector<1x16xf32> to vector<16xf32>
        %parallel_loop3A_420 = arith.addf %parallel_loop3A_413, %parallel_loop3A_419 : vector<16xf32>
        %parallel_loop3A_421 = arith.index_cast %parallel_loop3A_121 : i32 to index
        %parallel_loop3A_422 = arith.constant 240 : index
        %parallel_loop3A_423 = tpu.vector_load %arg10[%parallel_loop3A_421, %parallel_loop3A_422] {strides = array<i32>} : memref<32x512xf32, #tpu.memory_space<vmem>>, vector<1x16xf32>,
        %parallel_loop3A_424 = vector.shape_cast %parallel_loop3A_423 : vector<1x16xf32> to vector<16xf32>
        %parallel_loop3A_425 = vector.shape_cast %parallel_loop3A_420 : vector<16xf32> to vector<1x16xf32>
        tpu.vector_store %arg10[%parallel_loop3A_421, %parallel_loop3A_422], %parallel_loop3A_425 {strides = array<i32>} : memref<32x512xf32, #tpu.memory_space<vmem>>, vector<1x16xf32>,
        %parallel_loop3A_426 = arith.index_cast %parallel_loop3A_121 : i32 to index
        %parallel_loop3A_427 = arith.constant 256 : index
        %parallel_loop3A_428 = tpu.vector_load %arg8[%parallel_loop3A_426, %parallel_loop3A_427] {strides = array<i32>} : memref<32x512xf32, #tpu.memory_space<vmem>>, vector<1x16xf32>,
        %parallel_loop3A_429 = vector.shape_cast %parallel_loop3A_428 : vector<1x16xf32> to vector<16xf32>
        %parallel_loop3A_430 = arith.constant 22.6274166 : f32
        %parallel_loop3A_431 = vector.broadcast %parallel_loop3A_430 : f32 to vector<16xf32>
        %parallel_loop3A_432 = arith.mulf %parallel_loop3A_429, %parallel_loop3A_431 : vector<16xf32>
        %parallel_loop3A_433 = arith.constant 0 : i32
        %parallel_loop3A_434 = arith.addi %parallel_loop3A_433, %parallel_loop3A_121 : i32
        %parallel_loop3A_435 = arith.index_cast %parallel_loop3A_434 : i32 to index
        %parallel_loop3A_436 = arith.constant 256 : index
        %parallel_loop3A_437 = tpu.vector_load %arg7[%parallel_loop3A_435, %parallel_loop3A_436] {strides = array<i32>} : memref<64x512xf32, #tpu.memory_space<vmem>>, vector<1x16xf32>,
        %parallel_loop3A_438 = vector.shape_cast %parallel_loop3A_437 : vector<1x16xf32> to vector<16xf32>
        %parallel_loop3A_439 = arith.addf %parallel_loop3A_432, %parallel_loop3A_438 : vector<16xf32>
        %parallel_loop3A_440 = arith.index_cast %parallel_loop3A_121 : i32 to index
        %parallel_loop3A_441 = arith.constant 256 : index
        %parallel_loop3A_442 = tpu.vector_load %arg10[%parallel_loop3A_440, %parallel_loop3A_441] {strides = array<i32>} : memref<32x512xf32, #tpu.memory_space<vmem>>, vector<1x16xf32>,
        %parallel_loop3A_443 = vector.shape_cast %parallel_loop3A_442 : vector<1x16xf32> to vector<16xf32>
        %parallel_loop3A_444 = vector.shape_cast %parallel_loop3A_439 : vector<16xf32> to vector<1x16xf32>
        tpu.vector_store %arg10[%parallel_loop3A_440, %parallel_loop3A_441], %parallel_loop3A_444 {strides = array<i32>} : memref<32x512xf32, #tpu.memory_space<vmem>>, vector<1x16xf32>,
        %parallel_loop3A_445 = arith.index_cast %parallel_loop3A_121 : i32 to index
        %parallel_loop3A_446 = arith.constant 272 : index
        %parallel_loop3A_447 = tpu.vector_load %arg8[%parallel_loop3A_445, %parallel_loop3A_446] {strides = array<i32>} : memref<32x512xf32, #tpu.memory_space<vmem>>, vector<1x16xf32>,
        %parallel_loop3A_448 = vector.shape_cast %parallel_loop3A_447 : vector<1x16xf32> to vector<16xf32>
        %parallel_loop3A_449 = arith.constant 22.6274166 : f32
        %parallel_loop3A_450 = vector.broadcast %parallel_loop3A_449 : f32 to vector<16xf32>
        %parallel_loop3A_451 = arith.mulf %parallel_loop3A_448, %parallel_loop3A_450 : vector<16xf32>
        %parallel_loop3A_452 = arith.constant 0 : i32
        %parallel_loop3A_453 = arith.addi %parallel_loop3A_452, %parallel_loop3A_121 : i32
        %parallel_loop3A_454 = arith.index_cast %parallel_loop3A_453 : i32 to index
        %parallel_loop3A_455 = arith.constant 272 : index
        %parallel_loop3A_456 = tpu.vector_load %arg7[%parallel_loop3A_454, %parallel_loop3A_455] {strides = array<i32>} : memref<64x512xf32, #tpu.memory_space<vmem>>, vector<1x16xf32>,
        %parallel_loop3A_457 = vector.shape_cast %parallel_loop3A_456 : vector<1x16xf32> to vector<16xf32>
        %parallel_loop3A_458 = arith.addf %parallel_loop3A_451, %parallel_loop3A_457 : vector<16xf32>
        %parallel_loop3A_459 = arith.index_cast %parallel_loop3A_121 : i32 to index
        %parallel_loop3A_460 = arith.constant 272 : index
        %parallel_loop3A_461 = tpu.vector_load %arg10[%parallel_loop3A_459, %parallel_loop3A_460] {strides = array<i32>} : memref<32x512xf32, #tpu.memory_space<vmem>>, vector<1x16xf32>,
        %parallel_loop3A_462 = vector.shape_cast %parallel_loop3A_461 : vector<1x16xf32> to vector<16xf32>
        %parallel_loop3A_463 = vector.shape_cast %parallel_loop3A_458 : vector<16xf32> to vector<1x16xf32>
        tpu.vector_store %arg10[%parallel_loop3A_459, %parallel_loop3A_460], %parallel_loop3A_463 {strides = array<i32>} : memref<32x512xf32, #tpu.memory_space<vmem>>, vector<1x16xf32>,
        %parallel_loop3A_464 = arith.index_cast %parallel_loop3A_121 : i32 to index
        %parallel_loop3A_465 = arith.constant 288 : index
        %parallel_loop3A_466 = tpu.vector_load %arg8[%parallel_loop3A_464, %parallel_loop3A_465] {strides = array<i32>} : memref<32x512xf32, #tpu.memory_space<vmem>>, vector<1x16xf32>,
        %parallel_loop3A_467 = vector.shape_cast %parallel_loop3A_466 : vector<1x16xf32> to vector<16xf32>
        %parallel_loop3A_468 = arith.constant 22.6274166 : f32
        %parallel_loop3A_469 = vector.broadcast %parallel_loop3A_468 : f32 to vector<16xf32>
        %parallel_loop3A_470 = arith.mulf %parallel_loop3A_467, %parallel_loop3A_469 : vector<16xf32>
        %parallel_loop3A_471 = arith.constant 0 : i32
        %parallel_loop3A_472 = arith.addi %parallel_loop3A_471, %parallel_loop3A_121 : i32
        %parallel_loop3A_473 = arith.index_cast %parallel_loop3A_472 : i32 to index
        %parallel_loop3A_474 = arith.constant 288 : index
        %parallel_loop3A_475 = tpu.vector_load %arg7[%parallel_loop3A_473, %parallel_loop3A_474] {strides = array<i32>} : memref<64x512xf32, #tpu.memory_space<vmem>>, vector<1x16xf32>,
        %parallel_loop3A_476 = vector.shape_cast %parallel_loop3A_475 : vector<1x16xf32> to vector<16xf32>
        %parallel_loop3A_477 = arith.addf %parallel_loop3A_470, %parallel_loop3A_476 : vector<16xf32>
        %parallel_loop3A_478 = arith.index_cast %parallel_loop3A_121 : i32 to index
        %parallel_loop3A_479 = arith.constant 288 : index
        %parallel_loop3A_480 = tpu.vector_load %arg10[%parallel_loop3A_478, %parallel_loop3A_479] {strides = array<i32>} : memref<32x512xf32, #tpu.memory_space<vmem>>, vector<1x16xf32>,
        %parallel_loop3A_481 = vector.shape_cast %parallel_loop3A_480 : vector<1x16xf32> to vector<16xf32>
        %parallel_loop3A_482 = vector.shape_cast %parallel_loop3A_477 : vector<16xf32> to vector<1x16xf32>
        tpu.vector_store %arg10[%parallel_loop3A_478, %parallel_loop3A_479], %parallel_loop3A_482 {strides = array<i32>} : memref<32x512xf32, #tpu.memory_space<vmem>>, vector<1x16xf32>,
        %parallel_loop3A_483 = arith.index_cast %parallel_loop3A_121 : i32 to index
        %parallel_loop3A_484 = arith.constant 304 : index
        %parallel_loop3A_485 = tpu.vector_load %arg8[%parallel_loop3A_483, %parallel_loop3A_484] {strides = array<i32>} : memref<32x512xf32, #tpu.memory_space<vmem>>, vector<1x16xf32>,
        %parallel_loop3A_486 = vector.shape_cast %parallel_loop3A_485 : vector<1x16xf32> to vector<16xf32>
        %parallel_loop3A_487 = arith.constant 22.6274166 : f32
        %parallel_loop3A_488 = vector.broadcast %parallel_loop3A_487 : f32 to vector<16xf32>
        %parallel_loop3A_489 = arith.mulf %parallel_loop3A_486, %parallel_loop3A_488 : vector<16xf32>
        %parallel_loop3A_490 = arith.constant 0 : i32
        %parallel_loop3A_491 = arith.addi %parallel_loop3A_490, %parallel_loop3A_121 : i32
        %parallel_loop3A_492 = arith.index_cast %parallel_loop3A_491 : i32 to index
        %parallel_loop3A_493 = arith.constant 304 : index
        %parallel_loop3A_494 = tpu.vector_load %arg7[%parallel_loop3A_492, %parallel_loop3A_493] {strides = array<i32>} : memref<64x512xf32, #tpu.memory_space<vmem>>, vector<1x16xf32>,
        %parallel_loop3A_495 = vector.shape_cast %parallel_loop3A_494 : vector<1x16xf32> to vector<16xf32>
        %parallel_loop3A_496 = arith.addf %parallel_loop3A_489, %parallel_loop3A_495 : vector<16xf32>
        %parallel_loop3A_497 = arith.index_cast %parallel_loop3A_121 : i32 to index
        %parallel_loop3A_498 = arith.constant 304 : index
        %parallel_loop3A_499 = tpu.vector_load %arg10[%parallel_loop3A_497, %parallel_loop3A_498] {strides = array<i32>} : memref<32x512xf32, #tpu.memory_space<vmem>>, vector<1x16xf32>,
        %parallel_loop3A_500 = vector.shape_cast %parallel_loop3A_499 : vector<1x16xf32> to vector<16xf32>
        %parallel_loop3A_501 = vector.shape_cast %parallel_loop3A_496 : vector<16xf32> to vector<1x16xf32>
        tpu.vector_store %arg10[%parallel_loop3A_497, %parallel_loop3A_498], %parallel_loop3A_501 {strides = array<i32>} : memref<32x512xf32, #tpu.memory_space<vmem>>, vector<1x16xf32>,
        %parallel_loop3A_502 = arith.index_cast %parallel_loop3A_121 : i32 to index
        %parallel_loop3A_503 = arith.constant 320 : index
        %parallel_loop3A_504 = tpu.vector_load %arg8[%parallel_loop3A_502, %parallel_loop3A_503] {strides = array<i32>} : memref<32x512xf32, #tpu.memory_space<vmem>>, vector<1x16xf32>,
        %parallel_loop3A_505 = vector.shape_cast %parallel_loop3A_504 : vector<1x16xf32> to vector<16xf32>
        %parallel_loop3A_506 = arith.constant 22.6274166 : f32
        %parallel_loop3A_507 = vector.broadcast %parallel_loop3A_506 : f32 to vector<16xf32>
        %parallel_loop3A_508 = arith.mulf %parallel_loop3A_505, %parallel_loop3A_507 : vector<16xf32>
        %parallel_loop3A_509 = arith.constant 0 : i32
        %parallel_loop3A_510 = arith.addi %parallel_loop3A_509, %parallel_loop3A_121 : i32
        %parallel_loop3A_511 = arith.index_cast %parallel_loop3A_510 : i32 to index
        %parallel_loop3A_512 = arith.constant 320 : index
        %parallel_loop3A_513 = tpu.vector_load %arg7[%parallel_loop3A_511, %parallel_loop3A_512] {strides = array<i32>} : memref<64x512xf32, #tpu.memory_space<vmem>>, vector<1x16xf32>,
        %parallel_loop3A_514 = vector.shape_cast %parallel_loop3A_513 : vector<1x16xf32> to vector<16xf32>
        %parallel_loop3A_515 = arith.addf %parallel_loop3A_508, %parallel_loop3A_514 : vector<16xf32>
        %parallel_loop3A_516 = arith.index_cast %parallel_loop3A_121 : i32 to index
        %parallel_loop3A_517 = arith.constant 320 : index
        %parallel_loop3A_518 = tpu.vector_load %arg10[%parallel_loop3A_516, %parallel_loop3A_517] {strides = array<i32>} : memref<32x512xf32, #tpu.memory_space<vmem>>, vector<1x16xf32>,
        %parallel_loop3A_519 = vector.shape_cast %parallel_loop3A_518 : vector<1x16xf32> to vector<16xf32>
        %parallel_loop3A_520 = vector.shape_cast %parallel_loop3A_515 : vector<16xf32> to vector<1x16xf32>
        tpu.vector_store %arg10[%parallel_loop3A_516, %parallel_loop3A_517], %parallel_loop3A_520 {strides = array<i32>} : memref<32x512xf32, #tpu.memory_space<vmem>>, vector<1x16xf32>,
        %parallel_loop3A_521 = arith.index_cast %parallel_loop3A_121 : i32 to index
        %parallel_loop3A_522 = arith.constant 336 : index
        %parallel_loop3A_523 = tpu.vector_load %arg8[%parallel_loop3A_521, %parallel_loop3A_522] {strides = array<i32>} : memref<32x512xf32, #tpu.memory_space<vmem>>, vector<1x16xf32>,
        %parallel_loop3A_524 = vector.shape_cast %parallel_loop3A_523 : vector<1x16xf32> to vector<16xf32>
        %parallel_loop3A_525 = arith.constant 22.6274166 : f32
        %parallel_loop3A_526 = vector.broadcast %parallel_loop3A_525 : f32 to vector<16xf32>
        %parallel_loop3A_527 = arith.mulf %parallel_loop3A_524, %parallel_loop3A_526 : vector<16xf32>
        %parallel_loop3A_528 = arith.constant 0 : i32
        %parallel_loop3A_529 = arith.addi %parallel_loop3A_528, %parallel_loop3A_121 : i32
        %parallel_loop3A_530 = arith.index_cast %parallel_loop3A_529 : i32 to index
        %parallel_loop3A_531 = arith.constant 336 : index
        %parallel_loop3A_532 = tpu.vector_load %arg7[%parallel_loop3A_530, %parallel_loop3A_531] {strides = array<i32>} : memref<64x512xf32, #tpu.memory_space<vmem>>, vector<1x16xf32>,
        %parallel_loop3A_533 = vector.shape_cast %parallel_loop3A_532 : vector<1x16xf32> to vector<16xf32>
        %parallel_loop3A_534 = arith.addf %parallel_loop3A_527, %parallel_loop3A_533 : vector<16xf32>
        %parallel_loop3A_535 = arith.index_cast %parallel_loop3A_121 : i32 to index
        %parallel_loop3A_536 = arith.constant 336 : index
        %parallel_loop3A_537 = tpu.vector_load %arg10[%parallel_loop3A_535, %parallel_loop3A_536] {strides = array<i32>} : memref<32x512xf32, #tpu.memory_space<vmem>>, vector<1x16xf32>,
        %parallel_loop3A_538 = vector.shape_cast %parallel_loop3A_537 : vector<1x16xf32> to vector<16xf32>
        %parallel_loop3A_539 = vector.shape_cast %parallel_loop3A_534 : vector<16xf32> to vector<1x16xf32>
        tpu.vector_store %arg10[%parallel_loop3A_535, %parallel_loop3A_536], %parallel_loop3A_539 {strides = array<i32>} : memref<32x512xf32, #tpu.memory_space<vmem>>, vector<1x16xf32>,
        %parallel_loop3A_540 = arith.index_cast %parallel_loop3A_121 : i32 to index
        %parallel_loop3A_541 = arith.constant 352 : index
        %parallel_loop3A_542 = tpu.vector_load %arg8[%parallel_loop3A_540, %parallel_loop3A_541] {strides = array<i32>} : memref<32x512xf32, #tpu.memory_space<vmem>>, vector<1x16xf32>,
        %parallel_loop3A_543 = vector.shape_cast %parallel_loop3A_542 : vector<1x16xf32> to vector<16xf32>
        %parallel_loop3A_544 = arith.constant 22.6274166 : f32
        %parallel_loop3A_545 = vector.broadcast %parallel_loop3A_544 : f32 to vector<16xf32>
        %parallel_loop3A_546 = arith.mulf %parallel_loop3A_543, %parallel_loop3A_545 : vector<16xf32>
        %parallel_loop3A_547 = arith.constant 0 : i32
        %parallel_loop3A_548 = arith.addi %parallel_loop3A_547, %parallel_loop3A_121 : i32
        %parallel_loop3A_549 = arith.index_cast %parallel_loop3A_548 : i32 to index
        %parallel_loop3A_550 = arith.constant 352 : index
        %parallel_loop3A_551 = tpu.vector_load %arg7[%parallel_loop3A_549, %parallel_loop3A_550] {strides = array<i32>} : memref<64x512xf32, #tpu.memory_space<vmem>>, vector<1x16xf32>,
        %parallel_loop3A_552 = vector.shape_cast %parallel_loop3A_551 : vector<1x16xf32> to vector<16xf32>
        %parallel_loop3A_553 = arith.addf %parallel_loop3A_546, %parallel_loop3A_552 : vector<16xf32>
        %parallel_loop3A_554 = arith.index_cast %parallel_loop3A_121 : i32 to index
        %parallel_loop3A_555 = arith.constant 352 : index
        %parallel_loop3A_556 = tpu.vector_load %arg10[%parallel_loop3A_554, %parallel_loop3A_555] {strides = array<i32>} : memref<32x512xf32, #tpu.memory_space<vmem>>, vector<1x16xf32>,
        %parallel_loop3A_557 = vector.shape_cast %parallel_loop3A_556 : vector<1x16xf32> to vector<16xf32>
        %parallel_loop3A_558 = vector.shape_cast %parallel_loop3A_553 : vector<16xf32> to vector<1x16xf32>
        tpu.vector_store %arg10[%parallel_loop3A_554, %parallel_loop3A_555], %parallel_loop3A_558 {strides = array<i32>} : memref<32x512xf32, #tpu.memory_space<vmem>>, vector<1x16xf32>,
        %parallel_loop3A_559 = arith.index_cast %parallel_loop3A_121 : i32 to index
        %parallel_loop3A_560 = arith.constant 368 : index
        %parallel_loop3A_561 = tpu.vector_load %arg8[%parallel_loop3A_559, %parallel_loop3A_560] {strides = array<i32>} : memref<32x512xf32, #tpu.memory_space<vmem>>, vector<1x16xf32>,
        %parallel_loop3A_562 = vector.shape_cast %parallel_loop3A_561 : vector<1x16xf32> to vector<16xf32>
        %parallel_loop3A_563 = arith.constant 22.6274166 : f32
        %parallel_loop3A_564 = vector.broadcast %parallel_loop3A_563 : f32 to vector<16xf32>
        %parallel_loop3A_565 = arith.mulf %parallel_loop3A_562, %parallel_loop3A_564 : vector<16xf32>
        %parallel_loop3A_566 = arith.constant 0 : i32
        %parallel_loop3A_567 = arith.addi %parallel_loop3A_566, %parallel_loop3A_121 : i32
        %parallel_loop3A_568 = arith.index_cast %parallel_loop3A_567 : i32 to index
        %parallel_loop3A_569 = arith.constant 368 : index
        %parallel_loop3A_570 = tpu.vector_load %arg7[%parallel_loop3A_568, %parallel_loop3A_569] {strides = array<i32>} : memref<64x512xf32, #tpu.memory_space<vmem>>, vector<1x16xf32>,
        %parallel_loop3A_571 = vector.shape_cast %parallel_loop3A_570 : vector<1x16xf32> to vector<16xf32>
        %parallel_loop3A_572 = arith.addf %parallel_loop3A_565, %parallel_loop3A_571 : vector<16xf32>
        %parallel_loop3A_573 = arith.index_cast %parallel_loop3A_121 : i32 to index
        %parallel_loop3A_574 = arith.constant 368 : index
        %parallel_loop3A_575 = tpu.vector_load %arg10[%parallel_loop3A_573, %parallel_loop3A_574] {strides = array<i32>} : memref<32x512xf32, #tpu.memory_space<vmem>>, vector<1x16xf32>,
        %parallel_loop3A_576 = vector.shape_cast %parallel_loop3A_575 : vector<1x16xf32> to vector<16xf32>
        %parallel_loop3A_577 = vector.shape_cast %parallel_loop3A_572 : vector<16xf32> to vector<1x16xf32>
        tpu.vector_store %arg10[%parallel_loop3A_573, %parallel_loop3A_574], %parallel_loop3A_577 {strides = array<i32>} : memref<32x512xf32, #tpu.memory_space<vmem>>, vector<1x16xf32>,
        %parallel_loop3A_578 = arith.index_cast %parallel_loop3A_121 : i32 to index
        %parallel_loop3A_579 = arith.constant 384 : index
        %parallel_loop3A_580 = tpu.vector_load %arg8[%parallel_loop3A_578, %parallel_loop3A_579] {strides = array<i32>} : memref<32x512xf32, #tpu.memory_space<vmem>>, vector<1x16xf32>,
        %parallel_loop3A_581 = vector.shape_cast %parallel_loop3A_580 : vector<1x16xf32> to vector<16xf32>
        %parallel_loop3A_582 = arith.constant 22.6274166 : f32
        %parallel_loop3A_583 = vector.broadcast %parallel_loop3A_582 : f32 to vector<16xf32>
        %parallel_loop3A_584 = arith.mulf %parallel_loop3A_581, %parallel_loop3A_583 : vector<16xf32>
        %parallel_loop3A_585 = arith.constant 0 : i32
        %parallel_loop3A_586 = arith.addi %parallel_loop3A_585, %parallel_loop3A_121 : i32
        %parallel_loop3A_587 = arith.index_cast %parallel_loop3A_586 : i32 to index
        %parallel_loop3A_588 = arith.constant 384 : index
        %parallel_loop3A_589 = tpu.vector_load %arg7[%parallel_loop3A_587, %parallel_loop3A_588] {strides = array<i32>} : memref<64x512xf32, #tpu.memory_space<vmem>>, vector<1x16xf32>,
        %parallel_loop3A_590 = vector.shape_cast %parallel_loop3A_589 : vector<1x16xf32> to vector<16xf32>
        %parallel_loop3A_591 = arith.addf %parallel_loop3A_584, %parallel_loop3A_590 : vector<16xf32>
        %parallel_loop3A_592 = arith.index_cast %parallel_loop3A_121 : i32 to index
        %parallel_loop3A_593 = arith.constant 384 : index
        %parallel_loop3A_594 = tpu.vector_load %arg10[%parallel_loop3A_592, %parallel_loop3A_593] {strides = array<i32>} : memref<32x512xf32, #tpu.memory_space<vmem>>, vector<1x16xf32>,
        %parallel_loop3A_595 = vector.shape_cast %parallel_loop3A_594 : vector<1x16xf32> to vector<16xf32>
        %parallel_loop3A_596 = vector.shape_cast %parallel_loop3A_591 : vector<16xf32> to vector<1x16xf32>
        tpu.vector_store %arg10[%parallel_loop3A_592, %parallel_loop3A_593], %parallel_loop3A_596 {strides = array<i32>} : memref<32x512xf32, #tpu.memory_space<vmem>>, vector<1x16xf32>,
        %parallel_loop3A_597 = arith.index_cast %parallel_loop3A_121 : i32 to index
        %parallel_loop3A_598 = arith.constant 400 : index
        %parallel_loop3A_599 = tpu.vector_load %arg8[%parallel_loop3A_597, %parallel_loop3A_598] {strides = array<i32>} : memref<32x512xf32, #tpu.memory_space<vmem>>, vector<1x16xf32>,
        %parallel_loop3A_600 = vector.shape_cast %parallel_loop3A_599 : vector<1x16xf32> to vector<16xf32>
        %parallel_loop3A_601 = arith.constant 22.6274166 : f32
        %parallel_loop3A_602 = vector.broadcast %parallel_loop3A_601 : f32 to vector<16xf32>
        %parallel_loop3A_603 = arith.mulf %parallel_loop3A_600, %parallel_loop3A_602 : vector<16xf32>
        %parallel_loop3A_604 = arith.constant 0 : i32
        %parallel_loop3A_605 = arith.addi %parallel_loop3A_604, %parallel_loop3A_121 : i32
        %parallel_loop3A_606 = arith.index_cast %parallel_loop3A_605 : i32 to index
        %parallel_loop3A_607 = arith.constant 400 : index
        %parallel_loop3A_608 = tpu.vector_load %arg7[%parallel_loop3A_606, %parallel_loop3A_607] {strides = array<i32>} : memref<64x512xf32, #tpu.memory_space<vmem>>, vector<1x16xf32>,
        %parallel_loop3A_609 = vector.shape_cast %parallel_loop3A_608 : vector<1x16xf32> to vector<16xf32>
        %parallel_loop3A_610 = arith.addf %parallel_loop3A_603, %parallel_loop3A_609 : vector<16xf32>
        %parallel_loop3A_611 = arith.index_cast %parallel_loop3A_121 : i32 to index
        %parallel_loop3A_612 = arith.constant 400 : index
        %parallel_loop3A_613 = tpu.vector_load %arg10[%parallel_loop3A_611, %parallel_loop3A_612] {strides = array<i32>} : memref<32x512xf32, #tpu.memory_space<vmem>>, vector<1x16xf32>,
        %parallel_loop3A_614 = vector.shape_cast %parallel_loop3A_613 : vector<1x16xf32> to vector<16xf32>
        %parallel_loop3A_615 = vector.shape_cast %parallel_loop3A_610 : vector<16xf32> to vector<1x16xf32>
        tpu.vector_store %arg10[%parallel_loop3A_611, %parallel_loop3A_612], %parallel_loop3A_615 {strides = array<i32>} : memref<32x512xf32, #tpu.memory_space<vmem>>, vector<1x16xf32>,
        %parallel_loop3A_616 = arith.index_cast %parallel_loop3A_121 : i32 to index
        %parallel_loop3A_617 = arith.constant 416 : index
        %parallel_loop3A_618 = tpu.vector_load %arg8[%parallel_loop3A_616, %parallel_loop3A_617] {strides = array<i32>} : memref<32x512xf32, #tpu.memory_space<vmem>>, vector<1x16xf32>,
        %parallel_loop3A_619 = vector.shape_cast %parallel_loop3A_618 : vector<1x16xf32> to vector<16xf32>
        %parallel_loop3A_620 = arith.constant 22.6274166 : f32
        %parallel_loop3A_621 = vector.broadcast %parallel_loop3A_620 : f32 to vector<16xf32>
        %parallel_loop3A_622 = arith.mulf %parallel_loop3A_619, %parallel_loop3A_621 : vector<16xf32>
        %parallel_loop3A_623 = arith.constant 0 : i32
        %parallel_loop3A_624 = arith.addi %parallel_loop3A_623, %parallel_loop3A_121 : i32
        %parallel_loop3A_625 = arith.index_cast %parallel_loop3A_624 : i32 to index
        %parallel_loop3A_626 = arith.constant 416 : index
        %parallel_loop3A_627 = tpu.vector_load %arg7[%parallel_loop3A_625, %parallel_loop3A_626] {strides = array<i32>} : memref<64x512xf32, #tpu.memory_space<vmem>>, vector<1x16xf32>,
        %parallel_loop3A_628 = vector.shape_cast %parallel_loop3A_627 : vector<1x16xf32> to vector<16xf32>
        %parallel_loop3A_629 = arith.addf %parallel_loop3A_622, %parallel_loop3A_628 : vector<16xf32>
        %parallel_loop3A_630 = arith.index_cast %parallel_loop3A_121 : i32 to index
        %parallel_loop3A_631 = arith.constant 416 : index
        %parallel_loop3A_632 = tpu.vector_load %arg10[%parallel_loop3A_630, %parallel_loop3A_631] {strides = array<i32>} : memref<32x512xf32, #tpu.memory_space<vmem>>, vector<1x16xf32>,
        %parallel_loop3A_633 = vector.shape_cast %parallel_loop3A_632 : vector<1x16xf32> to vector<16xf32>
        %parallel_loop3A_634 = vector.shape_cast %parallel_loop3A_629 : vector<16xf32> to vector<1x16xf32>
        tpu.vector_store %arg10[%parallel_loop3A_630, %parallel_loop3A_631], %parallel_loop3A_634 {strides = array<i32>} : memref<32x512xf32, #tpu.memory_space<vmem>>, vector<1x16xf32>,
        %parallel_loop3A_635 = arith.index_cast %parallel_loop3A_121 : i32 to index
        %parallel_loop3A_636 = arith.constant 432 : index
        %parallel_loop3A_637 = tpu.vector_load %arg8[%parallel_loop3A_635, %parallel_loop3A_636] {strides = array<i32>} : memref<32x512xf32, #tpu.memory_space<vmem>>, vector<1x16xf32>,
        %parallel_loop3A_638 = vector.shape_cast %parallel_loop3A_637 : vector<1x16xf32> to vector<16xf32>
        %parallel_loop3A_639 = arith.constant 22.6274166 : f32
        %parallel_loop3A_640 = vector.broadcast %parallel_loop3A_639 : f32 to vector<16xf32>
        %parallel_loop3A_641 = arith.mulf %parallel_loop3A_638, %parallel_loop3A_640 : vector<16xf32>
        %parallel_loop3A_642 = arith.constant 0 : i32
        %parallel_loop3A_643 = arith.addi %parallel_loop3A_642, %parallel_loop3A_121 : i32
        %parallel_loop3A_644 = arith.index_cast %parallel_loop3A_643 : i32 to index
        %parallel_loop3A_645 = arith.constant 432 : index
        %parallel_loop3A_646 = tpu.vector_load %arg7[%parallel_loop3A_644, %parallel_loop3A_645] {strides = array<i32>} : memref<64x512xf32, #tpu.memory_space<vmem>>, vector<1x16xf32>,
        %parallel_loop3A_647 = vector.shape_cast %parallel_loop3A_646 : vector<1x16xf32> to vector<16xf32>
        %parallel_loop3A_648 = arith.addf %parallel_loop3A_641, %parallel_loop3A_647 : vector<16xf32>
        %parallel_loop3A_649 = arith.index_cast %parallel_loop3A_121 : i32 to index
        %parallel_loop3A_650 = arith.constant 432 : index
        %parallel_loop3A_651 = tpu.vector_load %arg10[%parallel_loop3A_649, %parallel_loop3A_650] {strides = array<i32>} : memref<32x512xf32, #tpu.memory_space<vmem>>, vector<1x16xf32>,
        %parallel_loop3A_652 = vector.shape_cast %parallel_loop3A_651 : vector<1x16xf32> to vector<16xf32>
        %parallel_loop3A_653 = vector.shape_cast %parallel_loop3A_648 : vector<16xf32> to vector<1x16xf32>
        tpu.vector_store %arg10[%parallel_loop3A_649, %parallel_loop3A_650], %parallel_loop3A_653 {strides = array<i32>} : memref<32x512xf32, #tpu.memory_space<vmem>>, vector<1x16xf32>,
        %parallel_loop3A_654 = arith.index_cast %parallel_loop3A_121 : i32 to index
        %parallel_loop3A_655 = arith.constant 448 : index
        %parallel_loop3A_656 = tpu.vector_load %arg8[%parallel_loop3A_654, %parallel_loop3A_655] {strides = array<i32>} : memref<32x512xf32, #tpu.memory_space<vmem>>, vector<1x16xf32>,
        %parallel_loop3A_657 = vector.shape_cast %parallel_loop3A_656 : vector<1x16xf32> to vector<16xf32>
        %parallel_loop3A_658 = arith.constant 22.6274166 : f32
        %parallel_loop3A_659 = vector.broadcast %parallel_loop3A_658 : f32 to vector<16xf32>
        %parallel_loop3A_660 = arith.mulf %parallel_loop3A_657, %parallel_loop3A_659 : vector<16xf32>
        %parallel_loop3A_661 = arith.constant 0 : i32
        %parallel_loop3A_662 = arith.addi %parallel_loop3A_661, %parallel_loop3A_121 : i32
        %parallel_loop3A_663 = arith.index_cast %parallel_loop3A_662 : i32 to index
        %parallel_loop3A_664 = arith.constant 448 : index
        %parallel_loop3A_665 = tpu.vector_load %arg7[%parallel_loop3A_663, %parallel_loop3A_664] {strides = array<i32>} : memref<64x512xf32, #tpu.memory_space<vmem>>, vector<1x16xf32>,
        %parallel_loop3A_666 = vector.shape_cast %parallel_loop3A_665 : vector<1x16xf32> to vector<16xf32>
        %parallel_loop3A_667 = arith.addf %parallel_loop3A_660, %parallel_loop3A_666 : vector<16xf32>
        %parallel_loop3A_668 = arith.index_cast %parallel_loop3A_121 : i32 to index
        %parallel_loop3A_669 = arith.constant 448 : index
        %parallel_loop3A_670 = tpu.vector_load %arg10[%parallel_loop3A_668, %parallel_loop3A_669] {strides = array<i32>} : memref<32x512xf32, #tpu.memory_space<vmem>>, vector<1x16xf32>,
        %parallel_loop3A_671 = vector.shape_cast %parallel_loop3A_670 : vector<1x16xf32> to vector<16xf32>
        %parallel_loop3A_672 = vector.shape_cast %parallel_loop3A_667 : vector<16xf32> to vector<1x16xf32>
        tpu.vector_store %arg10[%parallel_loop3A_668, %parallel_loop3A_669], %parallel_loop3A_672 {strides = array<i32>} : memref<32x512xf32, #tpu.memory_space<vmem>>, vector<1x16xf32>,
        %parallel_loop3A_673 = arith.index_cast %parallel_loop3A_121 : i32 to index
        %parallel_loop3A_674 = arith.constant 464 : index
        %parallel_loop3A_675 = tpu.vector_load %arg8[%parallel_loop3A_673, %parallel_loop3A_674] {strides = array<i32>} : memref<32x512xf32, #tpu.memory_space<vmem>>, vector<1x16xf32>,
        %parallel_loop3A_676 = vector.shape_cast %parallel_loop3A_675 : vector<1x16xf32> to vector<16xf32>
        %parallel_loop3A_677 = arith.constant 22.6274166 : f32
        %parallel_loop3A_678 = vector.broadcast %parallel_loop3A_677 : f32 to vector<16xf32>
        %parallel_loop3A_679 = arith.mulf %parallel_loop3A_676, %parallel_loop3A_678 : vector<16xf32>
        %parallel_loop3A_680 = arith.constant 0 : i32
        %parallel_loop3A_681 = arith.addi %parallel_loop3A_680, %parallel_loop3A_121 : i32
        %parallel_loop3A_682 = arith.index_cast %parallel_loop3A_681 : i32 to index
        %parallel_loop3A_683 = arith.constant 464 : index
        %parallel_loop3A_684 = tpu.vector_load %arg7[%parallel_loop3A_682, %parallel_loop3A_683] {strides = array<i32>} : memref<64x512xf32, #tpu.memory_space<vmem>>, vector<1x16xf32>,
        %parallel_loop3A_685 = vector.shape_cast %parallel_loop3A_684 : vector<1x16xf32> to vector<16xf32>
        %parallel_loop3A_686 = arith.addf %parallel_loop3A_679, %parallel_loop3A_685 : vector<16xf32>
        %parallel_loop3A_687 = arith.index_cast %parallel_loop3A_121 : i32 to index
        %parallel_loop3A_688 = arith.constant 464 : index
        %parallel_loop3A_689 = tpu.vector_load %arg10[%parallel_loop3A_687, %parallel_loop3A_688] {strides = array<i32>} : memref<32x512xf32, #tpu.memory_space<vmem>>, vector<1x16xf32>,
        %parallel_loop3A_690 = vector.shape_cast %parallel_loop3A_689 : vector<1x16xf32> to vector<16xf32>
        %parallel_loop3A_691 = vector.shape_cast %parallel_loop3A_686 : vector<16xf32> to vector<1x16xf32>
        tpu.vector_store %arg10[%parallel_loop3A_687, %parallel_loop3A_688], %parallel_loop3A_691 {strides = array<i32>} : memref<32x512xf32, #tpu.memory_space<vmem>>, vector<1x16xf32>,
        %parallel_loop3A_692 = arith.index_cast %parallel_loop3A_121 : i32 to index
        %parallel_loop3A_693 = arith.constant 480 : index
        %parallel_loop3A_694 = tpu.vector_load %arg8[%parallel_loop3A_692, %parallel_loop3A_693] {strides = array<i32>} : memref<32x512xf32, #tpu.memory_space<vmem>>, vector<1x16xf32>,
        %parallel_loop3A_695 = vector.shape_cast %parallel_loop3A_694 : vector<1x16xf32> to vector<16xf32>
        %parallel_loop3A_696 = arith.constant 22.6274166 : f32
        %parallel_loop3A_697 = vector.broadcast %parallel_loop3A_696 : f32 to vector<16xf32>
        %parallel_loop3A_698 = arith.mulf %parallel_loop3A_695, %parallel_loop3A_697 : vector<16xf32>
        %parallel_loop3A_699 = arith.constant 0 : i32
        %parallel_loop3A_700 = arith.addi %parallel_loop3A_699, %parallel_loop3A_121 : i32
        %parallel_loop3A_701 = arith.index_cast %parallel_loop3A_700 : i32 to index
        %parallel_loop3A_702 = arith.constant 480 : index
        %parallel_loop3A_703 = tpu.vector_load %arg7[%parallel_loop3A_701, %parallel_loop3A_702] {strides = array<i32>} : memref<64x512xf32, #tpu.memory_space<vmem>>, vector<1x16xf32>,
        %parallel_loop3A_704 = vector.shape_cast %parallel_loop3A_703 : vector<1x16xf32> to vector<16xf32>
        %parallel_loop3A_705 = arith.addf %parallel_loop3A_698, %parallel_loop3A_704 : vector<16xf32>
        %parallel_loop3A_706 = arith.index_cast %parallel_loop3A_121 : i32 to index
        %parallel_loop3A_707 = arith.constant 480 : index
        %parallel_loop3A_708 = tpu.vector_load %arg10[%parallel_loop3A_706, %parallel_loop3A_707] {strides = array<i32>} : memref<32x512xf32, #tpu.memory_space<vmem>>, vector<1x16xf32>,
        %parallel_loop3A_709 = vector.shape_cast %parallel_loop3A_708 : vector<1x16xf32> to vector<16xf32>
        %parallel_loop3A_710 = vector.shape_cast %parallel_loop3A_705 : vector<16xf32> to vector<1x16xf32>
        tpu.vector_store %arg10[%parallel_loop3A_706, %parallel_loop3A_707], %parallel_loop3A_710 {strides = array<i32>} : memref<32x512xf32, #tpu.memory_space<vmem>>, vector<1x16xf32>,
        %parallel_loop3A_711 = arith.index_cast %parallel_loop3A_121 : i32 to index
        %parallel_loop3A_712 = arith.constant 496 : index
        %parallel_loop3A_713 = tpu.vector_load %arg8[%parallel_loop3A_711, %parallel_loop3A_712] {strides = array<i32>} : memref<32x512xf32, #tpu.memory_space<vmem>>, vector<1x16xf32>,
        %parallel_loop3A_714 = vector.shape_cast %parallel_loop3A_713 : vector<1x16xf32> to vector<16xf32>
        %parallel_loop3A_715 = arith.constant 22.6274166 : f32
        %parallel_loop3A_716 = vector.broadcast %parallel_loop3A_715 : f32 to vector<16xf32>
        %parallel_loop3A_717 = arith.mulf %parallel_loop3A_714, %parallel_loop3A_716 : vector<16xf32>
        %parallel_loop3A_718 = arith.constant 0 : i32
        %parallel_loop3A_719 = arith.addi %parallel_loop3A_718, %parallel_loop3A_121 : i32
        %parallel_loop3A_720 = arith.index_cast %parallel_loop3A_719 : i32 to index
        %parallel_loop3A_721 = arith.constant 496 : index
        %parallel_loop3A_722 = tpu.vector_load %arg7[%parallel_loop3A_720, %parallel_loop3A_721] {strides = array<i32>} : memref<64x512xf32, #tpu.memory_space<vmem>>, vector<1x16xf32>,
        %parallel_loop3A_723 = vector.shape_cast %parallel_loop3A_722 : vector<1x16xf32> to vector<16xf32>
        %parallel_loop3A_724 = arith.addf %parallel_loop3A_717, %parallel_loop3A_723 : vector<16xf32>
        %parallel_loop3A_725 = arith.index_cast %parallel_loop3A_121 : i32 to index
        %parallel_loop3A_726 = arith.constant 496 : index
        %parallel_loop3A_727 = tpu.vector_load %arg10[%parallel_loop3A_725, %parallel_loop3A_726] {strides = array<i32>} : memref<32x512xf32, #tpu.memory_space<vmem>>, vector<1x16xf32>,
        %parallel_loop3A_728 = vector.shape_cast %parallel_loop3A_727 : vector<1x16xf32> to vector<16xf32>
        %parallel_loop3A_729 = vector.shape_cast %parallel_loop3A_724 : vector<16xf32> to vector<1x16xf32>
        tpu.vector_store %arg10[%parallel_loop3A_725, %parallel_loop3A_726], %parallel_loop3A_729 {strides = array<i32>} : memref<32x512xf32, #tpu.memory_space<vmem>>, vector<1x16xf32>,
      } {sc.loop_unroll_factor = 1 : i64, sc.parallel_access}
      %mul3A_78 = arith.constant 2048 : i32
      %mul3A_79 = arith.muli %add3A_55, %mul3A_78 : i32
      %add3A_80 = arith.addi %mul3A_79, %mul3A_2 : i32
      %add3A_81 = arith.constant 0 : i32
      %add3A_82 = arith.addi %add3A_80, %add3A_81 : i32
      %dma_start3A_83 = arith.constant 0 : i32
      %dma_start3A_84 = tpu.memref_slice %arg5[%add3A_82, %dma_start3A_83] : memref<32768x512xf32, #tpu.memory_space<hbm>> -> memref<32x512xf32, #tpu.memory_space<hbm>>
      %dma_start3A_85 = arith.constant 0 : i32
      %dma_start3A_86 = tpu.memref_slice %arg5[%add3A_82, %dma_start3A_85] : memref<32768x512xf32, #tpu.memory_space<hbm>> -> memref<32x512xf32, #tpu.memory_space<hbm>>
      tpu.enqueue_dma source(%arg10 : memref<32x512xf32, #tpu.memory_space<vmem>>) target(%dma_start3A_86 : memref<32x512xf32, #tpu.memory_space<hbm>>) target_semaphore(%arg14 : memref<!tpu.dma_semaphore, #tpu.memory_space<semaphore_mem>>)
      %mul3A_87 = arith.constant 2 : i32
      %mul3A_88 = arith.muli %mul3A_87, %add3A_55 : i32
      %add3A_89 = arith.constant 1 : i32
      %add3A_90 = arith.addi %mul3A_88, %add3A_89 : i32
      %add3A_91 = arith.constant 1 : i32
      %add3A_92 = arith.addi %add3A_55, %add3A_91 : i32
      %lt3A = arith.constant 16 : i32
      %lt3A_93 = arith.cmpi slt, %add3A_92, %lt3A : i32
      %convert_element_type3A_94 = arith.extui %lt3A_93 : i1 to i32
      %cond3A_95 = arith.constant 0 : i32
      %cond3A_96 = arith.cmpi ne, %convert_element_type3A_94, %cond3A_95 : i32
      scf.if %cond3A_96 {
        %add3A_121 = arith.constant 1 : i32
        %add3A_122 = arith.addi %add3A_55, %add3A_121 : i32
        %add3A_123 = arith.constant 0 : i32
        %add3A_124 = arith.addi %mul3A_5, %add3A_123 : i32
        %dma_start3A_125 = tpu.memref_slice %arg6[%add3A_122, %add3A_124] : memref<16x128xi32, #tpu.memory_space<vmem>> -> memref<1x32xi32, #tpu.memory_space<vmem>>
        %dma_start3A_126 = tpu.memref_squeeze %dma_start3A_125 : memref<1x32xi32, #tpu.memory_space<vmem>> -> memref<32xi32, #tpu.memory_space<vmem>>
        %dma_start3A_127 = arith.constant 0 : i32
        %dma_start3A_128 = arith.constant 0 : i32
        %dma_start3A_129 = tpu.memref_slice %arg2[%dma_start3A_127, %dma_start3A_128] : memref<100000x512xf32, #tpu.memory_space<hbm>> -> memref<100000x512xf32, #tpu.memory_space<hbm>>
        tpu.enqueue_indirect_dma source(%dma_start3A_129 : memref<100000x512xf32, #tpu.memory_space<hbm>>) target(%arg8 : memref<32x512xf32, #tpu.memory_space<vmem>>) offsets(%dma_start3A_126 : memref<32xi32, #tpu.memory_space<vmem>>) semaphore(%arg12 : memref<!tpu.dma_semaphore, #tpu.memory_space<semaphore_mem>>)
      } else {
      }
      %add3A_97 = arith.constant 32 : i32
      %add3A_98 = arith.addi %mul3A_5, %add3A_97 : i32
      %dma_wait3A_99 = tpu.memref_slice %arg6[%add3A_55, %add3A_98] : memref<16x128xi32, #tpu.memory_space<vmem>> -> memref<1x32xi32, #tpu.memory_space<vmem>>
      %dma_wait3A_100 = tpu.memref_squeeze %dma_wait3A_99 : memref<1x32xi32, #tpu.memory_space<vmem>> -> memref<32xi32, #tpu.memory_space<vmem>>
      %dma_wait3A_101 = arith.constant 0 : i32
      %dma_wait3A_102 = arith.constant 0 : i32
      %dma_wait3A_103 = tpu.memref_slice %arg2[%dma_wait3A_101, %dma_wait3A_102] : memref<100000x512xf32, #tpu.memory_space<hbm>> -> memref<100000x512xf32, #tpu.memory_space<hbm>>
      tpu.wait_indirect_dma semaphore(%arg13 : memref<!tpu.dma_semaphore, #tpu.memory_space<semaphore_mem>>) src(%dma_wait3A_103 : memref<100000x512xf32, #tpu.memory_space<hbm>>) dst(%arg9 : memref<32x512xf32, #tpu.memory_space<vmem>>)
      %ge3A_104 = arith.constant 2 : i32
      %ge3A_105 = arith.cmpi sge, %add3A_90, %ge3A_104 : i32
      %convert_element_type3A_106 = arith.extui %ge3A_105 : i1 to i32
      %cond3A_107 = arith.constant 0 : i32
      %cond3A_108 = arith.cmpi ne, %convert_element_type3A_106, %cond3A_107 : i32
      scf.if %cond3A_108 {
        %sub3A_121 = arith.constant 1 : i32
        %sub3A_122 = arith.subi %add3A_55, %sub3A_121 : i32
        %mul3A_123 = arith.constant 2048 : i32
        %mul3A_124 = arith.muli %sub3A_122, %mul3A_123 : i32
        %add3A_125 = arith.addi %mul3A_124, %mul3A_2 : i32
        %add3A_126 = arith.constant 32 : i32
        %add3A_127 = arith.addi %add3A_125, %add3A_126 : i32
        %dma_wait3A_128 = arith.constant 0 : i32
        %dma_wait3A_129 = tpu.memref_slice %arg5[%add3A_127, %dma_wait3A_128] : memref<32768x512xf32, #tpu.memory_space<hbm>> -> memref<32x512xf32, #tpu.memory_space<hbm>>
        %dma_wait3A_130 = arith.constant 0 : i32
        %dma_wait3A_131 = tpu.memref_slice %arg5[%add3A_127, %dma_wait3A_130] : memref<32768x512xf32, #tpu.memory_space<hbm>> -> memref<32x512xf32, #tpu.memory_space<hbm>>
        tpu.wait_dma2 semaphore(%arg15 : memref<!tpu.dma_semaphore, #tpu.memory_space<semaphore_mem>>) src(%arg11 : memref<32x512xf32, #tpu.memory_space<vmem>>) dst(%dma_wait3A_131 : memref<32x512xf32, #tpu.memory_space<hbm>>)
      } else {
      }
      %parallel_loop3A_109 = arith.constant 0 : i32
      %parallel_loop3A_110 = arith.constant 32 : i32
      %parallel_loop3A_111 = arith.constant 1 : i32
      scf.for %parallel_loop3A_121 = %parallel_loop3A_109 to %parallel_loop3A_110 step %parallel_loop3A_111  : i32 {
        %parallel_loop3A_122 = arith.index_cast %parallel_loop3A_121 : i32 to index
        %parallel_loop3A_123 = arith.constant 0 : index
        %parallel_loop3A_124 = tpu.vector_load %arg9[%parallel_loop3A_122, %parallel_loop3A_123] {strides = array<i32>} : memref<32x512xf32, #tpu.memory_space<vmem>>, vector<1x16xf32>,
        %parallel_loop3A_125 = vector.shape_cast %parallel_loop3A_124 : vector<1x16xf32> to vector<16xf32>
        %parallel_loop3A_126 = arith.constant 22.6274166 : f32
        %parallel_loop3A_127 = vector.broadcast %parallel_loop3A_126 : f32 to vector<16xf32>
        %parallel_loop3A_128 = arith.mulf %parallel_loop3A_125, %parallel_loop3A_127 : vector<16xf32>
        %parallel_loop3A_129 = arith.constant 32 : i32
        %parallel_loop3A_130 = arith.addi %parallel_loop3A_129, %parallel_loop3A_121 : i32
        %parallel_loop3A_131 = arith.index_cast %parallel_loop3A_130 : i32 to index
        %parallel_loop3A_132 = arith.constant 0 : index
        %parallel_loop3A_133 = tpu.vector_load %arg7[%parallel_loop3A_131, %parallel_loop3A_132] {strides = array<i32>} : memref<64x512xf32, #tpu.memory_space<vmem>>, vector<1x16xf32>,
        %parallel_loop3A_134 = vector.shape_cast %parallel_loop3A_133 : vector<1x16xf32> to vector<16xf32>
        %parallel_loop3A_135 = arith.addf %parallel_loop3A_128, %parallel_loop3A_134 : vector<16xf32>
        %parallel_loop3A_136 = arith.index_cast %parallel_loop3A_121 : i32 to index
        %parallel_loop3A_137 = arith.constant 0 : index
        %parallel_loop3A_138 = tpu.vector_load %arg11[%parallel_loop3A_136, %parallel_loop3A_137] {strides = array<i32>} : memref<32x512xf32, #tpu.memory_space<vmem>>, vector<1x16xf32>,
        %parallel_loop3A_139 = vector.shape_cast %parallel_loop3A_138 : vector<1x16xf32> to vector<16xf32>
        %parallel_loop3A_140 = vector.shape_cast %parallel_loop3A_135 : vector<16xf32> to vector<1x16xf32>
        tpu.vector_store %arg11[%parallel_loop3A_136, %parallel_loop3A_137], %parallel_loop3A_140 {strides = array<i32>} : memref<32x512xf32, #tpu.memory_space<vmem>>, vector<1x16xf32>,
        %parallel_loop3A_141 = arith.index_cast %parallel_loop3A_121 : i32 to index
        %parallel_loop3A_142 = arith.constant 16 : index
        %parallel_loop3A_143 = tpu.vector_load %arg9[%parallel_loop3A_141, %parallel_loop3A_142] {strides = array<i32>} : memref<32x512xf32, #tpu.memory_space<vmem>>, vector<1x16xf32>,
        %parallel_loop3A_144 = vector.shape_cast %parallel_loop3A_143 : vector<1x16xf32> to vector<16xf32>
        %parallel_loop3A_145 = arith.constant 22.6274166 : f32
        %parallel_loop3A_146 = vector.broadcast %parallel_loop3A_145 : f32 to vector<16xf32>
        %parallel_loop3A_147 = arith.mulf %parallel_loop3A_144, %parallel_loop3A_146 : vector<16xf32>
        %parallel_loop3A_148 = arith.constant 32 : i32
        %parallel_loop3A_149 = arith.addi %parallel_loop3A_148, %parallel_loop3A_121 : i32
        %parallel_loop3A_150 = arith.index_cast %parallel_loop3A_149 : i32 to index
        %parallel_loop3A_151 = arith.constant 16 : index
        %parallel_loop3A_152 = tpu.vector_load %arg7[%parallel_loop3A_150, %parallel_loop3A_151] {strides = array<i32>} : memref<64x512xf32, #tpu.memory_space<vmem>>, vector<1x16xf32>,
        %parallel_loop3A_153 = vector.shape_cast %parallel_loop3A_152 : vector<1x16xf32> to vector<16xf32>
        %parallel_loop3A_154 = arith.addf %parallel_loop3A_147, %parallel_loop3A_153 : vector<16xf32>
        %parallel_loop3A_155 = arith.index_cast %parallel_loop3A_121 : i32 to index
        %parallel_loop3A_156 = arith.constant 16 : index
        %parallel_loop3A_157 = tpu.vector_load %arg11[%parallel_loop3A_155, %parallel_loop3A_156] {strides = array<i32>} : memref<32x512xf32, #tpu.memory_space<vmem>>, vector<1x16xf32>,
        %parallel_loop3A_158 = vector.shape_cast %parallel_loop3A_157 : vector<1x16xf32> to vector<16xf32>
        %parallel_loop3A_159 = vector.shape_cast %parallel_loop3A_154 : vector<16xf32> to vector<1x16xf32>
        tpu.vector_store %arg11[%parallel_loop3A_155, %parallel_loop3A_156], %parallel_loop3A_159 {strides = array<i32>} : memref<32x512xf32, #tpu.memory_space<vmem>>, vector<1x16xf32>,
        %parallel_loop3A_160 = arith.index_cast %parallel_loop3A_121 : i32 to index
        %parallel_loop3A_161 = arith.constant 32 : index
        %parallel_loop3A_162 = tpu.vector_load %arg9[%parallel_loop3A_160, %parallel_loop3A_161] {strides = array<i32>} : memref<32x512xf32, #tpu.memory_space<vmem>>, vector<1x16xf32>,
        %parallel_loop3A_163 = vector.shape_cast %parallel_loop3A_162 : vector<1x16xf32> to vector<16xf32>
        %parallel_loop3A_164 = arith.constant 22.6274166 : f32
        %parallel_loop3A_165 = vector.broadcast %parallel_loop3A_164 : f32 to vector<16xf32>
        %parallel_loop3A_166 = arith.mulf %parallel_loop3A_163, %parallel_loop3A_165 : vector<16xf32>
        %parallel_loop3A_167 = arith.constant 32 : i32
        %parallel_loop3A_168 = arith.addi %parallel_loop3A_167, %parallel_loop3A_121 : i32
        %parallel_loop3A_169 = arith.index_cast %parallel_loop3A_168 : i32 to index
        %parallel_loop3A_170 = arith.constant 32 : index
        %parallel_loop3A_171 = tpu.vector_load %arg7[%parallel_loop3A_169, %parallel_loop3A_170] {strides = array<i32>} : memref<64x512xf32, #tpu.memory_space<vmem>>, vector<1x16xf32>,
        %parallel_loop3A_172 = vector.shape_cast %parallel_loop3A_171 : vector<1x16xf32> to vector<16xf32>
        %parallel_loop3A_173 = arith.addf %parallel_loop3A_166, %parallel_loop3A_172 : vector<16xf32>
        %parallel_loop3A_174 = arith.index_cast %parallel_loop3A_121 : i32 to index
        %parallel_loop3A_175 = arith.constant 32 : index
        %parallel_loop3A_176 = tpu.vector_load %arg11[%parallel_loop3A_174, %parallel_loop3A_175] {strides = array<i32>} : memref<32x512xf32, #tpu.memory_space<vmem>>, vector<1x16xf32>,
        %parallel_loop3A_177 = vector.shape_cast %parallel_loop3A_176 : vector<1x16xf32> to vector<16xf32>
        %parallel_loop3A_178 = vector.shape_cast %parallel_loop3A_173 : vector<16xf32> to vector<1x16xf32>
        tpu.vector_store %arg11[%parallel_loop3A_174, %parallel_loop3A_175], %parallel_loop3A_178 {strides = array<i32>} : memref<32x512xf32, #tpu.memory_space<vmem>>, vector<1x16xf32>,
        %parallel_loop3A_179 = arith.index_cast %parallel_loop3A_121 : i32 to index
        %parallel_loop3A_180 = arith.constant 48 : index
        %parallel_loop3A_181 = tpu.vector_load %arg9[%parallel_loop3A_179, %parallel_loop3A_180] {strides = array<i32>} : memref<32x512xf32, #tpu.memory_space<vmem>>, vector<1x16xf32>,
        %parallel_loop3A_182 = vector.shape_cast %parallel_loop3A_181 : vector<1x16xf32> to vector<16xf32>
        %parallel_loop3A_183 = arith.constant 22.6274166 : f32
        %parallel_loop3A_184 = vector.broadcast %parallel_loop3A_183 : f32 to vector<16xf32>
        %parallel_loop3A_185 = arith.mulf %parallel_loop3A_182, %parallel_loop3A_184 : vector<16xf32>
        %parallel_loop3A_186 = arith.constant 32 : i32
        %parallel_loop3A_187 = arith.addi %parallel_loop3A_186, %parallel_loop3A_121 : i32
        %parallel_loop3A_188 = arith.index_cast %parallel_loop3A_187 : i32 to index
        %parallel_loop3A_189 = arith.constant 48 : index
        %parallel_loop3A_190 = tpu.vector_load %arg7[%parallel_loop3A_188, %parallel_loop3A_189] {strides = array<i32>} : memref<64x512xf32, #tpu.memory_space<vmem>>, vector<1x16xf32>,
        %parallel_loop3A_191 = vector.shape_cast %parallel_loop3A_190 : vector<1x16xf32> to vector<16xf32>
        %parallel_loop3A_192 = arith.addf %parallel_loop3A_185, %parallel_loop3A_191 : vector<16xf32>
        %parallel_loop3A_193 = arith.index_cast %parallel_loop3A_121 : i32 to index
        %parallel_loop3A_194 = arith.constant 48 : index
        %parallel_loop3A_195 = tpu.vector_load %arg11[%parallel_loop3A_193, %parallel_loop3A_194] {strides = array<i32>} : memref<32x512xf32, #tpu.memory_space<vmem>>, vector<1x16xf32>,
        %parallel_loop3A_196 = vector.shape_cast %parallel_loop3A_195 : vector<1x16xf32> to vector<16xf32>
        %parallel_loop3A_197 = vector.shape_cast %parallel_loop3A_192 : vector<16xf32> to vector<1x16xf32>
        tpu.vector_store %arg11[%parallel_loop3A_193, %parallel_loop3A_194], %parallel_loop3A_197 {strides = array<i32>} : memref<32x512xf32, #tpu.memory_space<vmem>>, vector<1x16xf32>,
        %parallel_loop3A_198 = arith.index_cast %parallel_loop3A_121 : i32 to index
        %parallel_loop3A_199 = arith.constant 64 : index
        %parallel_loop3A_200 = tpu.vector_load %arg9[%parallel_loop3A_198, %parallel_loop3A_199] {strides = array<i32>} : memref<32x512xf32, #tpu.memory_space<vmem>>, vector<1x16xf32>,
        %parallel_loop3A_201 = vector.shape_cast %parallel_loop3A_200 : vector<1x16xf32> to vector<16xf32>
        %parallel_loop3A_202 = arith.constant 22.6274166 : f32
        %parallel_loop3A_203 = vector.broadcast %parallel_loop3A_202 : f32 to vector<16xf32>
        %parallel_loop3A_204 = arith.mulf %parallel_loop3A_201, %parallel_loop3A_203 : vector<16xf32>
        %parallel_loop3A_205 = arith.constant 32 : i32
        %parallel_loop3A_206 = arith.addi %parallel_loop3A_205, %parallel_loop3A_121 : i32
        %parallel_loop3A_207 = arith.index_cast %parallel_loop3A_206 : i32 to index
        %parallel_loop3A_208 = arith.constant 64 : index
        %parallel_loop3A_209 = tpu.vector_load %arg7[%parallel_loop3A_207, %parallel_loop3A_208] {strides = array<i32>} : memref<64x512xf32, #tpu.memory_space<vmem>>, vector<1x16xf32>,
        %parallel_loop3A_210 = vector.shape_cast %parallel_loop3A_209 : vector<1x16xf32> to vector<16xf32>
        %parallel_loop3A_211 = arith.addf %parallel_loop3A_204, %parallel_loop3A_210 : vector<16xf32>
        %parallel_loop3A_212 = arith.index_cast %parallel_loop3A_121 : i32 to index
        %parallel_loop3A_213 = arith.constant 64 : index
        %parallel_loop3A_214 = tpu.vector_load %arg11[%parallel_loop3A_212, %parallel_loop3A_213] {strides = array<i32>} : memref<32x512xf32, #tpu.memory_space<vmem>>, vector<1x16xf32>,
        %parallel_loop3A_215 = vector.shape_cast %parallel_loop3A_214 : vector<1x16xf32> to vector<16xf32>
        %parallel_loop3A_216 = vector.shape_cast %parallel_loop3A_211 : vector<16xf32> to vector<1x16xf32>
        tpu.vector_store %arg11[%parallel_loop3A_212, %parallel_loop3A_213], %parallel_loop3A_216 {strides = array<i32>} : memref<32x512xf32, #tpu.memory_space<vmem>>, vector<1x16xf32>,
        %parallel_loop3A_217 = arith.index_cast %parallel_loop3A_121 : i32 to index
        %parallel_loop3A_218 = arith.constant 80 : index
        %parallel_loop3A_219 = tpu.vector_load %arg9[%parallel_loop3A_217, %parallel_loop3A_218] {strides = array<i32>} : memref<32x512xf32, #tpu.memory_space<vmem>>, vector<1x16xf32>,
        %parallel_loop3A_220 = vector.shape_cast %parallel_loop3A_219 : vector<1x16xf32> to vector<16xf32>
        %parallel_loop3A_221 = arith.constant 22.6274166 : f32
        %parallel_loop3A_222 = vector.broadcast %parallel_loop3A_221 : f32 to vector<16xf32>
        %parallel_loop3A_223 = arith.mulf %parallel_loop3A_220, %parallel_loop3A_222 : vector<16xf32>
        %parallel_loop3A_224 = arith.constant 32 : i32
        %parallel_loop3A_225 = arith.addi %parallel_loop3A_224, %parallel_loop3A_121 : i32
        %parallel_loop3A_226 = arith.index_cast %parallel_loop3A_225 : i32 to index
        %parallel_loop3A_227 = arith.constant 80 : index
        %parallel_loop3A_228 = tpu.vector_load %arg7[%parallel_loop3A_226, %parallel_loop3A_227] {strides = array<i32>} : memref<64x512xf32, #tpu.memory_space<vmem>>, vector<1x16xf32>,
        %parallel_loop3A_229 = vector.shape_cast %parallel_loop3A_228 : vector<1x16xf32> to vector<16xf32>
        %parallel_loop3A_230 = arith.addf %parallel_loop3A_223, %parallel_loop3A_229 : vector<16xf32>
        %parallel_loop3A_231 = arith.index_cast %parallel_loop3A_121 : i32 to index
        %parallel_loop3A_232 = arith.constant 80 : index
        %parallel_loop3A_233 = tpu.vector_load %arg11[%parallel_loop3A_231, %parallel_loop3A_232] {strides = array<i32>} : memref<32x512xf32, #tpu.memory_space<vmem>>, vector<1x16xf32>,
        %parallel_loop3A_234 = vector.shape_cast %parallel_loop3A_233 : vector<1x16xf32> to vector<16xf32>
        %parallel_loop3A_235 = vector.shape_cast %parallel_loop3A_230 : vector<16xf32> to vector<1x16xf32>
        tpu.vector_store %arg11[%parallel_loop3A_231, %parallel_loop3A_232], %parallel_loop3A_235 {strides = array<i32>} : memref<32x512xf32, #tpu.memory_space<vmem>>, vector<1x16xf32>,
        %parallel_loop3A_236 = arith.index_cast %parallel_loop3A_121 : i32 to index
        %parallel_loop3A_237 = arith.constant 96 : index
        %parallel_loop3A_238 = tpu.vector_load %arg9[%parallel_loop3A_236, %parallel_loop3A_237] {strides = array<i32>} : memref<32x512xf32, #tpu.memory_space<vmem>>, vector<1x16xf32>,
        %parallel_loop3A_239 = vector.shape_cast %parallel_loop3A_238 : vector<1x16xf32> to vector<16xf32>
        %parallel_loop3A_240 = arith.constant 22.6274166 : f32
        %parallel_loop3A_241 = vector.broadcast %parallel_loop3A_240 : f32 to vector<16xf32>
        %parallel_loop3A_242 = arith.mulf %parallel_loop3A_239, %parallel_loop3A_241 : vector<16xf32>
        %parallel_loop3A_243 = arith.constant 32 : i32
        %parallel_loop3A_244 = arith.addi %parallel_loop3A_243, %parallel_loop3A_121 : i32
        %parallel_loop3A_245 = arith.index_cast %parallel_loop3A_244 : i32 to index
        %parallel_loop3A_246 = arith.constant 96 : index
        %parallel_loop3A_247 = tpu.vector_load %arg7[%parallel_loop3A_245, %parallel_loop3A_246] {strides = array<i32>} : memref<64x512xf32, #tpu.memory_space<vmem>>, vector<1x16xf32>,
        %parallel_loop3A_248 = vector.shape_cast %parallel_loop3A_247 : vector<1x16xf32> to vector<16xf32>
        %parallel_loop3A_249 = arith.addf %parallel_loop3A_242, %parallel_loop3A_248 : vector<16xf32>
        %parallel_loop3A_250 = arith.index_cast %parallel_loop3A_121 : i32 to index
        %parallel_loop3A_251 = arith.constant 96 : index
        %parallel_loop3A_252 = tpu.vector_load %arg11[%parallel_loop3A_250, %parallel_loop3A_251] {strides = array<i32>} : memref<32x512xf32, #tpu.memory_space<vmem>>, vector<1x16xf32>,
        %parallel_loop3A_253 = vector.shape_cast %parallel_loop3A_252 : vector<1x16xf32> to vector<16xf32>
        %parallel_loop3A_254 = vector.shape_cast %parallel_loop3A_249 : vector<16xf32> to vector<1x16xf32>
        tpu.vector_store %arg11[%parallel_loop3A_250, %parallel_loop3A_251], %parallel_loop3A_254 {strides = array<i32>} : memref<32x512xf32, #tpu.memory_space<vmem>>, vector<1x16xf32>,
        %parallel_loop3A_255 = arith.index_cast %parallel_loop3A_121 : i32 to index
        %parallel_loop3A_256 = arith.constant 112 : index
        %parallel_loop3A_257 = tpu.vector_load %arg9[%parallel_loop3A_255, %parallel_loop3A_256] {strides = array<i32>} : memref<32x512xf32, #tpu.memory_space<vmem>>, vector<1x16xf32>,
        %parallel_loop3A_258 = vector.shape_cast %parallel_loop3A_257 : vector<1x16xf32> to vector<16xf32>
        %parallel_loop3A_259 = arith.constant 22.6274166 : f32
        %parallel_loop3A_260 = vector.broadcast %parallel_loop3A_259 : f32 to vector<16xf32>
        %parallel_loop3A_261 = arith.mulf %parallel_loop3A_258, %parallel_loop3A_260 : vector<16xf32>
        %parallel_loop3A_262 = arith.constant 32 : i32
        %parallel_loop3A_263 = arith.addi %parallel_loop3A_262, %parallel_loop3A_121 : i32
        %parallel_loop3A_264 = arith.index_cast %parallel_loop3A_263 : i32 to index
        %parallel_loop3A_265 = arith.constant 112 : index
        %parallel_loop3A_266 = tpu.vector_load %arg7[%parallel_loop3A_264, %parallel_loop3A_265] {strides = array<i32>} : memref<64x512xf32, #tpu.memory_space<vmem>>, vector<1x16xf32>,
        %parallel_loop3A_267 = vector.shape_cast %parallel_loop3A_266 : vector<1x16xf32> to vector<16xf32>
        %parallel_loop3A_268 = arith.addf %parallel_loop3A_261, %parallel_loop3A_267 : vector<16xf32>
        %parallel_loop3A_269 = arith.index_cast %parallel_loop3A_121 : i32 to index
        %parallel_loop3A_270 = arith.constant 112 : index
        %parallel_loop3A_271 = tpu.vector_load %arg11[%parallel_loop3A_269, %parallel_loop3A_270] {strides = array<i32>} : memref<32x512xf32, #tpu.memory_space<vmem>>, vector<1x16xf32>,
        %parallel_loop3A_272 = vector.shape_cast %parallel_loop3A_271 : vector<1x16xf32> to vector<16xf32>
        %parallel_loop3A_273 = vector.shape_cast %parallel_loop3A_268 : vector<16xf32> to vector<1x16xf32>
        tpu.vector_store %arg11[%parallel_loop3A_269, %parallel_loop3A_270], %parallel_loop3A_273 {strides = array<i32>} : memref<32x512xf32, #tpu.memory_space<vmem>>, vector<1x16xf32>,
        %parallel_loop3A_274 = arith.index_cast %parallel_loop3A_121 : i32 to index
        %parallel_loop3A_275 = arith.constant 128 : index
        %parallel_loop3A_276 = tpu.vector_load %arg9[%parallel_loop3A_274, %parallel_loop3A_275] {strides = array<i32>} : memref<32x512xf32, #tpu.memory_space<vmem>>, vector<1x16xf32>,
        %parallel_loop3A_277 = vector.shape_cast %parallel_loop3A_276 : vector<1x16xf32> to vector<16xf32>
        %parallel_loop3A_278 = arith.constant 22.6274166 : f32
        %parallel_loop3A_279 = vector.broadcast %parallel_loop3A_278 : f32 to vector<16xf32>
        %parallel_loop3A_280 = arith.mulf %parallel_loop3A_277, %parallel_loop3A_279 : vector<16xf32>
        %parallel_loop3A_281 = arith.constant 32 : i32
        %parallel_loop3A_282 = arith.addi %parallel_loop3A_281, %parallel_loop3A_121 : i32
        %parallel_loop3A_283 = arith.index_cast %parallel_loop3A_282 : i32 to index
        %parallel_loop3A_284 = arith.constant 128 : index
        %parallel_loop3A_285 = tpu.vector_load %arg7[%parallel_loop3A_283, %parallel_loop3A_284] {strides = array<i32>} : memref<64x512xf32, #tpu.memory_space<vmem>>, vector<1x16xf32>,
        %parallel_loop3A_286 = vector.shape_cast %parallel_loop3A_285 : vector<1x16xf32> to vector<16xf32>
        %parallel_loop3A_287 = arith.addf %parallel_loop3A_280, %parallel_loop3A_286 : vector<16xf32>
        %parallel_loop3A_288 = arith.index_cast %parallel_loop3A_121 : i32 to index
        %parallel_loop3A_289 = arith.constant 128 : index
        %parallel_loop3A_290 = tpu.vector_load %arg11[%parallel_loop3A_288, %parallel_loop3A_289] {strides = array<i32>} : memref<32x512xf32, #tpu.memory_space<vmem>>, vector<1x16xf32>,
        %parallel_loop3A_291 = vector.shape_cast %parallel_loop3A_290 : vector<1x16xf32> to vector<16xf32>
        %parallel_loop3A_292 = vector.shape_cast %parallel_loop3A_287 : vector<16xf32> to vector<1x16xf32>
        tpu.vector_store %arg11[%parallel_loop3A_288, %parallel_loop3A_289], %parallel_loop3A_292 {strides = array<i32>} : memref<32x512xf32, #tpu.memory_space<vmem>>, vector<1x16xf32>,
        %parallel_loop3A_293 = arith.index_cast %parallel_loop3A_121 : i32 to index
        %parallel_loop3A_294 = arith.constant 144 : index
        %parallel_loop3A_295 = tpu.vector_load %arg9[%parallel_loop3A_293, %parallel_loop3A_294] {strides = array<i32>} : memref<32x512xf32, #tpu.memory_space<vmem>>, vector<1x16xf32>,
        %parallel_loop3A_296 = vector.shape_cast %parallel_loop3A_295 : vector<1x16xf32> to vector<16xf32>
        %parallel_loop3A_297 = arith.constant 22.6274166 : f32
        %parallel_loop3A_298 = vector.broadcast %parallel_loop3A_297 : f32 to vector<16xf32>
        %parallel_loop3A_299 = arith.mulf %parallel_loop3A_296, %parallel_loop3A_298 : vector<16xf32>
        %parallel_loop3A_300 = arith.constant 32 : i32
        %parallel_loop3A_301 = arith.addi %parallel_loop3A_300, %parallel_loop3A_121 : i32
        %parallel_loop3A_302 = arith.index_cast %parallel_loop3A_301 : i32 to index
        %parallel_loop3A_303 = arith.constant 144 : index
        %parallel_loop3A_304 = tpu.vector_load %arg7[%parallel_loop3A_302, %parallel_loop3A_303] {strides = array<i32>} : memref<64x512xf32, #tpu.memory_space<vmem>>, vector<1x16xf32>,
        %parallel_loop3A_305 = vector.shape_cast %parallel_loop3A_304 : vector<1x16xf32> to vector<16xf32>
        %parallel_loop3A_306 = arith.addf %parallel_loop3A_299, %parallel_loop3A_305 : vector<16xf32>
        %parallel_loop3A_307 = arith.index_cast %parallel_loop3A_121 : i32 to index
        %parallel_loop3A_308 = arith.constant 144 : index
        %parallel_loop3A_309 = tpu.vector_load %arg11[%parallel_loop3A_307, %parallel_loop3A_308] {strides = array<i32>} : memref<32x512xf32, #tpu.memory_space<vmem>>, vector<1x16xf32>,
        %parallel_loop3A_310 = vector.shape_cast %parallel_loop3A_309 : vector<1x16xf32> to vector<16xf32>
        %parallel_loop3A_311 = vector.shape_cast %parallel_loop3A_306 : vector<16xf32> to vector<1x16xf32>
        tpu.vector_store %arg11[%parallel_loop3A_307, %parallel_loop3A_308], %parallel_loop3A_311 {strides = array<i32>} : memref<32x512xf32, #tpu.memory_space<vmem>>, vector<1x16xf32>,
        %parallel_loop3A_312 = arith.index_cast %parallel_loop3A_121 : i32 to index
        %parallel_loop3A_313 = arith.constant 160 : index
        %parallel_loop3A_314 = tpu.vector_load %arg9[%parallel_loop3A_312, %parallel_loop3A_313] {strides = array<i32>} : memref<32x512xf32, #tpu.memory_space<vmem>>, vector<1x16xf32>,
        %parallel_loop3A_315 = vector.shape_cast %parallel_loop3A_314 : vector<1x16xf32> to vector<16xf32>
        %parallel_loop3A_316 = arith.constant 22.6274166 : f32
        %parallel_loop3A_317 = vector.broadcast %parallel_loop3A_316 : f32 to vector<16xf32>
        %parallel_loop3A_318 = arith.mulf %parallel_loop3A_315, %parallel_loop3A_317 : vector<16xf32>
        %parallel_loop3A_319 = arith.constant 32 : i32
        %parallel_loop3A_320 = arith.addi %parallel_loop3A_319, %parallel_loop3A_121 : i32
        %parallel_loop3A_321 = arith.index_cast %parallel_loop3A_320 : i32 to index
        %parallel_loop3A_322 = arith.constant 160 : index
        %parallel_loop3A_323 = tpu.vector_load %arg7[%parallel_loop3A_321, %parallel_loop3A_322] {strides = array<i32>} : memref<64x512xf32, #tpu.memory_space<vmem>>, vector<1x16xf32>,
        %parallel_loop3A_324 = vector.shape_cast %parallel_loop3A_323 : vector<1x16xf32> to vector<16xf32>
        %parallel_loop3A_325 = arith.addf %parallel_loop3A_318, %parallel_loop3A_324 : vector<16xf32>
        %parallel_loop3A_326 = arith.index_cast %parallel_loop3A_121 : i32 to index
        %parallel_loop3A_327 = arith.constant 160 : index
        %parallel_loop3A_328 = tpu.vector_load %arg11[%parallel_loop3A_326, %parallel_loop3A_327] {strides = array<i32>} : memref<32x512xf32, #tpu.memory_space<vmem>>, vector<1x16xf32>,
        %parallel_loop3A_329 = vector.shape_cast %parallel_loop3A_328 : vector<1x16xf32> to vector<16xf32>
        %parallel_loop3A_330 = vector.shape_cast %parallel_loop3A_325 : vector<16xf32> to vector<1x16xf32>
        tpu.vector_store %arg11[%parallel_loop3A_326, %parallel_loop3A_327], %parallel_loop3A_330 {strides = array<i32>} : memref<32x512xf32, #tpu.memory_space<vmem>>, vector<1x16xf32>,
        %parallel_loop3A_331 = arith.index_cast %parallel_loop3A_121 : i32 to index
        %parallel_loop3A_332 = arith.constant 176 : index
        %parallel_loop3A_333 = tpu.vector_load %arg9[%parallel_loop3A_331, %parallel_loop3A_332] {strides = array<i32>} : memref<32x512xf32, #tpu.memory_space<vmem>>, vector<1x16xf32>,
        %parallel_loop3A_334 = vector.shape_cast %parallel_loop3A_333 : vector<1x16xf32> to vector<16xf32>
        %parallel_loop3A_335 = arith.constant 22.6274166 : f32
        %parallel_loop3A_336 = vector.broadcast %parallel_loop3A_335 : f32 to vector<16xf32>
        %parallel_loop3A_337 = arith.mulf %parallel_loop3A_334, %parallel_loop3A_336 : vector<16xf32>
        %parallel_loop3A_338 = arith.constant 32 : i32
        %parallel_loop3A_339 = arith.addi %parallel_loop3A_338, %parallel_loop3A_121 : i32
        %parallel_loop3A_340 = arith.index_cast %parallel_loop3A_339 : i32 to index
        %parallel_loop3A_341 = arith.constant 176 : index
        %parallel_loop3A_342 = tpu.vector_load %arg7[%parallel_loop3A_340, %parallel_loop3A_341] {strides = array<i32>} : memref<64x512xf32, #tpu.memory_space<vmem>>, vector<1x16xf32>,
        %parallel_loop3A_343 = vector.shape_cast %parallel_loop3A_342 : vector<1x16xf32> to vector<16xf32>
        %parallel_loop3A_344 = arith.addf %parallel_loop3A_337, %parallel_loop3A_343 : vector<16xf32>
        %parallel_loop3A_345 = arith.index_cast %parallel_loop3A_121 : i32 to index
        %parallel_loop3A_346 = arith.constant 176 : index
        %parallel_loop3A_347 = tpu.vector_load %arg11[%parallel_loop3A_345, %parallel_loop3A_346] {strides = array<i32>} : memref<32x512xf32, #tpu.memory_space<vmem>>, vector<1x16xf32>,
        %parallel_loop3A_348 = vector.shape_cast %parallel_loop3A_347 : vector<1x16xf32> to vector<16xf32>
        %parallel_loop3A_349 = vector.shape_cast %parallel_loop3A_344 : vector<16xf32> to vector<1x16xf32>
        tpu.vector_store %arg11[%parallel_loop3A_345, %parallel_loop3A_346], %parallel_loop3A_349 {strides = array<i32>} : memref<32x512xf32, #tpu.memory_space<vmem>>, vector<1x16xf32>,
        %parallel_loop3A_350 = arith.index_cast %parallel_loop3A_121 : i32 to index
        %parallel_loop3A_351 = arith.constant 192 : index
        %parallel_loop3A_352 = tpu.vector_load %arg9[%parallel_loop3A_350, %parallel_loop3A_351] {strides = array<i32>} : memref<32x512xf32, #tpu.memory_space<vmem>>, vector<1x16xf32>,
        %parallel_loop3A_353 = vector.shape_cast %parallel_loop3A_352 : vector<1x16xf32> to vector<16xf32>
        %parallel_loop3A_354 = arith.constant 22.6274166 : f32
        %parallel_loop3A_355 = vector.broadcast %parallel_loop3A_354 : f32 to vector<16xf32>
        %parallel_loop3A_356 = arith.mulf %parallel_loop3A_353, %parallel_loop3A_355 : vector<16xf32>
        %parallel_loop3A_357 = arith.constant 32 : i32
        %parallel_loop3A_358 = arith.addi %parallel_loop3A_357, %parallel_loop3A_121 : i32
        %parallel_loop3A_359 = arith.index_cast %parallel_loop3A_358 : i32 to index
        %parallel_loop3A_360 = arith.constant 192 : index
        %parallel_loop3A_361 = tpu.vector_load %arg7[%parallel_loop3A_359, %parallel_loop3A_360] {strides = array<i32>} : memref<64x512xf32, #tpu.memory_space<vmem>>, vector<1x16xf32>,
        %parallel_loop3A_362 = vector.shape_cast %parallel_loop3A_361 : vector<1x16xf32> to vector<16xf32>
        %parallel_loop3A_363 = arith.addf %parallel_loop3A_356, %parallel_loop3A_362 : vector<16xf32>
        %parallel_loop3A_364 = arith.index_cast %parallel_loop3A_121 : i32 to index
        %parallel_loop3A_365 = arith.constant 192 : index
        %parallel_loop3A_366 = tpu.vector_load %arg11[%parallel_loop3A_364, %parallel_loop3A_365] {strides = array<i32>} : memref<32x512xf32, #tpu.memory_space<vmem>>, vector<1x16xf32>,
        %parallel_loop3A_367 = vector.shape_cast %parallel_loop3A_366 : vector<1x16xf32> to vector<16xf32>
        %parallel_loop3A_368 = vector.shape_cast %parallel_loop3A_363 : vector<16xf32> to vector<1x16xf32>
        tpu.vector_store %arg11[%parallel_loop3A_364, %parallel_loop3A_365], %parallel_loop3A_368 {strides = array<i32>} : memref<32x512xf32, #tpu.memory_space<vmem>>, vector<1x16xf32>,
        %parallel_loop3A_369 = arith.index_cast %parallel_loop3A_121 : i32 to index
        %parallel_loop3A_370 = arith.constant 208 : index
        %parallel_loop3A_371 = tpu.vector_load %arg9[%parallel_loop3A_369, %parallel_loop3A_370] {strides = array<i32>} : memref<32x512xf32, #tpu.memory_space<vmem>>, vector<1x16xf32>,
        %parallel_loop3A_372 = vector.shape_cast %parallel_loop3A_371 : vector<1x16xf32> to vector<16xf32>
        %parallel_loop3A_373 = arith.constant 22.6274166 : f32
        %parallel_loop3A_374 = vector.broadcast %parallel_loop3A_373 : f32 to vector<16xf32>
        %parallel_loop3A_375 = arith.mulf %parallel_loop3A_372, %parallel_loop3A_374 : vector<16xf32>
        %parallel_loop3A_376 = arith.constant 32 : i32
        %parallel_loop3A_377 = arith.addi %parallel_loop3A_376, %parallel_loop3A_121 : i32
        %parallel_loop3A_378 = arith.index_cast %parallel_loop3A_377 : i32 to index
        %parallel_loop3A_379 = arith.constant 208 : index
        %parallel_loop3A_380 = tpu.vector_load %arg7[%parallel_loop3A_378, %parallel_loop3A_379] {strides = array<i32>} : memref<64x512xf32, #tpu.memory_space<vmem>>, vector<1x16xf32>,
        %parallel_loop3A_381 = vector.shape_cast %parallel_loop3A_380 : vector<1x16xf32> to vector<16xf32>
        %parallel_loop3A_382 = arith.addf %parallel_loop3A_375, %parallel_loop3A_381 : vector<16xf32>
        %parallel_loop3A_383 = arith.index_cast %parallel_loop3A_121 : i32 to index
        %parallel_loop3A_384 = arith.constant 208 : index
        %parallel_loop3A_385 = tpu.vector_load %arg11[%parallel_loop3A_383, %parallel_loop3A_384] {strides = array<i32>} : memref<32x512xf32, #tpu.memory_space<vmem>>, vector<1x16xf32>,
        %parallel_loop3A_386 = vector.shape_cast %parallel_loop3A_385 : vector<1x16xf32> to vector<16xf32>
        %parallel_loop3A_387 = vector.shape_cast %parallel_loop3A_382 : vector<16xf32> to vector<1x16xf32>
        tpu.vector_store %arg11[%parallel_loop3A_383, %parallel_loop3A_384], %parallel_loop3A_387 {strides = array<i32>} : memref<32x512xf32, #tpu.memory_space<vmem>>, vector<1x16xf32>,
        %parallel_loop3A_388 = arith.index_cast %parallel_loop3A_121 : i32 to index
        %parallel_loop3A_389 = arith.constant 224 : index
        %parallel_loop3A_390 = tpu.vector_load %arg9[%parallel_loop3A_388, %parallel_loop3A_389] {strides = array<i32>} : memref<32x512xf32, #tpu.memory_space<vmem>>, vector<1x16xf32>,
        %parallel_loop3A_391 = vector.shape_cast %parallel_loop3A_390 : vector<1x16xf32> to vector<16xf32>
        %parallel_loop3A_392 = arith.constant 22.6274166 : f32
        %parallel_loop3A_393 = vector.broadcast %parallel_loop3A_392 : f32 to vector<16xf32>
        %parallel_loop3A_394 = arith.mulf %parallel_loop3A_391, %parallel_loop3A_393 : vector<16xf32>
        %parallel_loop3A_395 = arith.constant 32 : i32
        %parallel_loop3A_396 = arith.addi %parallel_loop3A_395, %parallel_loop3A_121 : i32
        %parallel_loop3A_397 = arith.index_cast %parallel_loop3A_396 : i32 to index
        %parallel_loop3A_398 = arith.constant 224 : index
        %parallel_loop3A_399 = tpu.vector_load %arg7[%parallel_loop3A_397, %parallel_loop3A_398] {strides = array<i32>} : memref<64x512xf32, #tpu.memory_space<vmem>>, vector<1x16xf32>,
        %parallel_loop3A_400 = vector.shape_cast %parallel_loop3A_399 : vector<1x16xf32> to vector<16xf32>
        %parallel_loop3A_401 = arith.addf %parallel_loop3A_394, %parallel_loop3A_400 : vector<16xf32>
        %parallel_loop3A_402 = arith.index_cast %parallel_loop3A_121 : i32 to index
        %parallel_loop3A_403 = arith.constant 224 : index
        %parallel_loop3A_404 = tpu.vector_load %arg11[%parallel_loop3A_402, %parallel_loop3A_403] {strides = array<i32>} : memref<32x512xf32, #tpu.memory_space<vmem>>, vector<1x16xf32>,
        %parallel_loop3A_405 = vector.shape_cast %parallel_loop3A_404 : vector<1x16xf32> to vector<16xf32>
        %parallel_loop3A_406 = vector.shape_cast %parallel_loop3A_401 : vector<16xf32> to vector<1x16xf32>
        tpu.vector_store %arg11[%parallel_loop3A_402, %parallel_loop3A_403], %parallel_loop3A_406 {strides = array<i32>} : memref<32x512xf32, #tpu.memory_space<vmem>>, vector<1x16xf32>,
        %parallel_loop3A_407 = arith.index_cast %parallel_loop3A_121 : i32 to index
        %parallel_loop3A_408 = arith.constant 240 : index
        %parallel_loop3A_409 = tpu.vector_load %arg9[%parallel_loop3A_407, %parallel_loop3A_408] {strides = array<i32>} : memref<32x512xf32, #tpu.memory_space<vmem>>, vector<1x16xf32>,
        %parallel_loop3A_410 = vector.shape_cast %parallel_loop3A_409 : vector<1x16xf32> to vector<16xf32>
        %parallel_loop3A_411 = arith.constant 22.6274166 : f32
        %parallel_loop3A_412 = vector.broadcast %parallel_loop3A_411 : f32 to vector<16xf32>
        %parallel_loop3A_413 = arith.mulf %parallel_loop3A_410, %parallel_loop3A_412 : vector<16xf32>
        %parallel_loop3A_414 = arith.constant 32 : i32
        %parallel_loop3A_415 = arith.addi %parallel_loop3A_414, %parallel_loop3A_121 : i32
        %parallel_loop3A_416 = arith.index_cast %parallel_loop3A_415 : i32 to index
        %parallel_loop3A_417 = arith.constant 240 : index
        %parallel_loop3A_418 = tpu.vector_load %arg7[%parallel_loop3A_416, %parallel_loop3A_417] {strides = array<i32>} : memref<64x512xf32, #tpu.memory_space<vmem>>, vector<1x16xf32>,
        %parallel_loop3A_419 = vector.shape_cast %parallel_loop3A_418 : vector<1x16xf32> to vector<16xf32>
        %parallel_loop3A_420 = arith.addf %parallel_loop3A_413, %parallel_loop3A_419 : vector<16xf32>
        %parallel_loop3A_421 = arith.index_cast %parallel_loop3A_121 : i32 to index
        %parallel_loop3A_422 = arith.constant 240 : index
        %parallel_loop3A_423 = tpu.vector_load %arg11[%parallel_loop3A_421, %parallel_loop3A_422] {strides = array<i32>} : memref<32x512xf32, #tpu.memory_space<vmem>>, vector<1x16xf32>,
        %parallel_loop3A_424 = vector.shape_cast %parallel_loop3A_423 : vector<1x16xf32> to vector<16xf32>
        %parallel_loop3A_425 = vector.shape_cast %parallel_loop3A_420 : vector<16xf32> to vector<1x16xf32>
        tpu.vector_store %arg11[%parallel_loop3A_421, %parallel_loop3A_422], %parallel_loop3A_425 {strides = array<i32>} : memref<32x512xf32, #tpu.memory_space<vmem>>, vector<1x16xf32>,
        %parallel_loop3A_426 = arith.index_cast %parallel_loop3A_121 : i32 to index
        %parallel_loop3A_427 = arith.constant 256 : index
        %parallel_loop3A_428 = tpu.vector_load %arg9[%parallel_loop3A_426, %parallel_loop3A_427] {strides = array<i32>} : memref<32x512xf32, #tpu.memory_space<vmem>>, vector<1x16xf32>,
        %parallel_loop3A_429 = vector.shape_cast %parallel_loop3A_428 : vector<1x16xf32> to vector<16xf32>
        %parallel_loop3A_430 = arith.constant 22.6274166 : f32
        %parallel_loop3A_431 = vector.broadcast %parallel_loop3A_430 : f32 to vector<16xf32>
        %parallel_loop3A_432 = arith.mulf %parallel_loop3A_429, %parallel_loop3A_431 : vector<16xf32>
        %parallel_loop3A_433 = arith.constant 32 : i32
        %parallel_loop3A_434 = arith.addi %parallel_loop3A_433, %parallel_loop3A_121 : i32
        %parallel_loop3A_435 = arith.index_cast %parallel_loop3A_434 : i32 to index
        %parallel_loop3A_436 = arith.constant 256 : index
        %parallel_loop3A_437 = tpu.vector_load %arg7[%parallel_loop3A_435, %parallel_loop3A_436] {strides = array<i32>} : memref<64x512xf32, #tpu.memory_space<vmem>>, vector<1x16xf32>,
        %parallel_loop3A_438 = vector.shape_cast %parallel_loop3A_437 : vector<1x16xf32> to vector<16xf32>
        %parallel_loop3A_439 = arith.addf %parallel_loop3A_432, %parallel_loop3A_438 : vector<16xf32>
        %parallel_loop3A_440 = arith.index_cast %parallel_loop3A_121 : i32 to index
        %parallel_loop3A_441 = arith.constant 256 : index
        %parallel_loop3A_442 = tpu.vector_load %arg11[%parallel_loop3A_440, %parallel_loop3A_441] {strides = array<i32>} : memref<32x512xf32, #tpu.memory_space<vmem>>, vector<1x16xf32>,
        %parallel_loop3A_443 = vector.shape_cast %parallel_loop3A_442 : vector<1x16xf32> to vector<16xf32>
        %parallel_loop3A_444 = vector.shape_cast %parallel_loop3A_439 : vector<16xf32> to vector<1x16xf32>
        tpu.vector_store %arg11[%parallel_loop3A_440, %parallel_loop3A_441], %parallel_loop3A_444 {strides = array<i32>} : memref<32x512xf32, #tpu.memory_space<vmem>>, vector<1x16xf32>,
        %parallel_loop3A_445 = arith.index_cast %parallel_loop3A_121 : i32 to index
        %parallel_loop3A_446 = arith.constant 272 : index
        %parallel_loop3A_447 = tpu.vector_load %arg9[%parallel_loop3A_445, %parallel_loop3A_446] {strides = array<i32>} : memref<32x512xf32, #tpu.memory_space<vmem>>, vector<1x16xf32>,
        %parallel_loop3A_448 = vector.shape_cast %parallel_loop3A_447 : vector<1x16xf32> to vector<16xf32>
        %parallel_loop3A_449 = arith.constant 22.6274166 : f32
        %parallel_loop3A_450 = vector.broadcast %parallel_loop3A_449 : f32 to vector<16xf32>
        %parallel_loop3A_451 = arith.mulf %parallel_loop3A_448, %parallel_loop3A_450 : vector<16xf32>
        %parallel_loop3A_452 = arith.constant 32 : i32
        %parallel_loop3A_453 = arith.addi %parallel_loop3A_452, %parallel_loop3A_121 : i32
        %parallel_loop3A_454 = arith.index_cast %parallel_loop3A_453 : i32 to index
        %parallel_loop3A_455 = arith.constant 272 : index
        %parallel_loop3A_456 = tpu.vector_load %arg7[%parallel_loop3A_454, %parallel_loop3A_455] {strides = array<i32>} : memref<64x512xf32, #tpu.memory_space<vmem>>, vector<1x16xf32>,
        %parallel_loop3A_457 = vector.shape_cast %parallel_loop3A_456 : vector<1x16xf32> to vector<16xf32>
        %parallel_loop3A_458 = arith.addf %parallel_loop3A_451, %parallel_loop3A_457 : vector<16xf32>
        %parallel_loop3A_459 = arith.index_cast %parallel_loop3A_121 : i32 to index
        %parallel_loop3A_460 = arith.constant 272 : index
        %parallel_loop3A_461 = tpu.vector_load %arg11[%parallel_loop3A_459, %parallel_loop3A_460] {strides = array<i32>} : memref<32x512xf32, #tpu.memory_space<vmem>>, vector<1x16xf32>,
        %parallel_loop3A_462 = vector.shape_cast %parallel_loop3A_461 : vector<1x16xf32> to vector<16xf32>
        %parallel_loop3A_463 = vector.shape_cast %parallel_loop3A_458 : vector<16xf32> to vector<1x16xf32>
        tpu.vector_store %arg11[%parallel_loop3A_459, %parallel_loop3A_460], %parallel_loop3A_463 {strides = array<i32>} : memref<32x512xf32, #tpu.memory_space<vmem>>, vector<1x16xf32>,
        %parallel_loop3A_464 = arith.index_cast %parallel_loop3A_121 : i32 to index
        %parallel_loop3A_465 = arith.constant 288 : index
        %parallel_loop3A_466 = tpu.vector_load %arg9[%parallel_loop3A_464, %parallel_loop3A_465] {strides = array<i32>} : memref<32x512xf32, #tpu.memory_space<vmem>>, vector<1x16xf32>,
        %parallel_loop3A_467 = vector.shape_cast %parallel_loop3A_466 : vector<1x16xf32> to vector<16xf32>
        %parallel_loop3A_468 = arith.constant 22.6274166 : f32
        %parallel_loop3A_469 = vector.broadcast %parallel_loop3A_468 : f32 to vector<16xf32>
        %parallel_loop3A_470 = arith.mulf %parallel_loop3A_467, %parallel_loop3A_469 : vector<16xf32>
        %parallel_loop3A_471 = arith.constant 32 : i32
        %parallel_loop3A_472 = arith.addi %parallel_loop3A_471, %parallel_loop3A_121 : i32
        %parallel_loop3A_473 = arith.index_cast %parallel_loop3A_472 : i32 to index
        %parallel_loop3A_474 = arith.constant 288 : index
        %parallel_loop3A_475 = tpu.vector_load %arg7[%parallel_loop3A_473, %parallel_loop3A_474] {strides = array<i32>} : memref<64x512xf32, #tpu.memory_space<vmem>>, vector<1x16xf32>,
        %parallel_loop3A_476 = vector.shape_cast %parallel_loop3A_475 : vector<1x16xf32> to vector<16xf32>
        %parallel_loop3A_477 = arith.addf %parallel_loop3A_470, %parallel_loop3A_476 : vector<16xf32>
        %parallel_loop3A_478 = arith.index_cast %parallel_loop3A_121 : i32 to index
        %parallel_loop3A_479 = arith.constant 288 : index
        %parallel_loop3A_480 = tpu.vector_load %arg11[%parallel_loop3A_478, %parallel_loop3A_479] {strides = array<i32>} : memref<32x512xf32, #tpu.memory_space<vmem>>, vector<1x16xf32>,
        %parallel_loop3A_481 = vector.shape_cast %parallel_loop3A_480 : vector<1x16xf32> to vector<16xf32>
        %parallel_loop3A_482 = vector.shape_cast %parallel_loop3A_477 : vector<16xf32> to vector<1x16xf32>
        tpu.vector_store %arg11[%parallel_loop3A_478, %parallel_loop3A_479], %parallel_loop3A_482 {strides = array<i32>} : memref<32x512xf32, #tpu.memory_space<vmem>>, vector<1x16xf32>,
        %parallel_loop3A_483 = arith.index_cast %parallel_loop3A_121 : i32 to index
        %parallel_loop3A_484 = arith.constant 304 : index
        %parallel_loop3A_485 = tpu.vector_load %arg9[%parallel_loop3A_483, %parallel_loop3A_484] {strides = array<i32>} : memref<32x512xf32, #tpu.memory_space<vmem>>, vector<1x16xf32>,
        %parallel_loop3A_486 = vector.shape_cast %parallel_loop3A_485 : vector<1x16xf32> to vector<16xf32>
        %parallel_loop3A_487 = arith.constant 22.6274166 : f32
        %parallel_loop3A_488 = vector.broadcast %parallel_loop3A_487 : f32 to vector<16xf32>
        %parallel_loop3A_489 = arith.mulf %parallel_loop3A_486, %parallel_loop3A_488 : vector<16xf32>
        %parallel_loop3A_490 = arith.constant 32 : i32
        %parallel_loop3A_491 = arith.addi %parallel_loop3A_490, %parallel_loop3A_121 : i32
        %parallel_loop3A_492 = arith.index_cast %parallel_loop3A_491 : i32 to index
        %parallel_loop3A_493 = arith.constant 304 : index
        %parallel_loop3A_494 = tpu.vector_load %arg7[%parallel_loop3A_492, %parallel_loop3A_493] {strides = array<i32>} : memref<64x512xf32, #tpu.memory_space<vmem>>, vector<1x16xf32>,
        %parallel_loop3A_495 = vector.shape_cast %parallel_loop3A_494 : vector<1x16xf32> to vector<16xf32>
        %parallel_loop3A_496 = arith.addf %parallel_loop3A_489, %parallel_loop3A_495 : vector<16xf32>
        %parallel_loop3A_497 = arith.index_cast %parallel_loop3A_121 : i32 to index
        %parallel_loop3A_498 = arith.constant 304 : index
        %parallel_loop3A_499 = tpu.vector_load %arg11[%parallel_loop3A_497, %parallel_loop3A_498] {strides = array<i32>} : memref<32x512xf32, #tpu.memory_space<vmem>>, vector<1x16xf32>,
        %parallel_loop3A_500 = vector.shape_cast %parallel_loop3A_499 : vector<1x16xf32> to vector<16xf32>
        %parallel_loop3A_501 = vector.shape_cast %parallel_loop3A_496 : vector<16xf32> to vector<1x16xf32>
        tpu.vector_store %arg11[%parallel_loop3A_497, %parallel_loop3A_498], %parallel_loop3A_501 {strides = array<i32>} : memref<32x512xf32, #tpu.memory_space<vmem>>, vector<1x16xf32>,
        %parallel_loop3A_502 = arith.index_cast %parallel_loop3A_121 : i32 to index
        %parallel_loop3A_503 = arith.constant 320 : index
        %parallel_loop3A_504 = tpu.vector_load %arg9[%parallel_loop3A_502, %parallel_loop3A_503] {strides = array<i32>} : memref<32x512xf32, #tpu.memory_space<vmem>>, vector<1x16xf32>,
        %parallel_loop3A_505 = vector.shape_cast %parallel_loop3A_504 : vector<1x16xf32> to vector<16xf32>
        %parallel_loop3A_506 = arith.constant 22.6274166 : f32
        %parallel_loop3A_507 = vector.broadcast %parallel_loop3A_506 : f32 to vector<16xf32>
        %parallel_loop3A_508 = arith.mulf %parallel_loop3A_505, %parallel_loop3A_507 : vector<16xf32>
        %parallel_loop3A_509 = arith.constant 32 : i32
        %parallel_loop3A_510 = arith.addi %parallel_loop3A_509, %parallel_loop3A_121 : i32
        %parallel_loop3A_511 = arith.index_cast %parallel_loop3A_510 : i32 to index
        %parallel_loop3A_512 = arith.constant 320 : index
        %parallel_loop3A_513 = tpu.vector_load %arg7[%parallel_loop3A_511, %parallel_loop3A_512] {strides = array<i32>} : memref<64x512xf32, #tpu.memory_space<vmem>>, vector<1x16xf32>,
        %parallel_loop3A_514 = vector.shape_cast %parallel_loop3A_513 : vector<1x16xf32> to vector<16xf32>
        %parallel_loop3A_515 = arith.addf %parallel_loop3A_508, %parallel_loop3A_514 : vector<16xf32>
        %parallel_loop3A_516 = arith.index_cast %parallel_loop3A_121 : i32 to index
        %parallel_loop3A_517 = arith.constant 320 : index
        %parallel_loop3A_518 = tpu.vector_load %arg11[%parallel_loop3A_516, %parallel_loop3A_517] {strides = array<i32>} : memref<32x512xf32, #tpu.memory_space<vmem>>, vector<1x16xf32>,
        %parallel_loop3A_519 = vector.shape_cast %parallel_loop3A_518 : vector<1x16xf32> to vector<16xf32>
        %parallel_loop3A_520 = vector.shape_cast %parallel_loop3A_515 : vector<16xf32> to vector<1x16xf32>
        tpu.vector_store %arg11[%parallel_loop3A_516, %parallel_loop3A_517], %parallel_loop3A_520 {strides = array<i32>} : memref<32x512xf32, #tpu.memory_space<vmem>>, vector<1x16xf32>,
        %parallel_loop3A_521 = arith.index_cast %parallel_loop3A_121 : i32 to index
        %parallel_loop3A_522 = arith.constant 336 : index
        %parallel_loop3A_523 = tpu.vector_load %arg9[%parallel_loop3A_521, %parallel_loop3A_522] {strides = array<i32>} : memref<32x512xf32, #tpu.memory_space<vmem>>, vector<1x16xf32>,
        %parallel_loop3A_524 = vector.shape_cast %parallel_loop3A_523 : vector<1x16xf32> to vector<16xf32>
        %parallel_loop3A_525 = arith.constant 22.6274166 : f32
        %parallel_loop3A_526 = vector.broadcast %parallel_loop3A_525 : f32 to vector<16xf32>
        %parallel_loop3A_527 = arith.mulf %parallel_loop3A_524, %parallel_loop3A_526 : vector<16xf32>
        %parallel_loop3A_528 = arith.constant 32 : i32
        %parallel_loop3A_529 = arith.addi %parallel_loop3A_528, %parallel_loop3A_121 : i32
        %parallel_loop3A_530 = arith.index_cast %parallel_loop3A_529 : i32 to index
        %parallel_loop3A_531 = arith.constant 336 : index
        %parallel_loop3A_532 = tpu.vector_load %arg7[%parallel_loop3A_530, %parallel_loop3A_531] {strides = array<i32>} : memref<64x512xf32, #tpu.memory_space<vmem>>, vector<1x16xf32>,
        %parallel_loop3A_533 = vector.shape_cast %parallel_loop3A_532 : vector<1x16xf32> to vector<16xf32>
        %parallel_loop3A_534 = arith.addf %parallel_loop3A_527, %parallel_loop3A_533 : vector<16xf32>
        %parallel_loop3A_535 = arith.index_cast %parallel_loop3A_121 : i32 to index
        %parallel_loop3A_536 = arith.constant 336 : index
        %parallel_loop3A_537 = tpu.vector_load %arg11[%parallel_loop3A_535, %parallel_loop3A_536] {strides = array<i32>} : memref<32x512xf32, #tpu.memory_space<vmem>>, vector<1x16xf32>,
        %parallel_loop3A_538 = vector.shape_cast %parallel_loop3A_537 : vector<1x16xf32> to vector<16xf32>
        %parallel_loop3A_539 = vector.shape_cast %parallel_loop3A_534 : vector<16xf32> to vector<1x16xf32>
        tpu.vector_store %arg11[%parallel_loop3A_535, %parallel_loop3A_536], %parallel_loop3A_539 {strides = array<i32>} : memref<32x512xf32, #tpu.memory_space<vmem>>, vector<1x16xf32>,
        %parallel_loop3A_540 = arith.index_cast %parallel_loop3A_121 : i32 to index
        %parallel_loop3A_541 = arith.constant 352 : index
        %parallel_loop3A_542 = tpu.vector_load %arg9[%parallel_loop3A_540, %parallel_loop3A_541] {strides = array<i32>} : memref<32x512xf32, #tpu.memory_space<vmem>>, vector<1x16xf32>,
        %parallel_loop3A_543 = vector.shape_cast %parallel_loop3A_542 : vector<1x16xf32> to vector<16xf32>
        %parallel_loop3A_544 = arith.constant 22.6274166 : f32
        %parallel_loop3A_545 = vector.broadcast %parallel_loop3A_544 : f32 to vector<16xf32>
        %parallel_loop3A_546 = arith.mulf %parallel_loop3A_543, %parallel_loop3A_545 : vector<16xf32>
        %parallel_loop3A_547 = arith.constant 32 : i32
        %parallel_loop3A_548 = arith.addi %parallel_loop3A_547, %parallel_loop3A_121 : i32
        %parallel_loop3A_549 = arith.index_cast %parallel_loop3A_548 : i32 to index
        %parallel_loop3A_550 = arith.constant 352 : index
        %parallel_loop3A_551 = tpu.vector_load %arg7[%parallel_loop3A_549, %parallel_loop3A_550] {strides = array<i32>} : memref<64x512xf32, #tpu.memory_space<vmem>>, vector<1x16xf32>,
        %parallel_loop3A_552 = vector.shape_cast %parallel_loop3A_551 : vector<1x16xf32> to vector<16xf32>
        %parallel_loop3A_553 = arith.addf %parallel_loop3A_546, %parallel_loop3A_552 : vector<16xf32>
        %parallel_loop3A_554 = arith.index_cast %parallel_loop3A_121 : i32 to index
        %parallel_loop3A_555 = arith.constant 352 : index
        %parallel_loop3A_556 = tpu.vector_load %arg11[%parallel_loop3A_554, %parallel_loop3A_555] {strides = array<i32>} : memref<32x512xf32, #tpu.memory_space<vmem>>, vector<1x16xf32>,
        %parallel_loop3A_557 = vector.shape_cast %parallel_loop3A_556 : vector<1x16xf32> to vector<16xf32>
        %parallel_loop3A_558 = vector.shape_cast %parallel_loop3A_553 : vector<16xf32> to vector<1x16xf32>
        tpu.vector_store %arg11[%parallel_loop3A_554, %parallel_loop3A_555], %parallel_loop3A_558 {strides = array<i32>} : memref<32x512xf32, #tpu.memory_space<vmem>>, vector<1x16xf32>,
        %parallel_loop3A_559 = arith.index_cast %parallel_loop3A_121 : i32 to index
        %parallel_loop3A_560 = arith.constant 368 : index
        %parallel_loop3A_561 = tpu.vector_load %arg9[%parallel_loop3A_559, %parallel_loop3A_560] {strides = array<i32>} : memref<32x512xf32, #tpu.memory_space<vmem>>, vector<1x16xf32>,
        %parallel_loop3A_562 = vector.shape_cast %parallel_loop3A_561 : vector<1x16xf32> to vector<16xf32>
        %parallel_loop3A_563 = arith.constant 22.6274166 : f32
        %parallel_loop3A_564 = vector.broadcast %parallel_loop3A_563 : f32 to vector<16xf32>
        %parallel_loop3A_565 = arith.mulf %parallel_loop3A_562, %parallel_loop3A_564 : vector<16xf32>
        %parallel_loop3A_566 = arith.constant 32 : i32
        %parallel_loop3A_567 = arith.addi %parallel_loop3A_566, %parallel_loop3A_121 : i32
        %parallel_loop3A_568 = arith.index_cast %parallel_loop3A_567 : i32 to index
        %parallel_loop3A_569 = arith.constant 368 : index
        %parallel_loop3A_570 = tpu.vector_load %arg7[%parallel_loop3A_568, %parallel_loop3A_569] {strides = array<i32>} : memref<64x512xf32, #tpu.memory_space<vmem>>, vector<1x16xf32>,
        %parallel_loop3A_571 = vector.shape_cast %parallel_loop3A_570 : vector<1x16xf32> to vector<16xf32>
        %parallel_loop3A_572 = arith.addf %parallel_loop3A_565, %parallel_loop3A_571 : vector<16xf32>
        %parallel_loop3A_573 = arith.index_cast %parallel_loop3A_121 : i32 to index
        %parallel_loop3A_574 = arith.constant 368 : index
        %parallel_loop3A_575 = tpu.vector_load %arg11[%parallel_loop3A_573, %parallel_loop3A_574] {strides = array<i32>} : memref<32x512xf32, #tpu.memory_space<vmem>>, vector<1x16xf32>,
        %parallel_loop3A_576 = vector.shape_cast %parallel_loop3A_575 : vector<1x16xf32> to vector<16xf32>
        %parallel_loop3A_577 = vector.shape_cast %parallel_loop3A_572 : vector<16xf32> to vector<1x16xf32>
        tpu.vector_store %arg11[%parallel_loop3A_573, %parallel_loop3A_574], %parallel_loop3A_577 {strides = array<i32>} : memref<32x512xf32, #tpu.memory_space<vmem>>, vector<1x16xf32>,
        %parallel_loop3A_578 = arith.index_cast %parallel_loop3A_121 : i32 to index
        %parallel_loop3A_579 = arith.constant 384 : index
        %parallel_loop3A_580 = tpu.vector_load %arg9[%parallel_loop3A_578, %parallel_loop3A_579] {strides = array<i32>} : memref<32x512xf32, #tpu.memory_space<vmem>>, vector<1x16xf32>,
        %parallel_loop3A_581 = vector.shape_cast %parallel_loop3A_580 : vector<1x16xf32> to vector<16xf32>
        %parallel_loop3A_582 = arith.constant 22.6274166 : f32
        %parallel_loop3A_583 = vector.broadcast %parallel_loop3A_582 : f32 to vector<16xf32>
        %parallel_loop3A_584 = arith.mulf %parallel_loop3A_581, %parallel_loop3A_583 : vector<16xf32>
        %parallel_loop3A_585 = arith.constant 32 : i32
        %parallel_loop3A_586 = arith.addi %parallel_loop3A_585, %parallel_loop3A_121 : i32
        %parallel_loop3A_587 = arith.index_cast %parallel_loop3A_586 : i32 to index
        %parallel_loop3A_588 = arith.constant 384 : index
        %parallel_loop3A_589 = tpu.vector_load %arg7[%parallel_loop3A_587, %parallel_loop3A_588] {strides = array<i32>} : memref<64x512xf32, #tpu.memory_space<vmem>>, vector<1x16xf32>,
        %parallel_loop3A_590 = vector.shape_cast %parallel_loop3A_589 : vector<1x16xf32> to vector<16xf32>
        %parallel_loop3A_591 = arith.addf %parallel_loop3A_584, %parallel_loop3A_590 : vector<16xf32>
        %parallel_loop3A_592 = arith.index_cast %parallel_loop3A_121 : i32 to index
        %parallel_loop3A_593 = arith.constant 384 : index
        %parallel_loop3A_594 = tpu.vector_load %arg11[%parallel_loop3A_592, %parallel_loop3A_593] {strides = array<i32>} : memref<32x512xf32, #tpu.memory_space<vmem>>, vector<1x16xf32>,
        %parallel_loop3A_595 = vector.shape_cast %parallel_loop3A_594 : vector<1x16xf32> to vector<16xf32>
        %parallel_loop3A_596 = vector.shape_cast %parallel_loop3A_591 : vector<16xf32> to vector<1x16xf32>
        tpu.vector_store %arg11[%parallel_loop3A_592, %parallel_loop3A_593], %parallel_loop3A_596 {strides = array<i32>} : memref<32x512xf32, #tpu.memory_space<vmem>>, vector<1x16xf32>,
        %parallel_loop3A_597 = arith.index_cast %parallel_loop3A_121 : i32 to index
        %parallel_loop3A_598 = arith.constant 400 : index
        %parallel_loop3A_599 = tpu.vector_load %arg9[%parallel_loop3A_597, %parallel_loop3A_598] {strides = array<i32>} : memref<32x512xf32, #tpu.memory_space<vmem>>, vector<1x16xf32>,
        %parallel_loop3A_600 = vector.shape_cast %parallel_loop3A_599 : vector<1x16xf32> to vector<16xf32>
        %parallel_loop3A_601 = arith.constant 22.6274166 : f32
        %parallel_loop3A_602 = vector.broadcast %parallel_loop3A_601 : f32 to vector<16xf32>
        %parallel_loop3A_603 = arith.mulf %parallel_loop3A_600, %parallel_loop3A_602 : vector<16xf32>
        %parallel_loop3A_604 = arith.constant 32 : i32
        %parallel_loop3A_605 = arith.addi %parallel_loop3A_604, %parallel_loop3A_121 : i32
        %parallel_loop3A_606 = arith.index_cast %parallel_loop3A_605 : i32 to index
        %parallel_loop3A_607 = arith.constant 400 : index
        %parallel_loop3A_608 = tpu.vector_load %arg7[%parallel_loop3A_606, %parallel_loop3A_607] {strides = array<i32>} : memref<64x512xf32, #tpu.memory_space<vmem>>, vector<1x16xf32>,
        %parallel_loop3A_609 = vector.shape_cast %parallel_loop3A_608 : vector<1x16xf32> to vector<16xf32>
        %parallel_loop3A_610 = arith.addf %parallel_loop3A_603, %parallel_loop3A_609 : vector<16xf32>
        %parallel_loop3A_611 = arith.index_cast %parallel_loop3A_121 : i32 to index
        %parallel_loop3A_612 = arith.constant 400 : index
        %parallel_loop3A_613 = tpu.vector_load %arg11[%parallel_loop3A_611, %parallel_loop3A_612] {strides = array<i32>} : memref<32x512xf32, #tpu.memory_space<vmem>>, vector<1x16xf32>,
        %parallel_loop3A_614 = vector.shape_cast %parallel_loop3A_613 : vector<1x16xf32> to vector<16xf32>
        %parallel_loop3A_615 = vector.shape_cast %parallel_loop3A_610 : vector<16xf32> to vector<1x16xf32>
        tpu.vector_store %arg11[%parallel_loop3A_611, %parallel_loop3A_612], %parallel_loop3A_615 {strides = array<i32>} : memref<32x512xf32, #tpu.memory_space<vmem>>, vector<1x16xf32>,
        %parallel_loop3A_616 = arith.index_cast %parallel_loop3A_121 : i32 to index
        %parallel_loop3A_617 = arith.constant 416 : index
        %parallel_loop3A_618 = tpu.vector_load %arg9[%parallel_loop3A_616, %parallel_loop3A_617] {strides = array<i32>} : memref<32x512xf32, #tpu.memory_space<vmem>>, vector<1x16xf32>,
        %parallel_loop3A_619 = vector.shape_cast %parallel_loop3A_618 : vector<1x16xf32> to vector<16xf32>
        %parallel_loop3A_620 = arith.constant 22.6274166 : f32
        %parallel_loop3A_621 = vector.broadcast %parallel_loop3A_620 : f32 to vector<16xf32>
        %parallel_loop3A_622 = arith.mulf %parallel_loop3A_619, %parallel_loop3A_621 : vector<16xf32>
        %parallel_loop3A_623 = arith.constant 32 : i32
        %parallel_loop3A_624 = arith.addi %parallel_loop3A_623, %parallel_loop3A_121 : i32
        %parallel_loop3A_625 = arith.index_cast %parallel_loop3A_624 : i32 to index
        %parallel_loop3A_626 = arith.constant 416 : index
        %parallel_loop3A_627 = tpu.vector_load %arg7[%parallel_loop3A_625, %parallel_loop3A_626] {strides = array<i32>} : memref<64x512xf32, #tpu.memory_space<vmem>>, vector<1x16xf32>,
        %parallel_loop3A_628 = vector.shape_cast %parallel_loop3A_627 : vector<1x16xf32> to vector<16xf32>
        %parallel_loop3A_629 = arith.addf %parallel_loop3A_622, %parallel_loop3A_628 : vector<16xf32>
        %parallel_loop3A_630 = arith.index_cast %parallel_loop3A_121 : i32 to index
        %parallel_loop3A_631 = arith.constant 416 : index
        %parallel_loop3A_632 = tpu.vector_load %arg11[%parallel_loop3A_630, %parallel_loop3A_631] {strides = array<i32>} : memref<32x512xf32, #tpu.memory_space<vmem>>, vector<1x16xf32>,
        %parallel_loop3A_633 = vector.shape_cast %parallel_loop3A_632 : vector<1x16xf32> to vector<16xf32>
        %parallel_loop3A_634 = vector.shape_cast %parallel_loop3A_629 : vector<16xf32> to vector<1x16xf32>
        tpu.vector_store %arg11[%parallel_loop3A_630, %parallel_loop3A_631], %parallel_loop3A_634 {strides = array<i32>} : memref<32x512xf32, #tpu.memory_space<vmem>>, vector<1x16xf32>,
        %parallel_loop3A_635 = arith.index_cast %parallel_loop3A_121 : i32 to index
        %parallel_loop3A_636 = arith.constant 432 : index
        %parallel_loop3A_637 = tpu.vector_load %arg9[%parallel_loop3A_635, %parallel_loop3A_636] {strides = array<i32>} : memref<32x512xf32, #tpu.memory_space<vmem>>, vector<1x16xf32>,
        %parallel_loop3A_638 = vector.shape_cast %parallel_loop3A_637 : vector<1x16xf32> to vector<16xf32>
        %parallel_loop3A_639 = arith.constant 22.6274166 : f32
        %parallel_loop3A_640 = vector.broadcast %parallel_loop3A_639 : f32 to vector<16xf32>
        %parallel_loop3A_641 = arith.mulf %parallel_loop3A_638, %parallel_loop3A_640 : vector<16xf32>
        %parallel_loop3A_642 = arith.constant 32 : i32
        %parallel_loop3A_643 = arith.addi %parallel_loop3A_642, %parallel_loop3A_121 : i32
        %parallel_loop3A_644 = arith.index_cast %parallel_loop3A_643 : i32 to index
        %parallel_loop3A_645 = arith.constant 432 : index
        %parallel_loop3A_646 = tpu.vector_load %arg7[%parallel_loop3A_644, %parallel_loop3A_645] {strides = array<i32>} : memref<64x512xf32, #tpu.memory_space<vmem>>, vector<1x16xf32>,
        %parallel_loop3A_647 = vector.shape_cast %parallel_loop3A_646 : vector<1x16xf32> to vector<16xf32>
        %parallel_loop3A_648 = arith.addf %parallel_loop3A_641, %parallel_loop3A_647 : vector<16xf32>
        %parallel_loop3A_649 = arith.index_cast %parallel_loop3A_121 : i32 to index
        %parallel_loop3A_650 = arith.constant 432 : index
        %parallel_loop3A_651 = tpu.vector_load %arg11[%parallel_loop3A_649, %parallel_loop3A_650] {strides = array<i32>} : memref<32x512xf32, #tpu.memory_space<vmem>>, vector<1x16xf32>,
        %parallel_loop3A_652 = vector.shape_cast %parallel_loop3A_651 : vector<1x16xf32> to vector<16xf32>
        %parallel_loop3A_653 = vector.shape_cast %parallel_loop3A_648 : vector<16xf32> to vector<1x16xf32>
        tpu.vector_store %arg11[%parallel_loop3A_649, %parallel_loop3A_650], %parallel_loop3A_653 {strides = array<i32>} : memref<32x512xf32, #tpu.memory_space<vmem>>, vector<1x16xf32>,
        %parallel_loop3A_654 = arith.index_cast %parallel_loop3A_121 : i32 to index
        %parallel_loop3A_655 = arith.constant 448 : index
        %parallel_loop3A_656 = tpu.vector_load %arg9[%parallel_loop3A_654, %parallel_loop3A_655] {strides = array<i32>} : memref<32x512xf32, #tpu.memory_space<vmem>>, vector<1x16xf32>,
        %parallel_loop3A_657 = vector.shape_cast %parallel_loop3A_656 : vector<1x16xf32> to vector<16xf32>
        %parallel_loop3A_658 = arith.constant 22.6274166 : f32
        %parallel_loop3A_659 = vector.broadcast %parallel_loop3A_658 : f32 to vector<16xf32>
        %parallel_loop3A_660 = arith.mulf %parallel_loop3A_657, %parallel_loop3A_659 : vector<16xf32>
        %parallel_loop3A_661 = arith.constant 32 : i32
        %parallel_loop3A_662 = arith.addi %parallel_loop3A_661, %parallel_loop3A_121 : i32
        %parallel_loop3A_663 = arith.index_cast %parallel_loop3A_662 : i32 to index
        %parallel_loop3A_664 = arith.constant 448 : index
        %parallel_loop3A_665 = tpu.vector_load %arg7[%parallel_loop3A_663, %parallel_loop3A_664] {strides = array<i32>} : memref<64x512xf32, #tpu.memory_space<vmem>>, vector<1x16xf32>,
        %parallel_loop3A_666 = vector.shape_cast %parallel_loop3A_665 : vector<1x16xf32> to vector<16xf32>
        %parallel_loop3A_667 = arith.addf %parallel_loop3A_660, %parallel_loop3A_666 : vector<16xf32>
        %parallel_loop3A_668 = arith.index_cast %parallel_loop3A_121 : i32 to index
        %parallel_loop3A_669 = arith.constant 448 : index
        %parallel_loop3A_670 = tpu.vector_load %arg11[%parallel_loop3A_668, %parallel_loop3A_669] {strides = array<i32>} : memref<32x512xf32, #tpu.memory_space<vmem>>, vector<1x16xf32>,
        %parallel_loop3A_671 = vector.shape_cast %parallel_loop3A_670 : vector<1x16xf32> to vector<16xf32>
        %parallel_loop3A_672 = vector.shape_cast %parallel_loop3A_667 : vector<16xf32> to vector<1x16xf32>
        tpu.vector_store %arg11[%parallel_loop3A_668, %parallel_loop3A_669], %parallel_loop3A_672 {strides = array<i32>} : memref<32x512xf32, #tpu.memory_space<vmem>>, vector<1x16xf32>,
        %parallel_loop3A_673 = arith.index_cast %parallel_loop3A_121 : i32 to index
        %parallel_loop3A_674 = arith.constant 464 : index
        %parallel_loop3A_675 = tpu.vector_load %arg9[%parallel_loop3A_673, %parallel_loop3A_674] {strides = array<i32>} : memref<32x512xf32, #tpu.memory_space<vmem>>, vector<1x16xf32>,
        %parallel_loop3A_676 = vector.shape_cast %parallel_loop3A_675 : vector<1x16xf32> to vector<16xf32>
        %parallel_loop3A_677 = arith.constant 22.6274166 : f32
        %parallel_loop3A_678 = vector.broadcast %parallel_loop3A_677 : f32 to vector<16xf32>
        %parallel_loop3A_679 = arith.mulf %parallel_loop3A_676, %parallel_loop3A_678 : vector<16xf32>
        %parallel_loop3A_680 = arith.constant 32 : i32
        %parallel_loop3A_681 = arith.addi %parallel_loop3A_680, %parallel_loop3A_121 : i32
        %parallel_loop3A_682 = arith.index_cast %parallel_loop3A_681 : i32 to index
        %parallel_loop3A_683 = arith.constant 464 : index
        %parallel_loop3A_684 = tpu.vector_load %arg7[%parallel_loop3A_682, %parallel_loop3A_683] {strides = array<i32>} : memref<64x512xf32, #tpu.memory_space<vmem>>, vector<1x16xf32>,
        %parallel_loop3A_685 = vector.shape_cast %parallel_loop3A_684 : vector<1x16xf32> to vector<16xf32>
        %parallel_loop3A_686 = arith.addf %parallel_loop3A_679, %parallel_loop3A_685 : vector<16xf32>
        %parallel_loop3A_687 = arith.index_cast %parallel_loop3A_121 : i32 to index
        %parallel_loop3A_688 = arith.constant 464 : index
        %parallel_loop3A_689 = tpu.vector_load %arg11[%parallel_loop3A_687, %parallel_loop3A_688] {strides = array<i32>} : memref<32x512xf32, #tpu.memory_space<vmem>>, vector<1x16xf32>,
        %parallel_loop3A_690 = vector.shape_cast %parallel_loop3A_689 : vector<1x16xf32> to vector<16xf32>
        %parallel_loop3A_691 = vector.shape_cast %parallel_loop3A_686 : vector<16xf32> to vector<1x16xf32>
        tpu.vector_store %arg11[%parallel_loop3A_687, %parallel_loop3A_688], %parallel_loop3A_691 {strides = array<i32>} : memref<32x512xf32, #tpu.memory_space<vmem>>, vector<1x16xf32>,
        %parallel_loop3A_692 = arith.index_cast %parallel_loop3A_121 : i32 to index
        %parallel_loop3A_693 = arith.constant 480 : index
        %parallel_loop3A_694 = tpu.vector_load %arg9[%parallel_loop3A_692, %parallel_loop3A_693] {strides = array<i32>} : memref<32x512xf32, #tpu.memory_space<vmem>>, vector<1x16xf32>,
        %parallel_loop3A_695 = vector.shape_cast %parallel_loop3A_694 : vector<1x16xf32> to vector<16xf32>
        %parallel_loop3A_696 = arith.constant 22.6274166 : f32
        %parallel_loop3A_697 = vector.broadcast %parallel_loop3A_696 : f32 to vector<16xf32>
        %parallel_loop3A_698 = arith.mulf %parallel_loop3A_695, %parallel_loop3A_697 : vector<16xf32>
        %parallel_loop3A_699 = arith.constant 32 : i32
        %parallel_loop3A_700 = arith.addi %parallel_loop3A_699, %parallel_loop3A_121 : i32
        %parallel_loop3A_701 = arith.index_cast %parallel_loop3A_700 : i32 to index
        %parallel_loop3A_702 = arith.constant 480 : index
        %parallel_loop3A_703 = tpu.vector_load %arg7[%parallel_loop3A_701, %parallel_loop3A_702] {strides = array<i32>} : memref<64x512xf32, #tpu.memory_space<vmem>>, vector<1x16xf32>,
        %parallel_loop3A_704 = vector.shape_cast %parallel_loop3A_703 : vector<1x16xf32> to vector<16xf32>
        %parallel_loop3A_705 = arith.addf %parallel_loop3A_698, %parallel_loop3A_704 : vector<16xf32>
        %parallel_loop3A_706 = arith.index_cast %parallel_loop3A_121 : i32 to index
        %parallel_loop3A_707 = arith.constant 480 : index
        %parallel_loop3A_708 = tpu.vector_load %arg11[%parallel_loop3A_706, %parallel_loop3A_707] {strides = array<i32>} : memref<32x512xf32, #tpu.memory_space<vmem>>, vector<1x16xf32>,
        %parallel_loop3A_709 = vector.shape_cast %parallel_loop3A_708 : vector<1x16xf32> to vector<16xf32>
        %parallel_loop3A_710 = vector.shape_cast %parallel_loop3A_705 : vector<16xf32> to vector<1x16xf32>
        tpu.vector_store %arg11[%parallel_loop3A_706, %parallel_loop3A_707], %parallel_loop3A_710 {strides = array<i32>} : memref<32x512xf32, #tpu.memory_space<vmem>>, vector<1x16xf32>,
        %parallel_loop3A_711 = arith.index_cast %parallel_loop3A_121 : i32 to index
        %parallel_loop3A_712 = arith.constant 496 : index
        %parallel_loop3A_713 = tpu.vector_load %arg9[%parallel_loop3A_711, %parallel_loop3A_712] {strides = array<i32>} : memref<32x512xf32, #tpu.memory_space<vmem>>, vector<1x16xf32>,
        %parallel_loop3A_714 = vector.shape_cast %parallel_loop3A_713 : vector<1x16xf32> to vector<16xf32>
        %parallel_loop3A_715 = arith.constant 22.6274166 : f32
        %parallel_loop3A_716 = vector.broadcast %parallel_loop3A_715 : f32 to vector<16xf32>
        %parallel_loop3A_717 = arith.mulf %parallel_loop3A_714, %parallel_loop3A_716 : vector<16xf32>
        %parallel_loop3A_718 = arith.constant 32 : i32
        %parallel_loop3A_719 = arith.addi %parallel_loop3A_718, %parallel_loop3A_121 : i32
        %parallel_loop3A_720 = arith.index_cast %parallel_loop3A_719 : i32 to index
        %parallel_loop3A_721 = arith.constant 496 : index
        %parallel_loop3A_722 = tpu.vector_load %arg7[%parallel_loop3A_720, %parallel_loop3A_721] {strides = array<i32>} : memref<64x512xf32, #tpu.memory_space<vmem>>, vector<1x16xf32>,
        %parallel_loop3A_723 = vector.shape_cast %parallel_loop3A_722 : vector<1x16xf32> to vector<16xf32>
        %parallel_loop3A_724 = arith.addf %parallel_loop3A_717, %parallel_loop3A_723 : vector<16xf32>
        %parallel_loop3A_725 = arith.index_cast %parallel_loop3A_121 : i32 to index
        %parallel_loop3A_726 = arith.constant 496 : index
        %parallel_loop3A_727 = tpu.vector_load %arg11[%parallel_loop3A_725, %parallel_loop3A_726] {strides = array<i32>} : memref<32x512xf32, #tpu.memory_space<vmem>>, vector<1x16xf32>,
        %parallel_loop3A_728 = vector.shape_cast %parallel_loop3A_727 : vector<1x16xf32> to vector<16xf32>
        %parallel_loop3A_729 = vector.shape_cast %parallel_loop3A_724 : vector<16xf32> to vector<1x16xf32>
        tpu.vector_store %arg11[%parallel_loop3A_725, %parallel_loop3A_726], %parallel_loop3A_729 {strides = array<i32>} : memref<32x512xf32, #tpu.memory_space<vmem>>, vector<1x16xf32>,
      } {sc.loop_unroll_factor = 1 : i64, sc.parallel_access}
      %mul3A_112 = arith.constant 2048 : i32
      %mul3A_113 = arith.muli %add3A_55, %mul3A_112 : i32
      %add3A_114 = arith.addi %mul3A_113, %mul3A_2 : i32
      %add3A_115 = arith.constant 32 : i32
      %add3A_116 = arith.addi %add3A_114, %add3A_115 : i32
      %dma_start3A_117 = arith.constant 0 : i32
      %dma_start3A_118 = tpu.memref_slice %arg5[%add3A_116, %dma_start3A_117] : memref<32768x512xf32, #tpu.memory_space<hbm>> -> memref<32x512xf32, #tpu.memory_space<hbm>>
      %dma_start3A_119 = arith.constant 0 : i32
      %dma_start3A_120 = tpu.memref_slice %arg5[%add3A_116, %dma_start3A_119] : memref<32768x512xf32, #tpu.memory_space<hbm>> -> memref<32x512xf32, #tpu.memory_space<hbm>>
      tpu.enqueue_dma source(%arg11 : memref<32x512xf32, #tpu.memory_space<vmem>>) target(%dma_start3A_120 : memref<32x512xf32, #tpu.memory_space<hbm>>) target_semaphore(%arg15 : memref<!tpu.dma_semaphore, #tpu.memory_space<semaphore_mem>>)
    }
    %scan3A_35 = arith.constant 16 : i32
    %add3A_36 = arith.constant 30720 : i32
    %add3A_37 = arith.addi %add3A_36, %mul3A_2 : i32
    %add3A_38 = arith.constant 0 : i32
    %add3A_39 = arith.addi %add3A_37, %add3A_38 : i32
    %dma_wait3A = arith.constant 0 : i32
    %dma_wait3A_40 = tpu.memref_slice %arg5[%add3A_39, %dma_wait3A] : memref<32768x512xf32, #tpu.memory_space<hbm>> -> memref<32x512xf32, #tpu.memory_space<hbm>>
    %dma_wait3A_41 = arith.constant 0 : i32
    %dma_wait3A_42 = tpu.memref_slice %arg5[%add3A_39, %dma_wait3A_41] : memref<32768x512xf32, #tpu.memory_space<hbm>> -> memref<32x512xf32, #tpu.memory_space<hbm>>
    tpu.wait_dma2 semaphore(%arg14 : memref<!tpu.dma_semaphore, #tpu.memory_space<semaphore_mem>>) src(%arg10 : memref<32x512xf32, #tpu.memory_space<vmem>>) dst(%dma_wait3A_42 : memref<32x512xf32, #tpu.memory_space<hbm>>)
    %add3A_43 = arith.constant 30720 : i32
    %add3A_44 = arith.addi %add3A_43, %mul3A_2 : i32
    %add3A_45 = arith.constant 32 : i32
    %add3A_46 = arith.addi %add3A_44, %add3A_45 : i32
    %dma_wait3A_47 = arith.constant 0 : i32
    %dma_wait3A_48 = tpu.memref_slice %arg5[%add3A_46, %dma_wait3A_47] : memref<32768x512xf32, #tpu.memory_space<hbm>> -> memref<32x512xf32, #tpu.memory_space<hbm>>
    %dma_wait3A_49 = arith.constant 0 : i32
    %dma_wait3A_50 = tpu.memref_slice %arg5[%add3A_46, %dma_wait3A_49] : memref<32768x512xf32, #tpu.memory_space<hbm>> -> memref<32x512xf32, #tpu.memory_space<hbm>>
    tpu.wait_dma2 semaphore(%arg15 : memref<!tpu.dma_semaphore, #tpu.memory_space<semaphore_mem>>) src(%arg11 : memref<32x512xf32, #tpu.memory_space<vmem>>) dst(%dma_wait3A_50 : memref<32x512xf32, #tpu.memory_space<hbm>>)
    return
  }
}

</mosaic_0001>

<sc_bundles>
// kernel: kernel.3.cloned.1.call-start
scs
__scs_entry_jumppad:
0x0: {  	(pc) =	sbr.rel $0x88, $3  }
0x1: {  	(tag) =	ssettag $0x0;
	lr =	simm.s32 $0x1  }
0x2: {  	[smem:$0x3F9F] =	sst lr;
	_ =	strace $0xD0000000  }
0x3: {  	_ = 	snop  }
0x4: {  	_ = 	snop  }
0x5: {  	_ = 	snop  }
0x6: {  	_ = 	snop  }
0x7: {  	_ = 	snop  }
__scs_overlays_trampoline_lowered:
0x8: {  	[smem:$0x3FAE] =	sst s0  }
0x9: {  	[smem:$0x3FAF] =	sst s1  }
0xa: {  	[smem:$0x3FB0] =	sst s2  }
0xb: {  	[smem:$0x3FB1] =	sst s3  }
0xc: {  	[smem:$0x3FB2] =	sst s4  }
0xd: {  	[smem:$0x3FB3] =	sst s5  }
0xe: {  	[smem:$0x3FB4] =	sst s6  }
0xf: {  	[smem:$0x3FB5] =	sst s7  }
0x10: {  	[smem:$0x3FB6] =	sst s8  }
0x11: {  	[smem:$0x3FB7] =	sst s9;
	s0 =	simm.s32 @!p0 $0x0  }
0x12: {  	s1 =	sld [smem:$0x3F9D];
	s0 =	simm.s32 @p0 $0x1  }
0x13: {  	[smem:$0x3FB8] =	sst s0;
	s0 =	simm.s32 @!p1 $0x0  }
0x14: {  	s2 =	sld [smem:$0x3F9C];
	s0 =	simm.s32 @p1 $0x1  }
0x15: {  	[smem:$0x3FB9] =	sst s0;
	s0 =	simm.s32 @!p2 $0x0  }
0x16: {  	s3 =	sld [smem:$0x3FDB];
	s0 =	simm.s32 @p2 $0x1  }
0x17: {  	s4 =	simm.s32 $0x1BF5;
	[smem:$0x3FBB] =	sst s0  }
0x18: {  	s0 =	sld [smem:$0x3F9E];
	_ =	swait.ge [sflag:s4], $0x0  }
0x19: {  	s7 =	sld [smem:$0x3F9F]  }
0x1a: {  	s8 =	sadd.s32 $0xFFFFE003, lr  }
0x1b: {  	s9 =	sadd.s32 $0xFFFFFEF7, lr;
	s5 =	simm.s32 $0xFFFFFFFF;
	p2 =	slt.u32 s8, $0xFFFFF086  }
0x1c: {  	p1 =	slt.u32 s9, $0xF7A;
	s5 =	simm.s32 @!p2 $0x0  }
0x1d: {  	s5 =	simm.s32 @p1 $0x1;
	p0 =	seq.s32 s7, s2  }
0x1e: {  	s7 =	smul.u32 @!p0 $0xF7A, s2;
	p2 =	seq.s32 @!p0 s5, $0x0  }
0x1f: {  	s9 =	smul.u32 $0xF7A, s1;
	s8 =	simm.s32 @!p0 $0x1BF5;
	p2 =	por !p2, p0  }
0x20: {  	[sflag:s8] =	ssyncset.s32 @!p0 $0xFFFFF086;
	s6 =	sadd.s32 @!p0 s3, s7;
	s7 =	simm.s32 @!p0 $0x108  }
0x21: {  	s3 =	sadd.s32 s3, s9;
	s6 =	sadd.s32 @!p0 $0x88, s6;
	s7 =	simm.s32 @p2 $0x1082  }
0x22: {  	[simem:s7], [sflag:s8] =	dma.local @!p0 [hbm:s6], $0xF7A  }
0x23: {  	s9 =	sor.u32 $0xD0000000, s2;
	s6 =	simm.s32 $0x108;
	_ =	swait.ge @!p0 [sflag:s8], $0x0  }
0x24: {  	s3 =	sadd.s32 $0x88, s3;
	s6 =	simm.s32 @!p1 $0x1082;
	[sflag:s4] =	ssyncset.s32 $0xFFFFF086  }
0x25: {  	[simem:s6], [sflag:s4] =	dma.local [hbm:s3], $0xF7A  }
0x26: {  	[smem:$0x3F9F] =	sst s1;
	(tag) =	ssettag s2;
	_ =	strace s9  }
0x27: {  	s1 =	sld [smem:$0x3FAF]  }
0x28: {  	s2 =	sld [smem:$0x3FB0]  }
0x29: {  	s4 =	sld [smem:$0x3FB2]  }
0x2a: {  	p0 =	seq.s32 s5, $0x0;
	s5 =	sld [smem:$0x3FB3]  }
0x2b: {  	s6 =	sld [smem:$0x3FB4]  }
0x2c: {  	s7 =	sld [smem:$0x3FB5]  }
0x2d: {  	s3 =	simm.s32 $0x108;
	s8 =	sld [smem:$0x3FB6]  }
0x2e: {  	s3 =	simm.s32 @!p0 $0x1082;
	s9 =	sld [smem:$0x3FB7]  }
0x2f: {  	lr =	sadd.s32 s0, s3;
	s0 =	sld [smem:$0x3FAE]  }
0x30: {  	s3 =	sld [smem:$0x3FB1]  }
0x31: {  	[smem:$0x3FBA] =	sst s10  }
0x32: {  	s10 =	sld [smem:$0x3FB8];
	_ =	sdelay $0x3  }
0x33: {  	p0 =	seq.s32 s10, $0x1;
	s10 =	sld [smem:$0x3FBA];
	_ =	sdelay $0x3  }
0x34: {  	[smem:$0x3FBA] =	sst s10  }
0x35: {  	s10 =	sld [smem:$0x3FB9];
	_ =	sdelay $0x3  }
0x36: {  	p1 =	seq.s32 s10, $0x1;
	s10 =	sld [smem:$0x3FBA];
	_ =	sdelay $0x3  }
0x37: {  	[smem:$0x3FBA] =	sst s10  }
0x38: {  	s10 =	sld [smem:$0x3FBB]  }
0x39: {  	_ = 	snop;
	(pc) =	sbr.ind lr, $3  }
0x3a: {  	_ = 	snop  }
0x3b: {  	_ = 	snop  }
0x3c: {  	p2 =	seq.s32 s10, $0x1;
	s10 =	sld [smem:$0x3FBA]  }
0x3d: {  	_ =	shalt  }
0x3e: {  	_ =	shalt  }
0x3f: {  	_ =	shalt  }
0x40: {  	_ =	shalt  }
0x41: {  	_ =	shalt  }
0x42: {  	_ =	shalt  }
0x43: {  	_ =	shalt  }
0x44: {  	_ =	shalt  }
0x45: {  	_ =	shalt  }
0x46: {  	_ =	shalt  }
0x47: {  	_ =	shalt  }
0x48: {  	_ =	shalt  }
0x49: {  	_ =	shalt  }
0x4a: {  	_ =	shalt  }
0x4b: {  	_ =	shalt  }
0x4c: {  	_ =	shalt  }
0x4d: {  	_ =	shalt  }
0x4e: {  	_ =	shalt  }
0x4f: {  	_ =	shalt  }
0x50: {  	_ =	shalt  }
0x51: {  	_ =	shalt  }
0x52: {  	_ =	shalt  }
0x53: {  	_ =	shalt  }
0x54: {  	_ =	shalt  }
0x55: {  	_ =	shalt  }
0x56: {  	_ =	shalt  }
0x57: {  	_ =	shalt  }
0x58: {  	_ =	shalt  }
0x59: {  	_ =	shalt  }
0x5a: {  	_ =	shalt  }
0x5b: {  	_ =	shalt  }
0x5c: {  	_ =	shalt  }
0x5d: {  	_ =	shalt  }
0x5e: {  	_ =	shalt  }
0x5f: {  	_ =	shalt  }
0x60: {  	_ =	shalt  }
0x61: {  	_ =	shalt  }
0x62: {  	_ =	shalt  }
0x63: {  	_ =	shalt  }
0x64: {  	_ =	shalt  }
0x65: {  	_ =	shalt  }
0x66: {  	_ =	shalt  }
0x67: {  	_ =	shalt  }
0x68: {  	_ =	shalt  }
0x69: {  	_ =	shalt  }
0x6a: {  	_ =	shalt  }
0x6b: {  	_ =	shalt  }
0x6c: {  	_ =	shalt  }
0x6d: {  	_ =	shalt  }
0x6e: {  	_ =	shalt  }
0x6f: {  	_ =	shalt  }
0x70: {  	_ =	shalt  }
0x71: {  	_ =	shalt  }
0x72: {  	_ =	shalt  }
0x73: {  	_ =	shalt  }
0x74: {  	_ =	shalt  }
0x75: {  	_ =	shalt  }
0x76: {  	_ =	shalt  }
0x77: {  	_ =	shalt  }
0x78: {  	_ =	shalt  }
0x79: {  	_ =	shalt  }
0x7a: {  	_ =	shalt  }
0x7b: {  	_ =	shalt  }
0x7c: {  	_ =	shalt  }
0x7d: {  	_ =	shalt  }
0x7e: {  	_ =	shalt  }
0x7f: {  	_ =	shalt  }
0x80: {  	_ =	shalt  }
0x81: {  	_ =	shalt  }
0x82: {  	_ =	shalt  }
0x83: {  	_ =	shalt  }
0x84: {  	_ =	shalt  }
0x85: {  	_ =	shalt  }
0x86: {  	_ =	shalt  }
0x87: {  	_ =	shalt  }
.Lfunc_end0:
.L_simem_size_0:
called_computation_lowered:
.L_overlay_start_0:
0x88: {  	s2 =	sld [smem:$0x3FD9]  }
0x89: {  	s3 =	sld [smem:$0x3FFE];
	_ =	sdelay $0x1  }
0x8a: {  	s1 =	srdreg.scid  }
0x8b: {  	s0 =	sand.u32 $0x1, s1  }
0x8c: {  	s17 =	sshll.u32 s0, $0xA;
	s2 =	sadd.s32 s3, s2  }
0x8d: {  	s2 =	sadd.s32 s2, s17  }
0x8e: {  	[smem:$0x3FC6] =	sst s2  }
0x8f: {  	_ = 	snop  }
0x90: {  	s2 =	sld [smem:$0x3FC9]  }
0x91: {  	s18 =	sld [smem:$0x3FC8]  }
0x92: {  	s4 =	sld [smem:$0x3FD0];
	(tm) =	ssettm $0x1  }
0x93: {  	s5 =	sld [smem:$0x3FFB];
	_ =	sdelay $0x3  }
0x94: {  	_ =	strace s5  }
0x95: {  	s5 =	sld [smem:$0x3FFC];
	_ =	sdelay $0x3  }
0x96: {  	_ =	strace s5  }
0x97: {  	s5 =	sld [smem:$0x3FFD];
	_ =	sdelay $0x3  }
0x98: {  	_ =	strace s5  }
0x99: {  	_ =	strace $0x8FFFFFFF  }
0x9a: {  	s19 =	sld [smem:$0x3FDB];
	_ =	sdelay $0x1  }
0x9b: {  	s6 =	simm.s32 $_scs_section_size  }
0x9c: {  	s7 =	simm.s32 $_size__tile_overlayer_lowered;
	s8 =	simm.s32 $_tile_overlayer_lowered  }
0x9d: {  	s22 =	simm.s32 $0x1BFF;
	s21 =	sshll.u32 s8, $0x1;
	s5 =	sadd.s32 s6, s19  }
0x9e: {  	s9 =	simm.s32 $0x0;
	s20 =	sshll.u32 s7, $0x1;
	s7 =	sadd.s32 s21, s5  }
0x9f: {  	[timem:s9], [sflag:s22] =	dma.local [hbm:s7], s20  }
0xa0: {  	_ =	swait.ge [sflag:s22], s20  }
0xa1: {  	s6 =	ssub.s32 $0x0, s20;
	[sflag:s22] =	ssyncset.done $0x0  }
0xa2: {  	[sflag:s22] =	ssyncadd.s32 s6;
	_ =	sdelay $0x1  }
0xa3: {  	s23 =	simm.s32 $0x1B8B  }
0xa4: {  	_ =	swait.ge [sflag:s23], $0x1  }
0xa5: {  	[sflag:s23] =	ssyncset.done $0x0  }
0xa6: {  	s25 =	simm.s32 $0x1B8E;
	s24 =	sld [smem:$0x3FFE];
	[sflag:s23] =	ssyncadd.s32 $0xFFFFFFFF  }
0xa7: {  	s26 =	simm.s32 $execute0_lowered;
	[smem:$0x3FD2] =	sst s25  }
0xa8: {  	s7 =	sshll.u32 s26, $0x1;
	_ =	strace $0x80000046;
	[dreg:$0x1] =	wrdreg $0xFFFFFFFF  }
0xa9: {  	s28 =	simm.s32 $_size_execute0_lowered;
	s5 =	sadd.s32 s5, s7;
	[dreg:$0x0] =	wrdreg $0x0  }
0xaa: {  	s7 =	sshll.u32 s28, $0x1;
	[dreg:$0x2] =	wrdreg s5  }
0xab: {  	[dreg:$0x3] =	wrdreg s7  }
0xac: {  	[dreg:$0x4] =	wrdreg $0xC0  }
0xad: {  	_ =	task [dreg:s9], $0x5FFFF  }
0xae: {  	[dreg:$0x1] =	wrdreg $0xFFFFFFFF  }
0xaf: {  	[dreg:$0x0] =	wrdreg $0x60  }
0xb0: {  	[dreg:$0x2] =	wrdreg s18  }
0xb1: {  	[dreg:$0x3] =	wrdreg s2  }
0xb2: {  	[dreg:$0x4] =	wrdreg s24  }
0xb3: {  	[dreg:$0x5] =	wrdreg s4  }
0xb4: {  	[dreg:$0x6] =	wrdreg $0x9  }
0xb5: {  	_ =	task.clear_ibuf [dreg:s9], $0x7FFFF;
	_ =	strace $0x90000046  }
0xb6: {  	s29 =	simm.s32 $0x9;
	_ =	strace $0x80000048  }
0xb7: {  	_ =	swait.ge [sflag:s29], $0x1  }
0xb8: {  	[sflag:s29] =	ssyncadd.s32 $0xFFFFFFFF  }
0xb9: {  	_ =	strace $0x90000048  }
0xba: {  	_ =	sfence  }
0xbb: {  	s30 =	sld [smem:$0x0];
	_ =	sdelay $0x2  }
0xbc: {  	s31 =	sshll.u32 s1, $0xD;
	s1 =	sshrl.u32 s1, $0x2  }
0xbd: {  	s3 =	sand.u32 $0x4000, s31;
	s1 =	sadd.s32 s1, s30  }
0xbe: {  	s0 =	sor.u32 s3, s0;
	s1 =	sshll.u32 s1, $0x11  }
0xbf: {  	s0 =	sor.u32 s1, s0  }
0xc0: {  	s0 =	sadd.s32 $0x8F2B, s0  }
0xc1: {  	[sflag:s0] =	ssyncadd.remote.s32 $0x1  }
0xc2: {  	_ =	sfence.sel $0xFFFF  }
0xc3: {  	[dreg:$0x0] =	wrdreg $0xFFFFFFFF;
	(pc) =	sbr.abs _section_cstart, $3  }
0xc4: {  	[dreg:$0x1] =	wrdreg $0xFFFFFFFF  }
0xc5: {  	_ =	task.clear_ibuf [dreg:s9], $0x2FFFF;
	_ =	strace $0x9FFFFFFF  }
0xc6: {  	(tm) =	ssettm $0x7FFFFFFF  }
0xc7: {  	_ =	shalt  }
tec
execute0_lowered:
.L_overlay_start_1:
0x0: {  	(tag) =	ssettag $0x1  }
0x1: {  	s1 =	rddreg [dreg:$0x0];
	s0 =	srdreg.scid  }
0x2: {  	s9 =	stileid.u32;
	s2 =	rddreg [dreg:$0x1]  }
0x3: {  	s6 =	rddreg [dreg:$0x2];
	s4 =	simm.s32 $0x0;
	s7 =	simm.s32 $0x1  }
0x4: {  	s22 =	simm.s32 $0xB000;
	s23 =	simm.s32 $0xB800;
	s28 =	simm.s32 $0xD800  }
0x5: {  	s29 =	simm.s32 $0xE000;
	s30 =	simm.s32 $0xE800;
	s31 =	simm.s32 $0xF000  }
0x6: {  	s13 =	simm.s32 $0x10800;
	s15 =	simm.s32 $0x2;
	s16 =	simm.s32 $0x4  }
0x7: {  	s12 =	simm.s32 $0x0;
	s0 =	sand.u32 $0x1, s0;
	s3 =	sshll.u32 s9, $0x1  }
0x8: {  	[smem:$0x7FF] =	sst s4;
	s10 =	sadd.s32 $0x100, s1;
	s5 =	sor.u32 s0, s3  }
0x9: {  	s3 =	rddreg [dreg:$0x3];
	p1 =	seq.s32 s0, $0x1;
	_ =	strace $0x80000047  }
0xa: {  	s8 =	ssub.s32 $0x2, s0;
	p0 =	seq.s32 s5, $0x0;
	s5 =	sshll.u32 s5, $0xC  }
0xb: {  	s24 =	sshrl.u32 s8, $0x1;
	s11 =	sadd.s32 $0x800, s3;
	p0 =	por !p0, !p1  }
0xc: {  	s6 =	sadd.s32 s5, s6;
	s8 =	ssub.s32 s8, s24;
	p0 =	por !p0, !p0  }
0xd: {  	s24 =	simm.s32 $0xC000;
	s6 =	sadd.s32 $0x400, s6;
	s7 =	simm.s32 @!p0 $0x0  }
0xe: {  	s26 =	smax.u32 s8, $0x1;
	[dreg:$0x5] =	wrdreg s6;
	s7 =	ssub.s32 s9, s7  }
0xf: {  	[dreg:$0x7] =	wrdreg s26;
	s26 =	simm.s32 $0xD000;
	s7 =	sshll.u32 s7, $0x7  }
0x10: {  	v2 =	vlaneseq.u32;
	s6 =	simm.s32 $0x14800;
	s9 =	sshll.u32 s0, $0x6;
	s25 =	sand.u32 $0x1FFFFF80, s7  }
0x11: {  	vm0 =	vmmov $0xffff;
	v1 =	vshrl.u32 v2, $0x3;
	s0 =	simm.s32 $0x10000;
	s7 =	simm.s32 $0x1;
	s2 =	sadd.s32 s2, s25  }
0x12: {  	v0 =	vand.u32 $0x7, v2;
	v2 =	vor.u32 $0x8, v2;
	v1 =	vmul.u32 $0x8, v1;
	s25 =	simm.s32 $0xC800;
	[dreg:$0x6] =	wrdreg s2;
	s2 =	simm.s32 $0xF800  }
.LBB2_1:
0x13: {  	[dreg:$0x8] =	wrdreg s12  }
0x14: {  	s8 =	rddreg [dreg:$0x5];
	s19 =	simm.s32 $0x800;
	s20 =	simm.s32 $0x5  }
0x15: {  	[tilespmem:s19], [sflag:$0x5] =	stream.linear.gather [hbm4b:s8+s4], $0x8000, $0x38;
	[tilespmem:$0x18800] =	vst v63  }
0x16: {  	_ =	swait.ge [sflag:s20], $0x8000  }
0x17: {  	s14 =	simm.s32 $0x400;
	[sflag:s20] =	ssyncset.done $0x0  }
0x18: {  	s17 =	simm.s32 $0x4000;
	s21 =	rddreg [dreg:$0x6];
	[sflag:s20] =	ssyncadd.s32 $0xFFFF8000  }
0x19: {  	[tilespmem:s4], [sflag:$0x5] =	stream.strided.gather [hbm4b:s21+s14], $0x800, s17, s14, $0x38;
	[tilespmem:$0x18800] =	vst v63  }
0x1a: {  	_ =	swait.ge [sflag:s20], $0x800  }
0x1b: {  	[sflag:s20] =	ssyncset.done $0x0  }
0x1c: {  	[sflag:s20] =	ssyncadd.s32 $0xFFFFF800  }
0x1d: {  	v3 =	vld [tilespmem:s9+$0x0];
	_ =	sdelay $0x4  }
0x1e: {  	v4 =	vshll.u32 v3, $0x2  }
0x1f: {  	v3 =	vand.u32 $0x7, v3;
	v4 =	vand.u32 $0xFFFFFFE0, v4  }
0x20: {  	v3 =	vor.u32 v3, v4  }
0x21: {  	v4 =	vperm.xlane v3, v0;
	_ =	sdelay $0x1  }
0x22: {  	v4 =	vadd.s32 v1, v4;
	_ =	sdelay $0x1  }
0x23: {  	v3 =	vperm.xlane v3, v2;
	_ =	sdelay $0x1  }
0x24: {  	s17 =	simm.s32 $0x8800;
	v3 =	vadd.s32 v1, v3  }
0x25: {  	[tilespmem:s17], [sflag:$0x1] =	stream.indirect_vreg.gather [hbm4b:s1+s4], $0x80, v4, vm0, $0xb8;
	[tilespmem:$0x18800] =	vst v63  }
0x26: {  	s18 =	simm.s32 $0x9000  }
0x27: {  	[tilespmem:s18], [sflag:$0x1] =	stream.indirect_vreg.gather [hbm4b:s10+s4], $0x80, v4, vm0, $0xb8;
	[tilespmem:$0x18800] =	vst v63  }
0x28: {  	s19 =	simm.s32 $0x9800  }
0x29: {  	[tilespmem:s19], [sflag:$0x1] =	stream.indirect_vreg.gather [hbm4b:s1+s4], $0x80, v3, vm0, $0xb8;
	[tilespmem:$0x18800] =	vst v63  }
0x2a: {  	s20 =	simm.s32 $0xA000  }
0x2b: {  	[tilespmem:s20], [sflag:$0x1] =	stream.indirect_vreg.gather [hbm4b:s10+s4], $0x80, v3, vm0, $0xb8;
	[tilespmem:$0x18800] =	vst v63  }
0x2c: {  	v3 =	vld [tilespmem:s9+$0x10];
	_ =	sdelay $0x4  }
0x2d: {  	v63 =	vshll.u32 v3, $0x2  }
0x2e: {  	v3 =	vand.u32 $0x7, v3;
	v4 =	vand.u32 $0xFFFFFFE0, v63  }
0x2f: {  	v3 =	vor.u32 v3, v4  }
0x30: {  	v4 =	vperm.xlane v3, v0;
	_ =	sdelay $0x1  }
0x31: {  	v4 =	vadd.s32 v1, v4;
	_ =	sdelay $0x1  }
0x32: {  	v3 =	vperm.xlane v3, v2;
	_ =	sdelay $0x1  }
0x33: {  	s21 =	simm.s32 $0xA800;
	v3 =	vadd.s32 v1, v3  }
0x34: {  	[tilespmem:s21], [sflag:$0x1] =	stream.indirect_vreg.gather [hbm4b:s1+s4], $0x80, v4, vm0, $0xb8;
	[tilespmem:$0x18800] =	vst v63  }
0x35: {  	_ = 	snop  }
0x36: {  	[tilespmem:s22], [sflag:$0x1] =	stream.indirect_vreg.gather [hbm4b:s10+s4], $0x80, v4, vm0, $0xb8;
	[tilespmem:$0x18800] =	vst v63  }
0x37: {  	_ = 	snop  }
0x38: {  	[tilespmem:s23], [sflag:$0x1] =	stream.indirect_vreg.gather [hbm4b:s1+s4], $0x80, v3, vm0, $0xb8;
	[tilespmem:$0x18800] =	vst v63  }
0x39: {  	s14 =	simm.s32 $0x0  }
0x3a: {  	[tilespmem:s24], [sflag:$0x1] =	stream.indirect_vreg.gather [hbm4b:s10+s4], $0x80, v3, vm0, $0xb8;
	[tilespmem:$0x18800] =	vst v63  }
.LBB2_2:
0x3b: {  	s8 =	sshll.u32 s14, $0x7  }
0x3c: {  	s8 =	sand.u32 $0x3FFFFF80, s8  }
0x3d: {  	s8 =	sor.u32 s8, s9  }
0x3e: {  	v3 =	vld [tilespmem:s8+$0x20];
	_ =	sdelay $0x4  }
0x3f: {  	v4 =	vshll.u32 v3, $0x2  }
0x40: {  	v3 =	vand.u32 $0x7, v3;
	v4 =	vand.u32 $0xFFFFFFE0, v4  }
0x41: {  	v3 =	vor.u32 v3, v4  }
0x42: {  	v4 =	vperm.xlane v3, v0;
	_ =	sdelay $0x1  }
0x43: {  	v4 =	vadd.s32 v1, v4;
	_ =	sdelay $0x1  }
0x44: {  	v3 =	vperm.xlane v3, v2;
	_ =	sdelay $0x1  }
0x45: {  	v3 =	vadd.s32 v1, v3  }
0x46: {  	[tilespmem:s25], [sflag:$0x2] =	stream.indirect_vreg.gather [hbm4b:s1+s4], $0x80, v4, vm0, $0xb8;
	[tilespmem:$0x18800] =	vst v63  }
0x47: {  	_ = 	snop  }
0x48: {  	[tilespmem:s26], [sflag:$0x2] =	stream.indirect_vreg.gather [hbm4b:s10+s4], $0x80, v4, vm0, $0xb8;
	[tilespmem:$0x18800] =	vst v63  }
0x49: {  	_ = 	snop  }
0x4a: {  	[tilespmem:s28], [sflag:$0x2] =	stream.indirect_vreg.gather [hbm4b:s1+s4], $0x80, v3, vm0, $0xb8;
	[tilespmem:$0x18800] =	vst v63  }
0x4b: {  	_ = 	snop  }
0x4c: {  	[tilespmem:s29], [sflag:$0x2] =	stream.indirect_vreg.gather [hbm4b:s10+s4], $0x80, v3, vm0, $0xb8;
	[tilespmem:$0x18800] =	vst v63  }
0x4d: {  	v3 =	vld [tilespmem:s8+$0x30];
	_ =	sdelay $0x4  }
0x4e: {  	v4 =	vshll.u32 v3, $0x2  }
0x4f: {  	v3 =	vand.u32 $0x7, v3;
	v4 =	vand.u32 $0xFFFFFFE0, v4  }
0x50: {  	v3 =	vor.u32 v3, v4  }
0x51: {  	v4 =	vperm.xlane v3, v0;
	_ =	sdelay $0x1  }
0x52: {  	v4 =	vadd.s32 v1, v4;
	_ =	sdelay $0x1  }
0x53: {  	v3 =	vperm.xlane v3, v2;
	_ =	sdelay $0x1  }
0x54: {  	v3 =	vadd.s32 v1, v3  }
0x55: {  	[tilespmem:s30], [sflag:$0x2] =	stream.indirect_vreg.gather [hbm4b:s1+s4], $0x80, v4, vm0, $0xb8;
	[tilespmem:$0x18800] =	vst v63  }
0x56: {  	_ = 	snop  }
0x57: {  	[tilespmem:s31], [sflag:$0x2] =	stream.indirect_vreg.gather [hbm4b:s10+s4], $0x80, v4, vm0, $0xb8;
	[tilespmem:$0x18800] =	vst v63  }
0x58: {  	_ = 	snop  }
0x59: {  	[tilespmem:s2], [sflag:$0x2] =	stream.indirect_vreg.gather [hbm4b:s1+s4], $0x80, v3, vm0, $0xb8;
	[tilespmem:$0x18800] =	vst v63  }
0x5a: {  	_ = 	snop  }
0x5b: {  	[tilespmem:s0], [sflag:$0x2] =	stream.indirect_vreg.gather [hbm4b:s10+s4], $0x80, v3, vm0, $0xb8;
	[tilespmem:$0x18800] =	vst v63  }
0x5c: {  	_ =	swait.ge [sflag:s7], $0x4000  }
0x5d: {  	p0 =	seq.s32 s14, $0x0;
	[sflag:s7] =	ssyncset.done $0x0  }
0x5e: {  	s8 =	simm.s32 @!p0 $0x3;
	[sflag:s7] =	ssyncadd.s32 $0xFFFFC000  }
0x5f: {  	s12 =	simm.s32 $0x0;
	_ =	swait.ge @!p0 [sflag:s8], $0x4000  }
0x60: {  	s17 =	sand.u32 $0x3000, s12;
	s12 =	sand.u32 $0x380, s12;
	[sflag:s8] =	ssyncset.done @!p0 $0x0  }
0x61: {  	[sflag:s8] =	ssyncadd.s32 @!p0 $0xFFFFC000;
	s8 =	sor.u32 s12, s17  }
0x62: {  	v3 =	vld [tilespmem:s8+$0x9470]  }
0x63: {  	v4 =	vld [tilespmem:s8+$0x8800]  }
0x64: {  	v5 =	vld [tilespmem:s8+$0x1470]  }
0x65: {  	v6 =	vld [tilespmem:s8+$0x8810]  }
0x66: {  	v7 =	vld [tilespmem:s8+$0x8820]  }
0x67: {  	v8 =	vld [tilespmem:s8+$0x8830]  }
0x68: {  	v9 =	vld [tilespmem:s8+$0x8840]  }
0x69: {  	v10 =	vld [tilespmem:s8+$0x8850]  }
0x6a: {  	v11 =	vld [tilespmem:s8+$0x8870]  }
0x6b: {  	v12 =	vld [tilespmem:s8+$0x8C10]  }
0x6c: {  	v13 =	vld [tilespmem:s8+$0x8C20]  }
0x6d: {  	v14 =	vld [tilespmem:s8+$0x8C30]  }
0x6e: {  	v15 =	vld [tilespmem:s8+$0x8C40]  }
0x6f: {  	v16 =	vld [tilespmem:s8+$0x8C50]  }
0x70: {  	v17 =	vld [tilespmem:s8+$0x8C60]  }
0x71: {  	v18 =	vld [tilespmem:s8+$0x8C70]  }
0x72: {  	v19 =	vld [tilespmem:s8+$0x9000]  }
0x73: {  	v20 =	vld [tilespmem:s8+$0x9010]  }
0x74: {  	v21 =	vld [tilespmem:s8+$0x9020]  }
0x75: {  	v22 =	vld [tilespmem:s8+$0x9030]  }
0x76: {  	v23 =	vld [tilespmem:s8+$0x9040]  }
0x77: {  	v24 =	vld [tilespmem:s8+$0x9050]  }
0x78: {  	v25 =	vld [tilespmem:s8+$0x9060]  }
0x79: {  	v26 =	vld [tilespmem:s8+$0x9070]  }
0x7a: {  	v27 =	vld [tilespmem:s8+$0x9400]  }
0x7b: {  	v28 =	vld [tilespmem:s8+$0x9410]  }
0x7c: {  	v29 =	vld [tilespmem:s8+$0x9420]  }
0x7d: {  	v30 =	vld [tilespmem:s8+$0x9430]  }
0x7e: {  	v31 =	vld [tilespmem:s8+$0x9440]  }
0x7f: {  	v32 =	vld [tilespmem:s8+$0x9450]  }
0x80: {  	v34 =	vld [tilespmem:s8+$0x800]  }
0x81: {  	v35 =	vld [tilespmem:s8+$0x810]  }
0x82: {  	v36 =	vld [tilespmem:s8+$0x820]  }
0x83: {  	v37 =	vld [tilespmem:s8+$0x830]  }
0x84: {  	v38 =	vld [tilespmem:s8+$0x840];
	v3 =	vmul.f32 $2.262741660e+01, v3  }
0x85: {  	v63 =	vld [tilespmem:s8+$0x850];
	v4 =	vmul.f32 $2.262741660e+01, v4  }
0x86: {  	v6 =	vmul.f32 $2.262741660e+01, v6;
	v3 =	vadd.f32 v5, v3;
	v5 =	vld [tilespmem:s8+$0x8860]  }
0x87: {  	v39 =	vld [tilespmem:s8+$0x860];
	v7 =	vmul.f32 $2.262741660e+01, v7;
	v4 =	vadd.f32 v34, v4  }
0x88: {  	v8 =	vmul.f32 $2.262741660e+01, v8;
	v6 =	vadd.f32 v35, v6;
	[tilespmem:s8+$0x11470] =	vst v3;
	v3 =	vld [tilespmem:s8+$0x8C00]  }
0x89: {  	v9 =	vmul.f32 $2.262741660e+01, v9;
	v7 =	vadd.f32 v36, v7;
	[tilespmem:s8+$0x10800] =	vst v4;
	v4 =	vld [tilespmem:s8+$0x870]  }
0x8a: {  	v10 =	vmul.f32 $2.262741660e+01, v10;
	v8 =	vadd.f32 v37, v8;
	[tilespmem:s8+$0x10810] =	vst v6;
	v6 =	vld [tilespmem:s8+$0xC00]  }
0x8b: {  	v9 =	vadd.f32 v38, v9;
	[tilespmem:s8+$0x10820] =	vst v7;
	v7 =	vld [tilespmem:s8+$0xC10];
	v5 =	vmul.f32 $2.262741660e+01, v5  }
0x8c: {  	v11 =	vmul.f32 $2.262741660e+01, v11;
	v10 =	vadd.f32 v63, v10;
	[tilespmem:s8+$0x10830] =	vst v8;
	v8 =	vld [tilespmem:s8+$0xC20]  }
0x8d: {  	[tilespmem:s8+$0x10840] =	vst v9;
	v9 =	vld [tilespmem:s8+$0xC30];
	v5 =	vadd.f32 v39, v5;
	v3 =	vmul.f32 $2.262741660e+01, v3  }
0x8e: {  	[tilespmem:s8+$0x10850] =	vst v10;
	v10 =	vld [tilespmem:s8+$0xC40];
	v4 =	vadd.f32 v4, v11;
	v11 =	vmul.f32 $2.262741660e+01, v12  }
0x8f: {  	[tilespmem:s8+$0x10860] =	vst v5;
	v5 =	vld [tilespmem:s8+$0xC50];
	v3 =	vadd.f32 v6, v3;
	v6 =	vmul.f32 $2.262741660e+01, v13  }
0x90: {  	[tilespmem:s8+$0x10870] =	vst v4;
	v4 =	vld [tilespmem:s8+$0xC60];
	v7 =	vadd.f32 v7, v11;
	v11 =	vmul.f32 $2.262741660e+01, v14  }
0x91: {  	[tilespmem:s8+$0x10C00] =	vst v3;
	v3 =	vld [tilespmem:s8+$0xC70];
	v6 =	vadd.f32 v8, v6;
	v8 =	vmul.f32 $2.262741660e+01, v15  }
0x92: {  	[tilespmem:s8+$0x10C10] =	vst v7;
	v7 =	vld [tilespmem:s8+$0x1000];
	v9 =	vadd.f32 v9, v11;
	v11 =	vmul.f32 $2.262741660e+01, v16  }
0x93: {  	[tilespmem:s8+$0x10C20] =	vst v6;
	v6 =	vld [tilespmem:s8+$0x1010];
	v8 =	vadd.f32 v10, v8;
	v10 =	vmul.f32 $2.262741660e+01, v17  }
0x94: {  	v33 =	vld [tilespmem:s8+$0x9460];
	[tilespmem:s8+$0x10C30] =	vst v9;
	v5 =	vadd.f32 v5, v11;
	v11 =	vmul.f32 $2.262741660e+01, v18  }
0x95: {  	v9 =	vld [tilespmem:s8+$0x1020];
	[tilespmem:s8+$0x10C40] =	vst v8;
	v4 =	vadd.f32 v4, v10;
	v10 =	vmul.f32 $2.262741660e+01, v19  }
0x96: {  	v8 =	vld [tilespmem:s8+$0x1030];
	[tilespmem:s8+$0x10C50] =	vst v5;
	v3 =	vadd.f32 v3, v11;
	v11 =	vmul.f32 $2.262741660e+01, v20  }
0x97: {  	v5 =	vld [tilespmem:s8+$0x1040];
	[tilespmem:s8+$0x10C60] =	vst v4;
	v7 =	vadd.f32 v7, v10  }
0x98: {  	v4 =	vld [tilespmem:s8+$0x1050];
	v10 =	vmul.f32 $2.262741660e+01, v21;
	[tilespmem:s8+$0x10C70] =	vst v3;
	v6 =	vadd.f32 v6, v11  }
0x99: {  	v3 =	vld [tilespmem:s8+$0x1060];
	[tilespmem:s8+$0x11000] =	vst v7;
	v7 =	vmul.f32 $2.262741660e+01, v22  }
0x9a: {  	v13 =	vld [tilespmem:s8+$0x1070];
	v9 =	vadd.f32 v9, v10;
	[tilespmem:s8+$0x11010] =	vst v6;
	v6 =	vmul.f32 $2.262741660e+01, v23  }
0x9b: {  	v14 =	vld [tilespmem:s8+$0x1400];
	v7 =	vadd.f32 v8, v7;
	v8 =	vmul.f32 $2.262741660e+01, v24  }
0x9c: {  	[tilespmem:s8+$0x11020] =	vst v9;
	v9 =	vld [tilespmem:s8+$0x1410];
	v5 =	vadd.f32 v5, v6;
	v6 =	vmul.f32 $2.262741660e+01, v25  }
0x9d: {  	v15 =	vmul.f32 $2.262741660e+01, v26;
	v16 =	vmul.f32 $2.262741660e+01, v27;
	v10 =	vld [tilespmem:s8+$0x1420];
	[tilespmem:s8+$0x11030] =	vst v7;
	v4 =	vadd.f32 v4, v8  }
0x9e: {  	s21 =	simm.s32 $0x200;
	v11 =	vld [tilespmem:s8+$0x1430];
	v8 =	vmul.f32 $2.262741660e+01, v28;
	v7 =	vmul.f32 $2.262741660e+01, v29;
	[tilespmem:s8+$0x11040] =	vst v5;
	v17 =	vadd.f32 v3, v6  }
0x9f: {  	s18 =	sand.u32 $0x3000, s21;
	s12 =	simm.s32 $0x80;
	v12 =	vld [tilespmem:s8+$0x1440];
	v15 =	vadd.f32 v13, v15;
	v6 =	vmul.f32 $2.262741660e+01, v30;
	v5 =	vmul.f32 $2.262741660e+01, v31;
	[tilespmem:s8+$0x11050] =	vst v4  }
0xa0: {  	s17 =	simm.s32 $0x400;
	s19 =	sand.u32 $0x380, s12;
	v14 =	vadd.f32 v14, v16;
	v13 =	vld [tilespmem:s8+$0x1450];
	v3 =	vmul.f32 $2.262741660e+01, v33;
	v4 =	vmul.f32 $2.262741660e+01, v32;
	[tilespmem:s8+$0x11060] =	vst v17  }
.LBB2_3:
0xa1: {  	p1 =	sne.s32 s17, $0x3E00;
	s18 =	sor.u32 s19, s18;
	[tilespmem:s8+$0x11070] =	vst v15;
	v8 =	vadd.f32 v9, v8;
	v9 =	vld [tilespmem:s8+$0x1460]  }
0xa2: {  	v15 =	vld [tilespmem:s18+$0x9470];
	[tilespmem:s8+$0x11400] =	vst v14;
	v7 =	vadd.f32 v10, v7  }
0xa3: {  	v10 =	vld [tilespmem:s18+$0x8800];
	[tilespmem:s8+$0x11410] =	vst v8;
	v6 =	vadd.f32 v11, v6  }
0xa4: {  	v8 =	vld [tilespmem:s18+$0x1470];
	[tilespmem:s8+$0x11420] =	vst v7;
	v5 =	vadd.f32 v12, v5  }
0xa5: {  	v7 =	vld [tilespmem:s18+$0x8810];
	[tilespmem:s8+$0x11430] =	vst v6;
	v4 =	vadd.f32 v13, v4  }
0xa6: {  	v6 =	vld [tilespmem:s18+$0x8820];
	[tilespmem:s8+$0x11440] =	vst v5;
	v3 =	vadd.f32 v9, v3  }
0xa7: {  	v5 =	vld [tilespmem:s18+$0x8830];
	v9 =	vmul.f32 $2.262741660e+01, v15;
	[tilespmem:s8+$0x11450] =	vst v4  }
0xa8: {  	v10 =	vmul.f32 $2.262741660e+01, v10;
	v4 =	vld [tilespmem:s18+$0x8840];
	[tilespmem:s8+$0x11460] =	vst v3;
	s8 =	smov.u32 s18  }
0xa9: {  	v3 =	vld [tilespmem:s8+$0x8850];
	v8 =	vadd.f32 v8, v9  }
0xaa: {  	v9 =	vmul.f32 $2.262741660e+01, v7;
	v7 =	vld [tilespmem:s8+$0x8860]  }
0xab: {  	v11 =	vmul.f32 $2.262741660e+01, v6;
	v6 =	vld [tilespmem:s8+$0x8870];
	[tilespmem:s8+$0x11470] =	vst v8  }
0xac: {  	v12 =	vmul.f32 $2.262741660e+01, v5;
	v5 =	vld [tilespmem:s8+$0x8C00]  }
0xad: {  	v13 =	vmul.f32 $2.262741660e+01, v4;
	v4 =	vld [tilespmem:s8+$0x8C10]  }
0xae: {  	v14 =	vmul.f32 $2.262741660e+01, v3;
	v3 =	vld [tilespmem:s8+$0x8C20]  }
0xaf: {  	v15 =	vmul.f32 $2.262741660e+01, v7;
	v7 =	vld [tilespmem:s8+$0x8C30]  }
0xb0: {  	v16 =	vmul.f32 $2.262741660e+01, v6;
	v6 =	vld [tilespmem:s8+$0x8C40]  }
0xb1: {  	v17 =	vmul.f32 $2.262741660e+01, v5;
	v5 =	vld [tilespmem:s8+$0x8C50]  }
0xb2: {  	v18 =	vmul.f32 $2.262741660e+01, v4;
	v4 =	vld [tilespmem:s8+$0x8C60]  }
0xb3: {  	v19 =	vmul.f32 $2.262741660e+01, v3;
	v3 =	vld [tilespmem:s8+$0x8C70]  }
0xb4: {  	v20 =	vmul.f32 $2.262741660e+01, v7;
	v7 =	vld [tilespmem:s8+$0x9000]  }
0xb5: {  	v21 =	vmul.f32 $2.262741660e+01, v6;
	v6 =	vld [tilespmem:s8+$0x9010]  }
0xb6: {  	v22 =	vmul.f32 $2.262741660e+01, v5;
	v5 =	vld [tilespmem:s8+$0x9020]  }
0xb7: {  	v23 =	vmul.f32 $2.262741660e+01, v4;
	v4 =	vld [tilespmem:s8+$0x9030]  }
0xb8: {  	v24 =	vmul.f32 $2.262741660e+01, v3;
	v3 =	vld [tilespmem:s8+$0x9040]  }
0xb9: {  	v25 =	vmul.f32 $2.262741660e+01, v7;
	v7 =	vld [tilespmem:s8+$0x9050]  }
0xba: {  	v26 =	vmul.f32 $2.262741660e+01, v6;
	v6 =	vld [tilespmem:s8+$0x9060]  }
0xbb: {  	v27 =	vmul.f32 $2.262741660e+01, v5;
	v5 =	vld [tilespmem:s8+$0x9070]  }
0xbc: {  	v28 =	vmul.f32 $2.262741660e+01, v4;
	v4 =	vld [tilespmem:s8+$0x9400]  }
0xbd: {  	v29 =	vmul.f32 $2.262741660e+01, v3;
	v3 =	vld [tilespmem:s8+$0x9410]  }
0xbe: {  	v30 =	vmul.f32 $2.262741660e+01, v7;
	v7 =	vld [tilespmem:s8+$0x9420]  }
0xbf: {  	v31 =	vmul.f32 $2.262741660e+01, v6;
	v6 =	vld [tilespmem:s8+$0x9430]  }
0xc0: {  	v32 =	vmul.f32 $2.262741660e+01, v5;
	v5 =	vld [tilespmem:s8+$0x9440]  }
0xc1: {  	v33 =	vmul.f32 $2.262741660e+01, v4;
	v4 =	vld [tilespmem:s8+$0x9450]  }
0xc2: {  	v8 =	vmul.f32 $2.262741660e+01, v3;
	v3 =	vld [tilespmem:s8+$0x9460]  }
0xc3: {  	v34 =	vld [tilespmem:s8+$0x800];
	v7 =	vmul.f32 $2.262741660e+01, v7  }
0xc4: {  	v35 =	vld [tilespmem:s8+$0x810];
	v6 =	vmul.f32 $2.262741660e+01, v6  }
0xc5: {  	v36 =	vld [tilespmem:s8+$0x820];
	v5 =	vmul.f32 $2.262741660e+01, v5  }
0xc6: {  	v37 =	vld [tilespmem:s8+$0x830];
	v4 =	vmul.f32 $2.262741660e+01, v4  }
0xc7: {  	v38 =	vld [tilespmem:s8+$0x840];
	v3 =	vmul.f32 $2.262741660e+01, v3  }
0xc8: {  	v10 =	vadd.f32 v34, v10;
	v34 =	vld [tilespmem:s8+$0x850]  }
0xc9: {  	v9 =	vadd.f32 v35, v9;
	v35 =	vld [tilespmem:s8+$0x860]  }
0xca: {  	[tilespmem:s8+$0x10800] =	vst v10;
	v10 =	vadd.f32 v36, v11;
	v11 =	vld [tilespmem:s8+$0x870]  }
0xcb: {  	[tilespmem:s8+$0x10810] =	vst v9;
	v9 =	vadd.f32 v37, v12;
	v12 =	vld [tilespmem:s8+$0xC00]  }
0xcc: {  	[tilespmem:s8+$0x10820] =	vst v10;
	v10 =	vadd.f32 v38, v13;
	v13 =	vld [tilespmem:s8+$0xC10]  }
0xcd: {  	[tilespmem:s8+$0x10830] =	vst v9;
	v9 =	vadd.f32 v34, v14;
	v14 =	vld [tilespmem:s8+$0xC20]  }
0xce: {  	[tilespmem:s8+$0x10840] =	vst v10;
	v10 =	vadd.f32 v35, v15;
	v15 =	vld [tilespmem:s8+$0xC30]  }
0xcf: {  	[tilespmem:s8+$0x10850] =	vst v9;
	v9 =	vadd.f32 v11, v16;
	v11 =	vld [tilespmem:s8+$0xC40]  }
0xd0: {  	[tilespmem:s8+$0x10860] =	vst v10;
	v10 =	vadd.f32 v12, v17;
	v12 =	vld [tilespmem:s8+$0xC50]  }
0xd1: {  	[tilespmem:s8+$0x10870] =	vst v9;
	v9 =	vadd.f32 v13, v18;
	v13 =	vld [tilespmem:s8+$0xC60]  }
0xd2: {  	[tilespmem:s8+$0x10C00] =	vst v10;
	v10 =	vadd.f32 v14, v19;
	v14 =	vld [tilespmem:s8+$0xC70]  }
0xd3: {  	[tilespmem:s8+$0x10C10] =	vst v9;
	v9 =	vadd.f32 v15, v20;
	v15 =	vld [tilespmem:s8+$0x1000]  }
0xd4: {  	[tilespmem:s8+$0x10C20] =	vst v10;
	v10 =	vadd.f32 v11, v21;
	v11 =	vld [tilespmem:s8+$0x1010]  }
0xd5: {  	[tilespmem:s8+$0x10C30] =	vst v9;
	v9 =	vadd.f32 v12, v22;
	v12 =	vld [tilespmem:s8+$0x1020]  }
0xd6: {  	[tilespmem:s8+$0x10C40] =	vst v10;
	v10 =	vadd.f32 v13, v23;
	v13 =	vld [tilespmem:s8+$0x1030]  }
0xd7: {  	[tilespmem:s8+$0x10C50] =	vst v9;
	v9 =	vadd.f32 v14, v24;
	v14 =	vld [tilespmem:s8+$0x1040]  }
0xd8: {  	[tilespmem:s8+$0x10C60] =	vst v10;
	v10 =	vadd.f32 v15, v25;
	v15 =	vld [tilespmem:s8+$0x1050]  }
0xd9: {  	[tilespmem:s8+$0x10C70] =	vst v9;
	v9 =	vadd.f32 v11, v26;
	v11 =	vld [tilespmem:s8+$0x1060]  }
0xda: {  	[tilespmem:s8+$0x11000] =	vst v10;
	v10 =	vadd.f32 v12, v27;
	v12 =	vld [tilespmem:s8+$0x1070]  }
0xdb: {  	[tilespmem:s8+$0x11010] =	vst v9;
	v13 =	vadd.f32 v13, v28;
	v16 =	vld [tilespmem:s8+$0x1400]  }
.Ltmp0:
0xdc: {  	[tilespmem:s8+$0x11020] =	vst v10;
	v14 =	vadd.f32 v14, v29;
	v9 =	vld [tilespmem:s8+$0x1410];
	(pc) =	sbr.rel @p1 .LBB2_3-.Ltmp0, $4  }
0xdd: {  	[tilespmem:s8+$0x11030] =	vst v13;
	v13 =	vadd.f32 v15, v30;
	v10 =	vld [tilespmem:s8+$0x1420]  }
0xde: {  	[tilespmem:s8+$0x11040] =	vst v14;
	v14 =	vadd.f32 v11, v31;
	v11 =	vld [tilespmem:s8+$0x1430]  }
0xdf: {  	s12 =	sadd.s32 $0x80, s12;
	[tilespmem:s8+$0x11050] =	vst v13;
	v15 =	vadd.f32 v12, v32;
	v12 =	vld [tilespmem:s8+$0x1440]  }
0xe0: {  	s19 =	sand.u32 $0x380, s12;
	s18 =	sand.u32 $0x3000, s17;
	s17 =	sadd.s32 $0x200, s17;
	[tilespmem:s8+$0x11060] =	vst v14;
	v14 =	vadd.f32 v16, v33;
	v13 =	vld [tilespmem:s8+$0x1450]  }
0xe1: {  	s12 =	sor.u32 s19, s18;
	v55 =	vld [tilespmem:s8+$0x1460]  }
0xe2: {  	v16 =	vld [tilespmem:s12+$0x9470]  }
0xe3: {  	v17 =	vld [tilespmem:s12+$0x8800]  }
0xe4: {  	v18 =	vld [tilespmem:s12+$0x1470]  }
0xe5: {  	v19 =	vld [tilespmem:s12+$0x8810]  }
0xe6: {  	v20 =	vld [tilespmem:s12+$0x8820]  }
0xe7: {  	v21 =	vld [tilespmem:s12+$0x8830]  }
0xe8: {  	v22 =	vld [tilespmem:s12+$0x8840]  }
0xe9: {  	v23 =	vld [tilespmem:s12+$0x8850]  }
0xea: {  	v24 =	vld [tilespmem:s12+$0x8860]  }
0xeb: {  	v25 =	vld [tilespmem:s12+$0x8870]  }
0xec: {  	v26 =	vld [tilespmem:s12+$0x8C00]  }
0xed: {  	v27 =	vld [tilespmem:s12+$0x8C10]  }
0xee: {  	v28 =	vld [tilespmem:s12+$0x8C20]  }
0xef: {  	v29 =	vld [tilespmem:s12+$0x8C30]  }
0xf0: {  	v30 =	vld [tilespmem:s12+$0x8C40]  }
0xf1: {  	v31 =	vld [tilespmem:s12+$0x8C50]  }
0xf2: {  	v32 =	vld [tilespmem:s12+$0x8C60]  }
0xf3: {  	v33 =	vld [tilespmem:s12+$0x8C70]  }
0xf4: {  	v34 =	vld [tilespmem:s12+$0x9000]  }
0xf5: {  	v35 =	vld [tilespmem:s12+$0x9010]  }
0xf6: {  	v36 =	vld [tilespmem:s12+$0x9020]  }
0xf7: {  	v37 =	vld [tilespmem:s12+$0x9030]  }
0xf8: {  	v38 =	vld [tilespmem:s12+$0x9040]  }
0xf9: {  	v39 =	vld [tilespmem:s12+$0x9050]  }
0xfa: {  	v40 =	vld [tilespmem:s12+$0x9060]  }
0xfb: {  	v41 =	vld [tilespmem:s12+$0x9070]  }
0xfc: {  	v42 =	vld [tilespmem:s12+$0x9400]  }
0xfd: {  	v43 =	vld [tilespmem:s12+$0x9410]  }
0xfe: {  	v44 =	vld [tilespmem:s12+$0x9420]  }
0xff: {  	v45 =	vld [tilespmem:s12+$0x9430]  }
0x100: {  	v46 =	vld [tilespmem:s12+$0x9440]  }
0x101: {  	[tilespmem:s8+$0x11070] =	vst v15;
	v9 =	vadd.f32 v9, v8;
	v8 =	vld [tilespmem:s12+$0x9450]  }
0x102: {  	[tilespmem:s8+$0x11400] =	vst v14;
	v10 =	vadd.f32 v10, v7;
	v7 =	vld [tilespmem:s12+$0x9460]  }
0x103: {  	v56 =	vld [tilespmem:s12+$0x800];
	[tilespmem:s8+$0x11410] =	vst v9;
	v6 =	vadd.f32 v11, v6  }
0x104: {  	v57 =	vld [tilespmem:s12+$0x810];
	[tilespmem:s8+$0x11420] =	vst v10;
	v5 =	vadd.f32 v12, v5  }
0x105: {  	v59 =	vld [tilespmem:s12+$0x820];
	[tilespmem:s8+$0x11430] =	vst v6;
	v4 =	vadd.f32 v13, v4;
	v58 =	vmul.f32 $2.262741660e+01, v16  }
0x106: {  	v48 =	vld [tilespmem:s12+$0xC10];
	[tilespmem:s8+$0x11440] =	vst v5;
	v3 =	vadd.f32 v55, v3;
	v60 =	vmul.f32 $2.262741660e+01, v17  }
0x107: {  	[tilespmem:s8+$0x11450] =	vst v4;
	v63 =	vmul.f32 $2.262741660e+01, v19;
	v16 =	vld [tilespmem:s12+$0x840];
	v62 =	vadd.f32 v18, v58  }
0x108: {  	v61 =	vld [tilespmem:s12+$0x830];
	[tilespmem:s8+$0x11460] =	vst v3;
	v3 =	vmul.f32 $2.262741660e+01, v20;
	v5 =	vadd.f32 v56, v60  }
0x109: {  	v19 =	vld [tilespmem:s12+$0x860];
	v54 =	vmul.f32 $2.262741660e+01, v27;
	v6 =	vadd.f32 v57, v63;
	[tilespmem:s12+$0x11470] =	vst v62  }
0x10a: {  	v17 =	vld [tilespmem:s12+$0x850];
	v20 =	vmul.f32 $2.262741660e+01, v22;
	v3 =	vadd.f32 v59, v3;
	[tilespmem:s12+$0x10800] =	vst v5  }
0x10b: {  	v22 =	vmul.f32 $2.262741660e+01, v23;
	v23 =	vld [tilespmem:s12+$0xC00];
	v18 =	vmul.f32 $2.262741660e+01, v21;
	v60 =	vadd.f32 v48, v54;
	[tilespmem:s12+$0x10810] =	vst v6  }
0x10c: {  	v53 =	vld [tilespmem:s12+$0xC30];
	v47 =	vmul.f32 $2.262741660e+01, v24;
	[tilespmem:s12+$0x10820] =	vst v3;
	v3 =	vadd.f32 v16, v20  }
0x10d: {  	v51 =	vld [tilespmem:s12+$0xC20];
	v4 =	vadd.f32 v61, v18;
	[tilespmem:s12+$0x10C10] =	vst v60  }
0x10e: {  	v52 =	vmul.f32 $2.262741660e+01, v26;
	v21 =	vld [tilespmem:s12+$0x870];
	[tilespmem:s12+$0x10840] =	vst v3;
	v3 =	vadd.f32 v19, v47  }
0x10f: {  	v56 =	vld [tilespmem:s12+$0xC40];
	v59 =	vmul.f32 $2.262741660e+01, v29;
	v50 =	vadd.f32 v17, v22;
	[tilespmem:s12+$0x10830] =	vst v4  }
0x110: {  	v57 =	vmul.f32 $2.262741660e+01, v28;
	v58 =	vld [tilespmem:s12+$0xC50];
	[tilespmem:s12+$0x10860] =	vst v3;
	v3 =	vadd.f32 v23, v52  }
0x111: {  	v49 =	vmul.f32 $2.262741660e+01, v25;
	v61 =	vld [tilespmem:s12+$0xC60];
	v17 =	vadd.f32 v53, v59;
	[tilespmem:s12+$0x10850] =	vst v50  }
0x112: {  	v25 =	vld [tilespmem:s12+$0x1030];
	v62 =	vmul.f32 $2.262741660e+01, v30;
	[tilespmem:s12+$0x10C00] =	vst v3;
	v3 =	vadd.f32 v51, v57  }
0x113: {  	v18 =	vld [tilespmem:s12+$0x1000];
	v16 =	vmul.f32 $2.262741660e+01, v31;
	v55 =	vadd.f32 v21, v49;
	[tilespmem:s12+$0x10C30] =	vst v17  }
0x114: {  	v63 =	vld [tilespmem:s12+$0xC70];
	v19 =	vmul.f32 $2.262741660e+01, v32;
	[tilespmem:s12+$0x10C20] =	vst v3;
	v3 =	vadd.f32 v56, v62  }
0x115: {  	v31 =	vmul.f32 $2.262741660e+01, v37;
	v22 =	vadd.f32 v58, v16;
	[tilespmem:s12+$0x10870] =	vst v55;
	v23 =	vld [tilespmem:s12+$0x1020]  }
0x116: {  	v24 =	vmul.f32 $2.262741660e+01, v34;
	v30 =	vld [tilespmem:s12+$0x1050];
	[tilespmem:s12+$0x10C40] =	vst v3;
	v3 =	vadd.f32 v61, v19  }
0x117: {  	v28 =	vld [tilespmem:s12+$0x1040];
	v21 =	vmul.f32 $2.262741660e+01, v33;
	v37 =	vadd.f32 v25, v31;
	[tilespmem:s12+$0x10C50] =	vst v22  }
0x118: {  	v26 =	vmul.f32 $2.262741660e+01, v35;
	v35 =	vld [tilespmem:s12+$0x1070];
	v29 =	vmul.f32 $2.262741660e+01, v36;
	[tilespmem:s12+$0x10C60] =	vst v3;
	v3 =	vadd.f32 v18, v24  }
0x119: {  	v36 =	vmul.f32 $2.262741660e+01, v39;
	v33 =	vld [tilespmem:s12+$0x1060];
	v27 =	vadd.f32 v63, v21;
	[tilespmem:s12+$0x11030] =	vst v37  }
0x11a: {  	v34 =	vmul.f32 $2.262741660e+01, v38;
	v20 =	vld [tilespmem:s12+$0x1010];
	[tilespmem:s12+$0x11000] =	vst v3;
	v3 =	vadd.f32 v23, v29  }
0x11b: {  	v38 =	vld [tilespmem:s12+$0x1400];
	v47 =	vmul.f32 $2.262741660e+01, v41;
	v48 =	vadd.f32 v30, v36;
	[tilespmem:s12+$0x10C70] =	vst v27  }
0x11c: {  	v39 =	vmul.f32 $2.262741660e+01, v40;
	v40 =	vld [tilespmem:s12+$0x1410];
	[tilespmem:s12+$0x11020] =	vst v3;
	v3 =	vadd.f32 v28, v34  }
0x11d: {  	v49 =	vld [tilespmem:s12+$0x1420];
	v53 =	vadd.f32 v35, v47;
	[tilespmem:s12+$0x11050] =	vst v48  }
0x11e: {  	v50 =	vmul.f32 $2.262741660e+01, v42;
	v51 =	vld [tilespmem:s12+$0x1430];
	[tilespmem:s12+$0x11040] =	vst v3;
	v3 =	vadd.f32 v33, v39  }
0x11f: {  	v54 =	vld [tilespmem:s12+$0x1440];
	v52 =	vmul.f32 $2.262741660e+01, v43;
	v32 =	vadd.f32 v20, v26;
	[tilespmem:s12+$0x11070] =	vst v53  }
0x120: {  	v55 =	vmul.f32 $2.262741660e+01, v44;
	v56 =	vld [tilespmem:s12+$0x1450];
	[tilespmem:s12+$0x11060] =	vst v3;
	v3 =	vadd.f32 v38, v50  }
0x121: {  	v59 =	vld [tilespmem:s12+$0x1460];
	v57 =	vmul.f32 $2.262741660e+01, v45;
	v58 =	vadd.f32 v40, v52;
	[tilespmem:s12+$0x11010] =	vst v32  }
0x122: {  	v60 =	vmul.f32 $2.262741660e+01, v46;
	[tilespmem:s12+$0x11400] =	vst v3;
	v3 =	vadd.f32 v49, v55  }
0x123: {  	v8 =	vmul.f32 $2.262741660e+01, v8;
	[tilespmem:s12+$0x11410] =	vst v58;
	v61 =	vadd.f32 v51, v57  }
0x124: {  	p1 =	sne.s32 s14, $0xF;
	v62 =	vmul.f32 $2.262741660e+01, v7;
	[tilespmem:s12+$0x11420] =	vst v3;
	v3 =	vadd.f32 v54, v60  }
.Ltmp1:
0x125: {  	[tilespmem:s12+$0x11430] =	vst v61;
	v63 =	vadd.f32 v56, v8;
	(pc) =	sbr.rel @p1 .LBB2_6-.Ltmp1, $4  }
0x126: {  	s20 =	sshll.u32 s14, $0x11;
	[tilespmem:s12+$0x11440] =	vst v3;
	v3 =	vadd.f32 v59, v62  }
0x127: {  	s8 =	sor.u32 s5, s20;
	[tilespmem:s12+$0x11450] =	vst v63  }
0x128: {  	s14 =	sadd.s32 $0x1, s14;
	s21 =	sadd.s32 s3, s8;
	[tilespmem:s12+$0x11460] =	vst v3  }
0x129: {  	[hbm4b:s21+s4] =	stream.linear.scatter [tilespmem:s13], [sflag:$0x3], $0x4000, $0x38;
	[tilespmem:$0x18800] =	vst v63  }
.Ltmp2:
0x12a: {  	(pc) =	sbr.rel .LBB2_7-.Ltmp2, $4  }
0x12b: {  	_ = 	snop  }
0x12c: {  	_ =	swait.ge [sflag:s15], $0x4000  }
0x12d: {  	[sflag:s15] =	ssyncset.done $0x0  }
0x12e: {  	[sflag:s15] =	ssyncadd.s32 $0xFFFFC000  }
.LBB2_6:
0x12f: {  	s12 =	sshll.u32 s14, $0x7  }
0x130: {  	s12 =	sand.u32 $0x3FFFFF80, s12  }
0x131: {  	s12 =	sor.u32 s12, s9  }
0x132: {  	v3 =	vld [tilespmem:s12+$0x0];
	_ =	sdelay $0x4  }
0x133: {  	v4 =	vshll.u32 v3, $0x2  }
0x134: {  	v3 =	vand.u32 $0x7, v3;
	v4 =	vand.u32 $0xFFFFFFE0, v4  }
0x135: {  	v3 =	vor.u32 v3, v4  }
0x136: {  	v4 =	vperm.xlane v3, v0;
	_ =	sdelay $0x1  }
0x137: {  	v4 =	vadd.s32 v1, v4;
	_ =	sdelay $0x1  }
0x138: {  	v3 =	vperm.xlane v3, v2;
	_ =	sdelay $0x1  }
0x139: {  	s17 =	simm.s32 $0x8800;
	v3 =	vadd.s32 v1, v3  }
0x13a: {  	[tilespmem:s17], [sflag:$0x1] =	stream.indirect_vreg.gather [hbm4b:s1+s4], $0x80, v4, vm0, $0xb8;
	[tilespmem:$0x18800] =	vst v63  }
0x13b: {  	s18 =	simm.s32 $0x9000  }
0x13c: {  	[tilespmem:s18], [sflag:$0x1] =	stream.indirect_vreg.gather [hbm4b:s10+s4], $0x80, v4, vm0, $0xb8;
	[tilespmem:$0x18800] =	vst v63  }
0x13d: {  	s19 =	simm.s32 $0x9800  }
0x13e: {  	[tilespmem:s19], [sflag:$0x1] =	stream.indirect_vreg.gather [hbm4b:s1+s4], $0x80, v3, vm0, $0xb8;
	[tilespmem:$0x18800] =	vst v63  }
0x13f: {  	s20 =	simm.s32 $0xA000  }
0x140: {  	[tilespmem:s20], [sflag:$0x1] =	stream.indirect_vreg.gather [hbm4b:s10+s4], $0x80, v3, vm0, $0xb8;
	[tilespmem:$0x18800] =	vst v63  }
0x141: {  	v3 =	vld [tilespmem:s12+$0x10];
	_ =	sdelay $0x4  }
0x142: {  	v63 =	vshll.u32 v3, $0x2  }
0x143: {  	v3 =	vand.u32 $0x7, v3;
	v4 =	vand.u32 $0xFFFFFFE0, v63  }
0x144: {  	v3 =	vor.u32 v3, v4  }
0x145: {  	v4 =	vperm.xlane v3, v0;
	_ =	sdelay $0x1  }
0x146: {  	v4 =	vadd.s32 v1, v4;
	_ =	sdelay $0x1  }
0x147: {  	v3 =	vperm.xlane v3, v2;
	_ =	sdelay $0x1  }
0x148: {  	s21 =	simm.s32 $0xA800;
	v3 =	vadd.s32 v1, v3  }
0x149: {  	[tilespmem:s21], [sflag:$0x1] =	stream.indirect_vreg.gather [hbm4b:s1+s4], $0x80, v4, vm0, $0xb8;
	[tilespmem:$0x18800] =	vst v63  }
0x14a: {  	_ = 	snop  }
0x14b: {  	[tilespmem:s22], [sflag:$0x1] =	stream.indirect_vreg.gather [hbm4b:s10+s4], $0x80, v4, vm0, $0xb8;
	[tilespmem:$0x18800] =	vst v63  }
0x14c: {  	_ = 	snop  }
0x14d: {  	[tilespmem:s23], [sflag:$0x1] =	stream.indirect_vreg.gather [hbm4b:s1+s4], $0x80, v3, vm0, $0xb8;
	[tilespmem:$0x18800] =	vst v63  }
.Ltmp3:
0x14e: {  	_ = 	snop;
	(pc) =	sbr.rel @p0 .LBB2_8-.Ltmp3, $4  }
0x14f: {  	[tilespmem:s24], [sflag:$0x1] =	stream.indirect_vreg.gather [hbm4b:s10+s4], $0x80, v3, vm0, $0xb8;
	[tilespmem:$0x18800] =	vst v63  }
0x150: {  	_ =	swait.ge [sflag:s15], $0x4000  }
0x151: {  	[sflag:s15] =	ssyncset.done $0x0  }
0x152: {  	[sflag:s15] =	ssyncadd.s32 $0xFFFFC000  }
.LBB2_7:
0x153: {  	_ =	swait.ge [sflag:s16], $0x4000  }
0x154: {  	[sflag:s16] =	ssyncset.done $0x0  }
0x155: {  	[sflag:s16] =	ssyncadd.s32 $0xFFFFC000  }
.LBB2_8:
0x156: {  	s17 =	simm.s32 $0x0  }
0x157: {  	s18 =	sand.u32 $0x3000, s17;
	s12 =	sand.u32 $0x380, s17  }
0x158: {  	s12 =	sor.u32 s12, s18  }
0x159: {  	v3 =	vld [tilespmem:s12+$0x4800]  }
0x15a: {  	v4 =	vld [tilespmem:s12+$0x4810]  }
0x15b: {  	v5 =	vld [tilespmem:s12+$0x4820]  }
0x15c: {  	v6 =	vld [tilespmem:s12+$0x4830]  }
0x15d: {  	v7 =	vld [tilespmem:s12+$0x4840]  }
0x15e: {  	v8 =	vld [tilespmem:s12+$0x4850]  }
0x15f: {  	v9 =	vld [tilespmem:s12+$0x4860]  }
0x160: {  	v10 =	vld [tilespmem:s12+$0x4870]  }
0x161: {  	v11 =	vld [tilespmem:s12+$0x4C00]  }
0x162: {  	v12 =	vld [tilespmem:s12+$0x4C10]  }
0x163: {  	v13 =	vld [tilespmem:s12+$0x4C20]  }
0x164: {  	v14 =	vld [tilespmem:s12+$0x4C30]  }
0x165: {  	v15 =	vld [tilespmem:s12+$0x4C40]  }
0x166: {  	v16 =	vld [tilespmem:s12+$0x4C50]  }
0x167: {  	v17 =	vld [tilespmem:s12+$0x4C60]  }
0x168: {  	v24 =	vld [tilespmem:s12+$0xC800]  }
0x169: {  	v26 =	vld [tilespmem:s12+$0xC810]  }
0x16a: {  	v18 =	vld [tilespmem:s12+$0x4C70]  }
0x16b: {  	v19 =	vld [tilespmem:s12+$0x5000]  }
0x16c: {  	v27 =	vld [tilespmem:s12+$0xC820]  }
0x16d: {  	v28 =	vld [tilespmem:s12+$0xC830];
	v24 =	vmul.f32 $2.262741660e+01, v24  }
0x16e: {  	v20 =	vld [tilespmem:s12+$0x5010];
	v26 =	vmul.f32 $2.262741660e+01, v26  }
0x16f: {  	v29 =	vld [tilespmem:s12+$0xC840];
	v3 =	vadd.f32 v3, v24  }
0x170: {  	v30 =	vld [tilespmem:s12+$0xC850];
	v4 =	vadd.f32 v4, v26  }
0x171: {  	v44 =	vld [tilespmem:s12+$0xC860];
	v27 =	vmul.f32 $2.262741660e+01, v27;
	[tilespmem:s12+$0x14800] =	vst v3  }
0x172: {  	v3 =	vld [tilespmem:s12+$0xCC00];
	[tilespmem:s12+$0x14810] =	vst v4;
	v4 =	vmul.f32 $2.262741660e+01, v28  }
0x173: {  	v31 =	vld [tilespmem:s12+$0xC870];
	v5 =	vadd.f32 v5, v27  }
0x174: {  	v21 =	vld [tilespmem:s12+$0x5020];
	v46 =	vmul.f32 $2.262741660e+01, v29;
	v4 =	vadd.f32 v6, v4  }
0x175: {  	v45 =	vld [tilespmem:s12+$0xCC10];
	[tilespmem:s12+$0x14820] =	vst v5;
	v6 =	vmul.f32 $2.262741660e+01, v30  }
0x176: {  	v7 =	vadd.f32 v7, v46;
	v5 =	vld [tilespmem:s12+$0xCC20];
	[tilespmem:s12+$0x14830] =	vst v4;
	v4 =	vmul.f32 $2.262741660e+01, v44  }
0x177: {  	v22 =	vld [tilespmem:s12+$0x5030];
	v6 =	vadd.f32 v8, v6;
	v3 =	vmul.f32 $2.262741660e+01, v3  }
0x178: {  	v47 =	vld [tilespmem:s12+$0xCC30];
	[tilespmem:s12+$0x14840] =	vst v7;
	v8 =	vmul.f32 $2.262741660e+01, v31;
	v4 =	vadd.f32 v9, v4  }
0x179: {  	v7 =	vld [tilespmem:s12+$0xCC40];
	[tilespmem:s12+$0x14850] =	vst v6;
	v3 =	vadd.f32 v11, v3  }
0x17a: {  	v6 =	vld [tilespmem:s12+$0xCC50];
	v8 =	vadd.f32 v10, v8;
	v9 =	vmul.f32 $2.262741660e+01, v45;
	[tilespmem:s12+$0x14860] =	vst v4  }
0x17b: {  	v4 =	vld [tilespmem:s12+$0xCC60];
	[tilespmem:s12+$0x14C00] =	vst v3;
	v3 =	vmul.f32 $2.262741660e+01, v5  }
0x17c: {  	[tilespmem:s12+$0x14870] =	vst v8;
	v8 =	vld [tilespmem:s12+$0xCC70];
	v9 =	vadd.f32 v12, v9  }
0x17d: {  	v23 =	vld [tilespmem:s12+$0x5040];
	v10 =	vmul.f32 $2.262741660e+01, v47;
	v3 =	vadd.f32 v13, v3  }
0x17e: {  	v7 =	vmul.f32 $2.262741660e+01, v7;
	v5 =	vld [tilespmem:s12+$0xD000];
	[tilespmem:s12+$0x14C10] =	vst v9  }
0x17f: {  	v10 =	vadd.f32 v14, v10;
	v9 =	vld [tilespmem:s12+$0xD010];
	[tilespmem:s12+$0x14C20] =	vst v3;
	v3 =	vmul.f32 $2.262741660e+01, v6  }
0x180: {  	v6 =	vadd.f32 v15, v7;
	v7 =	vld [tilespmem:s12+$0xD030];
	v4 =	vmul.f32 $2.262741660e+01, v4  }
0x181: {  	v25 =	vld [tilespmem:s12+$0x5050];
	[tilespmem:s12+$0x14C30] =	vst v10;
	v8 =	vmul.f32 $2.262741660e+01, v8;
	v3 =	vadd.f32 v16, v3  }
0x182: {  	[tilespmem:s12+$0x14C40] =	vst v6;
	v6 =	vld [tilespmem:s12+$0xD040];
	v4 =	vadd.f32 v17, v4  }
0x183: {  	v11 =	vld [tilespmem:s12+$0xD020];
	[tilespmem:s12+$0x14C50] =	vst v3;
	v3 =	vmul.f32 $2.262741660e+01, v5;
	v5 =	vadd.f32 v18, v8  }
0x184: {  	v10 =	vld [tilespmem:s12+$0xD050];
	[tilespmem:s12+$0x14C60] =	vst v4  }
0x185: {  	v4 =	vld [tilespmem:s12+$0xD060];
	v7 =	vmul.f32 $2.262741660e+01, v7;
	v3 =	vadd.f32 v19, v3;
	[tilespmem:s12+$0x14C70] =	vst v5;
	v5 =	vmul.f32 $2.262741660e+01, v9  }
0x186: {  	s20 =	simm.s32 $0x200;
	s19 =	simm.s32 $0x80;
	v8 =	vld [tilespmem:s12+$0xD070]  }
0x187: {  	s20 =	sand.u32 $0x3000, s20;
	s21 =	sand.u32 $0x380, s19;
	s17 =	sor.u32 s18, s17;
	v6 =	vmul.f32 $2.262741660e+01, v6;
	v7 =	vadd.f32 v22, v7;
	[tilespmem:s12+$0x15000] =	vst v3;
	v3 =	vadd.f32 v20, v5;
	v5 =	vld [tilespmem:s12+$0x5060]  }
0x188: {  	s18 =	sor.u32 $0x4C00, s17;
	s17 =	sor.u32 s21, s20;
	v9 =	vmul.f32 $2.262741660e+01, v11;
	v11 =	vld [tilespmem:s12+$0x5070]  }
0x189: {  	v48 =	vld [tilespmem:s17+$0x4870];
	v10 =	vmul.f32 $2.262741660e+01, v10;
	v6 =	vadd.f32 v23, v6;
	[tilespmem:s12+$0x15030] =	vst v7  }
0x18a: {  	v49 =	vld [tilespmem:s17+$0x4C00];
	v9 =	vadd.f32 v21, v9;
	v4 =	vmul.f32 $2.262741660e+01, v4;
	[tilespmem:s12+$0x15010] =	vst v3  }
0x18b: {  	v50 =	vld [tilespmem:s17+$0x4C10];
	v7 =	vadd.f32 v25, v10;
	[tilespmem:s12+$0x15040] =	vst v6;
	v6 =	vmul.f32 $2.262741660e+01, v8  }
0x18c: {  	v51 =	vld [tilespmem:s17+$0x4C20];
	[tilespmem:s12+$0x15020] =	vst v9;
	v4 =	vadd.f32 v5, v4  }
0x18d: {  	v52 =	vld [tilespmem:s17+$0x4C30];
	[tilespmem:s12+$0x15050] =	vst v7;
	v5 =	vadd.f32 v11, v6  }
0x18e: {  	[tilespmem:s12+$0x15060] =	vst v4;
	v4 =	vld [tilespmem:s12+$0xD400]  }
0x18f: {  	v53 =	vld [tilespmem:s17+$0x4C40];
	[tilespmem:s12+$0x15070] =	vst v5  }
0x190: {  	v5 =	vld [tilespmem:s18+$0x800]  }
0x191: {  	v55 =	vld [tilespmem:s17+$0x4C50]  }
0x192: {  	v56 =	vld [tilespmem:s17+$0x4C60]  }
0x193: {  	v57 =	vld [tilespmem:s17+$0x4C70];
	v4 =	vmul.f32 $2.262741660e+01, v4  }
0x194: {  	v58 =	vld [tilespmem:s17+$0x5000]  }
0x195: {  	v32 =	vld [tilespmem:s17+$0xC800];
	v4 =	vadd.f32 v5, v4  }
0x196: {  	v6 =	vld [tilespmem:s12+$0xD410]  }
0x197: {  	v33 =	vld [tilespmem:s17+$0xC810];
	[tilespmem:s12+$0x15400] =	vst v4  }
0x198: {  	v4 =	vld [tilespmem:s18+$0x810]  }
0x199: {  	v34 =	vld [tilespmem:s17+$0xC820]  }
0x19a: {  	v35 =	vld [tilespmem:s17+$0xC830]  }
0x19b: {  	v36 =	vld [tilespmem:s17+$0xC840];
	v5 =	vmul.f32 $2.262741660e+01, v6  }
0x19c: {  	v37 =	vld [tilespmem:s17+$0xC850]  }
0x19d: {  	v59 =	vld [tilespmem:s17+$0xC860];
	v4 =	vadd.f32 v4, v5  }
0x19e: {  	v13 =	vld [tilespmem:s12+$0xD420]  }
0x19f: {  	v14 =	vld [tilespmem:s17+$0x4800];
	[tilespmem:s12+$0x15410] =	vst v4  }
0x1a0: {  	v54 =	vld [tilespmem:s18+$0x820]  }
0x1a1: {  	v60 =	vld [tilespmem:s17+$0xC870]  }
0x1a2: {  	v61 =	vld [tilespmem:s17+$0xCC10];
	v32 =	vmul.f32 $2.262741660e+01, v32  }
0x1a3: {  	v16 =	vld [tilespmem:s17+$0x4820];
	v13 =	vmul.f32 $2.262741660e+01, v13  }
0x1a4: {  	v63 =	vld [tilespmem:s17+$0xCC30];
	v14 =	vadd.f32 v14, v32  }
0x1a5: {  	v15 =	vld [tilespmem:s17+$0x4810];
	v13 =	vadd.f32 v54, v13  }
0x1a6: {  	[tilespmem:s17+$0x14800] =	vst v14;
	v14 =	vmul.f32 $2.262741660e+01, v34;
	v11 =	vld [tilespmem:s12+$0xD430]  }
0x1a7: {  	v12 =	vld [tilespmem:s12+$0xD440];
	[tilespmem:s12+$0x15420] =	vst v13  }
0x1a8: {  	v33 =	vmul.f32 $2.262741660e+01, v33;
	v14 =	vadd.f32 v16, v14;
	v16 =	vld [tilespmem:s18+$0x830]  }
0x1a9: {  	v17 =	vld [tilespmem:s17+$0x4830]  }
0x1aa: {  	v18 =	vld [tilespmem:s17+$0x4840];
	v15 =	vadd.f32 v15, v33  }
0x1ab: {  	v19 =	vld [tilespmem:s17+$0x4850];
	v11 =	vmul.f32 $2.262741660e+01, v11  }
0x1ac: {  	[tilespmem:s17+$0x14810] =	vst v15;
	v15 =	vmul.f32 $2.262741660e+01, v35;
	v20 =	vld [tilespmem:s17+$0x4860]  }
0x1ad: {  	v10 =	vld [tilespmem:s12+$0xD450];
	v11 =	vadd.f32 v16, v11  }
0x1ae: {  	[tilespmem:s17+$0x14820] =	vst v14;
	v14 =	vadd.f32 v17, v15;
	v15 =	vld [tilespmem:s17+$0xCC20];
	v17 =	vmul.f32 $2.262741660e+01, v37  }
0x1af: {  	v13 =	vld [tilespmem:s17+$0xCC00];
	[tilespmem:s12+$0x15430] =	vst v11  }
0x1b0: {  	v16 =	vadd.f32 v19, v17;
	v17 =	vld [tilespmem:s18+$0x840]  }
0x1b1: {  	v3 =	vld [tilespmem:s12+$0xD470];
	[tilespmem:s17+$0x14830] =	vst v14;
	v14 =	vmul.f32 $2.262741660e+01, v59  }
0x1b2: {  	v62 =	vmul.f32 $2.262741660e+01, v36;
	v9 =	vld [tilespmem:s12+$0xD460]  }
0x1b3: {  	v12 =	vmul.f32 $2.262741660e+01, v12;
	v8 =	vld [tilespmem:s17+$0x5010];
	v14 =	vadd.f32 v20, v14  }
0x1b4: {  	v18 =	vadd.f32 v18, v62;
	v7 =	vld [tilespmem:s17+$0x5020];
	v13 =	vmul.f32 $2.262741660e+01, v13  }
0x1b5: {  	[tilespmem:s17+$0x14860] =	vst v14;
	v14 =	vld [tilespmem:s17+$0xCC60];
	v12 =	vadd.f32 v17, v12  }
0x1b6: {  	[tilespmem:s17+$0x14840] =	vst v18;
	v6 =	vld [tilespmem:s17+$0x5030];
	v13 =	vadd.f32 v49, v13  }
0x1b7: {  	v5 =	vld [tilespmem:s17+$0x5040];
	[tilespmem:s12+$0x15440] =	vst v12  }
0x1b8: {  	v18 =	vmul.f32 $2.262741660e+01, v60;
	[tilespmem:s17+$0x14C00] =	vst v13;
	v13 =	vld [tilespmem:s18+$0x850]  }
0x1b9: {  	v11 =	vld [tilespmem:s17+$0xCC40]  }
0x1ba: {  	v18 =	vadd.f32 v48, v18;
	v19 =	vmul.f32 $2.262741660e+01, v61;
	[tilespmem:s17+$0x14850] =	vst v16;
	v16 =	vld [tilespmem:s17+$0xCC50]  }
0x1bb: {  	v10 =	vmul.f32 $2.262741660e+01, v10;
	v4 =	vld [tilespmem:s17+$0x5050]  }
0x1bc: {  	[tilespmem:s17+$0x14870] =	vst v18;
	v18 =	vadd.f32 v50, v19;
	v19 =	vmul.f32 $2.262741660e+01, v63;
	v17 =	vld [tilespmem:s17+$0xCC70]  }
0x1bd: {  	v12 =	vmul.f32 $2.262741660e+01, v15;
	v15 =	vld [tilespmem:s17+$0xD000];
	v10 =	vadd.f32 v13, v10  }
0x1be: {  	v14 =	vmul.f32 $2.262741660e+01, v14;
	[tilespmem:s17+$0x14C10] =	vst v18;
	v18 =	vld [tilespmem:s17+$0xD010];
	v19 =	vadd.f32 v52, v19  }
0x1bf: {  	v20 =	vmul.f32 $2.262741660e+01, v11;
	v11 =	vld [tilespmem:s17+$0xD020];
	v16 =	vmul.f32 $2.262741660e+01, v16;
	v12 =	vadd.f32 v51, v12;
	[tilespmem:s12+$0x15450] =	vst v10  }
0x1c0: {  	[tilespmem:s17+$0x14C30] =	vst v19;
	v19 =	vadd.f32 v56, v14;
	v10 =	vld [tilespmem:s18+$0x860]  }
0x1c1: {  	v16 =	vadd.f32 v55, v16;
	v17 =	vmul.f32 $2.262741660e+01, v17;
	[tilespmem:s17+$0x14C20] =	vst v12;
	v12 =	vld [tilespmem:s17+$0xD030]  }
0x1c2: {  	[tilespmem:s17+$0x14C60] =	vst v19;
	v20 =	vadd.f32 v53, v20;
	v15 =	vmul.f32 $2.262741660e+01, v15;
	v13 =	vld [tilespmem:s17+$0xD040]  }
0x1c3: {  	v9 =	vmul.f32 $2.262741660e+01, v9;
	v14 =	vld [tilespmem:s17+$0xD050];
	[tilespmem:s17+$0x14C50] =	vst v16;
	v16 =	vadd.f32 v57, v17  }
0x1c4: {  	s21 =	simm.s32 $0x400;
	v18 =	vmul.f32 $2.262741660e+01, v18;
	[tilespmem:s17+$0x14C40] =	vst v20;
	v17 =	vadd.f32 v58, v15;
	v15 =	vld [tilespmem:s17+$0xD060]  }
.LBB2_9:
0x1c5: {  	p0 =	sne.s32 s21, $0x3E00;
	[tilespmem:s17+$0x14C70] =	vst v16;
	v11 =	vmul.f32 $2.262741660e+01, v11;
	v16 =	vld [tilespmem:s17+$0xD070];
	v9 =	vadd.f32 v10, v9  }
0x1c6: {  	[tilespmem:s17+$0x15000] =	vst v17;
	v8 =	vadd.f32 v8, v18;
	v10 =	vmul.f32 $2.262741660e+01, v12;
	v12 =	vld [tilespmem:s17+$0x5060]  }
0x1c7: {  	v7 =	vadd.f32 v7, v11;
	v11 =	vmul.f32 $2.262741660e+01, v13;
	v13 =	vld [tilespmem:s17+$0x5070];
	[tilespmem:s12+$0x15460] =	vst v9  }
0x1c8: {  	[tilespmem:s17+$0x15010] =	vst v8;
	v6 =	vadd.f32 v6, v10;
	v8 =	vmul.f32 $2.262741660e+01, v14;
	v14 =	vld [tilespmem:s18+$0x870]  }
0x1c9: {  	[tilespmem:s17+$0x15020] =	vst v7;
	v5 =	vadd.f32 v5, v11;
	v7 =	vmul.f32 $2.262741660e+01, v15;
	v11 =	vld [tilespmem:s17+$0xD470]  }
0x1ca: {  	[tilespmem:s17+$0x15030] =	vst v6;
	v4 =	vadd.f32 v4, v8;
	v6 =	vmul.f32 $2.262741660e+01, v16;
	v9 =	vld [tilespmem:s17+$0xD460]  }
0x1cb: {  	[tilespmem:s17+$0x15040] =	vst v5;
	v5 =	vadd.f32 v12, v7;
	v10 =	vld [tilespmem:s17+$0xD450];
	v7 =	vmul.f32 $2.262741660e+01, v3  }
0x1cc: {  	[tilespmem:s17+$0x15050] =	vst v4;
	v4 =	vadd.f32 v13, v6;
	v12 =	vld [tilespmem:s17+$0xD440]  }
0x1cd: {  	[tilespmem:s17+$0x15060] =	vst v5;
	v13 =	vld [tilespmem:s17+$0xD430];
	v5 =	vadd.f32 v14, v7  }
0x1ce: {  	s18 =	sor.u32 s20, s19;
	[tilespmem:s17+$0x15070] =	vst v4;
	v4 =	vld [tilespmem:s17+$0xD400];
	v3 =	vmov v11  }
0x1cf: {  	s19 =	sadd.s32 $0x80, s19;
	s18 =	sor.u32 $0x4C00, s18;
	v6 =	vld [tilespmem:s17+$0xD420];
	[tilespmem:s12+$0x15470] =	vst v5;
	s12 =	smov.u32 s17  }
0x1d0: {  	s20 =	sand.u32 $0x3000, s21;
	s17 =	sand.u32 $0x380, s19;
	v5 =	vld [tilespmem:s18+$0x800]  }
0x1d1: {  	s17 =	sor.u32 s17, s20;
	v7 =	vld [tilespmem:s12+$0xD410]  }
0x1d2: {  	v11 =	vld [tilespmem:s17+$0x4800]  }
0x1d3: {  	v14 =	vld [tilespmem:s17+$0x4810];
	v4 =	vmul.f32 $2.262741660e+01, v4  }
0x1d4: {  	v15 =	vld [tilespmem:s17+$0x4820]  }
0x1d5: {  	v16 =	vld [tilespmem:s17+$0x4830];
	v4 =	vadd.f32 v5, v4  }
0x1d6: {  	v17 =	vld [tilespmem:s17+$0x4840]  }
0x1d7: {  	v18 =	vld [tilespmem:s17+$0x4850];
	[tilespmem:s12+$0x15400] =	vst v4  }
0x1d8: {  	v4 =	vld [tilespmem:s18+$0x810]  }
0x1d9: {  	v19 =	vld [tilespmem:s17+$0x4860]  }
0x1da: {  	v20 =	vld [tilespmem:s17+$0x4870]  }
0x1db: {  	v5 =	vmul.f32 $2.262741660e+01, v7;
	v21 =	vld [tilespmem:s17+$0x4C00]  }
0x1dc: {  	v22 =	vld [tilespmem:s17+$0x4C10]  }
0x1dd: {  	v23 =	vld [tilespmem:s17+$0x4C20];
	v4 =	vadd.f32 v4, v5  }
0x1de: {  	v24 =	vld [tilespmem:s17+$0x4C30]  }
0x1df: {  	v25 =	vld [tilespmem:s17+$0x4C40];
	[tilespmem:s12+$0x15410] =	vst v4  }
0x1e0: {  	v4 =	vld [tilespmem:s18+$0x820]  }
0x1e1: {  	v26 =	vld [tilespmem:s17+$0x4C50]  }
0x1e2: {  	v27 =	vld [tilespmem:s17+$0x4C60]  }
0x1e3: {  	v5 =	vmul.f32 $2.262741660e+01, v6;
	v28 =	vld [tilespmem:s17+$0x4C70]  }
0x1e4: {  	v29 =	vld [tilespmem:s17+$0x5000]  }
0x1e5: {  	v8 =	vld [tilespmem:s17+$0x5010];
	v4 =	vadd.f32 v4, v5  }
0x1e6: {  	v7 =	vld [tilespmem:s17+$0x5020]  }
0x1e7: {  	v6 =	vld [tilespmem:s17+$0x5030];
	[tilespmem:s12+$0x15420] =	vst v4  }
0x1e8: {  	v30 =	vld [tilespmem:s18+$0x830]  }
0x1e9: {  	v5 =	vld [tilespmem:s17+$0x5040]  }
0x1ea: {  	v4 =	vld [tilespmem:s17+$0x5050]  }
0x1eb: {  	v13 =	vmul.f32 $2.262741660e+01, v13;
	v31 =	vld [tilespmem:s17+$0xC800]  }
0x1ec: {  	v32 =	vld [tilespmem:s17+$0xC810]  }
0x1ed: {  	v33 =	vld [tilespmem:s17+$0xC820];
	v13 =	vadd.f32 v30, v13  }
0x1ee: {  	v30 =	vld [tilespmem:s17+$0xC830]  }
0x1ef: {  	v34 =	vld [tilespmem:s17+$0xC840];
	[tilespmem:s12+$0x15430] =	vst v13  }
0x1f0: {  	v13 =	vmul.f32 $2.262741660e+01, v31;
	v31 =	vld [tilespmem:s18+$0x840]  }
0x1f1: {  	v32 =	vmul.f32 $2.262741660e+01, v32;
	v35 =	vld [tilespmem:s17+$0xC850]  }
0x1f2: {  	v11 =	vadd.f32 v11, v13;
	v13 =	vmul.f32 $2.262741660e+01, v33;
	v33 =	vld [tilespmem:s17+$0xC860]  }
0x1f3: {  	v12 =	vmul.f32 $2.262741660e+01, v12;
	v14 =	vadd.f32 v14, v32;
	v32 =	vld [tilespmem:s17+$0xC870]  }
0x1f4: {  	[tilespmem:s17+$0x14800] =	vst v11;
	v11 =	vadd.f32 v15, v13;
	v13 =	vmul.f32 $2.262741660e+01, v30;
	v15 =	vld [tilespmem:s17+$0xCC00]  }
0x1f5: {  	[tilespmem:s17+$0x14810] =	vst v14;
	v14 =	vmul.f32 $2.262741660e+01, v34;
	v30 =	vld [tilespmem:s17+$0xCC10];
	v12 =	vadd.f32 v31, v12  }
0x1f6: {  	[tilespmem:s17+$0x14820] =	vst v11;
	v11 =	vadd.f32 v16, v13;
	v13 =	vmul.f32 $2.262741660e+01, v35;
	v16 =	vld [tilespmem:s17+$0xCC20]  }
0x1f7: {  	v14 =	vadd.f32 v17, v14;
	v17 =	vmul.f32 $2.262741660e+01, v33;
	v31 =	vld [tilespmem:s17+$0xCC30];
	[tilespmem:s12+$0x15440] =	vst v12  }
0x1f8: {  	[tilespmem:s17+$0x14830] =	vst v11;
	v11 =	vadd.f32 v18, v13;
	v12 =	vmul.f32 $2.262741660e+01, v32;
	v13 =	vld [tilespmem:s18+$0x850]  }
0x1f9: {  	[tilespmem:s17+$0x14840] =	vst v14;
	v14 =	vadd.f32 v19, v17;
	v15 =	vmul.f32 $2.262741660e+01, v15;
	v17 =	vld [tilespmem:s17+$0xCC40]  }
0x1fa: {  	[tilespmem:s17+$0x14850] =	vst v11;
	v11 =	vadd.f32 v20, v12;
	v12 =	vmul.f32 $2.262741660e+01, v30;
	v18 =	vld [tilespmem:s17+$0xCC50]  }
0x1fb: {  	v10 =	vmul.f32 $2.262741660e+01, v10;
	[tilespmem:s17+$0x14860] =	vst v14;
	v14 =	vadd.f32 v21, v15;
	v15 =	vld [tilespmem:s17+$0xCC60]  }
0x1fc: {  	[tilespmem:s17+$0x14870] =	vst v11;
	v11 =	vadd.f32 v22, v12;
	v12 =	vmul.f32 $2.262741660e+01, v16;
	v16 =	vld [tilespmem:s17+$0xCC70]  }
0x1fd: {  	[tilespmem:s17+$0x14C00] =	vst v14;
	v14 =	vmul.f32 $2.262741660e+01, v31;
	v19 =	vld [tilespmem:s17+$0xD000];
	v10 =	vadd.f32 v13, v10  }
0x1fe: {  	[tilespmem:s17+$0x14C10] =	vst v11;
	v12 =	vadd.f32 v23, v12;
	v13 =	vmul.f32 $2.262741660e+01, v17;
	v20 =	vld [tilespmem:s17+$0xD010]  }
0x1ff: {  	v14 =	vadd.f32 v24, v14;
	v17 =	vmul.f32 $2.262741660e+01, v18;
	v11 =	vld [tilespmem:s17+$0xD020];
	[tilespmem:s12+$0x15450] =	vst v10  }
.Ltmp4:
0x200: {  	[tilespmem:s17+$0x14C20] =	vst v12;
	v13 =	vadd.f32 v25, v13;
	v15 =	vmul.f32 $2.262741660e+01, v15;
	v10 =	vld [tilespmem:s18+$0x860];
	(pc) =	sbr.rel @p0 .LBB2_9-.Ltmp4, $4  }
0x201: {  	[tilespmem:s17+$0x14C30] =	vst v14;
	v14 =	vadd.f32 v26, v17;
	v16 =	vmul.f32 $2.262741660e+01, v16;
	v12 =	vld [tilespmem:s17+$0xD030]  }
0x202: {  	[tilespmem:s17+$0x14C40] =	vst v13;
	v15 =	vadd.f32 v27, v15;
	v17 =	vmul.f32 $2.262741660e+01, v19;
	v13 =	vld [tilespmem:s17+$0xD040]  }
0x203: {  	v9 =	vmul.f32 $2.262741660e+01, v9;
	[tilespmem:s17+$0x14C50] =	vst v14;
	v16 =	vadd.f32 v28, v16;
	v14 =	vld [tilespmem:s17+$0xD050]  }
0x204: {  	s21 =	sadd.s32 $0x200, s21;
	v18 =	vmul.f32 $2.262741660e+01, v20;
	[tilespmem:s17+$0x14C60] =	vst v15;
	v17 =	vadd.f32 v29, v17;
	v15 =	vld [tilespmem:s17+$0xD060]  }
0x205: {  	v43 =	vld [tilespmem:s17+$0xD070];
	v11 =	vmul.f32 $2.262741660e+01, v11  }
0x206: {  	[tilespmem:s17+$0x14C70] =	vst v16;
	v44 =	vld [tilespmem:s17+$0x5060];
	v8 =	vadd.f32 v8, v18;
	v12 =	vmul.f32 $2.262741660e+01, v12  }
0x207: {  	v45 =	vld [tilespmem:s17+$0x5070];
	[tilespmem:s17+$0x15000] =	vst v17;
	v7 =	vadd.f32 v7, v11;
	v46 =	vmul.f32 $2.262741660e+01, v13  }
0x208: {  	[tilespmem:s17+$0x15010] =	vst v8;
	v6 =	vadd.f32 v6, v12;
	v48 =	vmul.f32 $2.262741660e+01, v14  }
0x209: {  	[tilespmem:s17+$0x15020] =	vst v7;
	v5 =	vadd.f32 v5, v46;
	v50 =	vmul.f32 $2.262741660e+01, v15  }
0x20a: {  	[tilespmem:s17+$0x15030] =	vst v6;
	v4 =	vadd.f32 v4, v48;
	v52 =	vmul.f32 $2.262741660e+01, v43  }
0x20b: {  	[tilespmem:s17+$0x15040] =	vst v5;
	v8 =	vadd.f32 v44, v50  }
0x20c: {  	[tilespmem:s17+$0x15050] =	vst v4;
	v11 =	vadd.f32 v45, v52  }
0x20d: {  	v55 =	vld [tilespmem:s17+$0xD400];
	s19 =	sor.u32 s20, s19;
	[tilespmem:s17+$0x15060] =	vst v8  }
0x20e: {  	s19 =	sor.u32 $0x4C00, s19;
	[tilespmem:s17+$0x15070] =	vst v11  }
0x20f: {  	v56 =	vld [tilespmem:s19+$0x800];
	_ =	sdelay $0x2  }
0x210: {  	v11 =	vmul.f32 $2.262741660e+01, v55;
	_ =	sdelay $0x1  }
0x211: {  	v11 =	vadd.f32 v56, v11  }
0x212: {  	v58 =	vld [tilespmem:s17+$0xD410]  }
0x213: {  	[tilespmem:s17+$0x15400] =	vst v11  }
0x214: {  	v11 =	vld [tilespmem:s19+$0x810];
	_ =	sdelay $0x2  }
0x215: {  	v12 =	vmul.f32 $2.262741660e+01, v58;
	_ =	sdelay $0x1  }
0x216: {  	v11 =	vadd.f32 v11, v12  }
0x217: {  	v57 =	vld [tilespmem:s17+$0xD420]  }
0x218: {  	[tilespmem:s17+$0x15410] =	vst v11  }
0x219: {  	v11 =	vld [tilespmem:s19+$0x820];
	_ =	sdelay $0x2  }
0x21a: {  	v59 =	vmul.f32 $2.262741660e+01, v57;
	_ =	sdelay $0x1  }
0x21b: {  	v11 =	vadd.f32 v11, v59  }
0x21c: {  	v54 =	vld [tilespmem:s17+$0xD430]  }
0x21d: {  	[tilespmem:s17+$0x15420] =	vst v11  }
0x21e: {  	v11 =	vld [tilespmem:s19+$0x830];
	_ =	sdelay $0x2  }
0x21f: {  	v8 =	vmul.f32 $2.262741660e+01, v54;
	_ =	sdelay $0x1  }
0x220: {  	v8 =	vadd.f32 v11, v8  }
0x221: {  	v53 =	vld [tilespmem:s17+$0xD440]  }
0x222: {  	[tilespmem:s17+$0x15430] =	vst v8  }
0x223: {  	v8 =	vld [tilespmem:s19+$0x840];
	_ =	sdelay $0x2  }
0x224: {  	v4 =	vmul.f32 $2.262741660e+01, v53;
	_ =	sdelay $0x1  }
0x225: {  	v4 =	vadd.f32 v8, v4  }
0x226: {  	v51 =	vld [tilespmem:s17+$0xD450]  }
0x227: {  	[tilespmem:s17+$0x15440] =	vst v4  }
0x228: {  	v4 =	vld [tilespmem:s19+$0x850];
	_ =	sdelay $0x2  }
0x229: {  	v5 =	vmul.f32 $2.262741660e+01, v51;
	_ =	sdelay $0x1  }
0x22a: {  	v4 =	vadd.f32 v4, v5  }
0x22b: {  	v49 =	vld [tilespmem:s17+$0xD460]  }
0x22c: {  	[tilespmem:s17+$0x15450] =	vst v4  }
0x22d: {  	v4 =	vld [tilespmem:s19+$0x860];
	_ =	sdelay $0x2  }
0x22e: {  	v60 =	vmul.f32 $2.262741660e+01, v49  }
0x22f: {  	v61 =	vadd.f32 v10, v9  }
0x230: {  	v4 =	vadd.f32 v4, v60  }
0x231: {  	v47 =	vld [tilespmem:s17+$0xD470];
	[tilespmem:s12+$0x15460] =	vst v61  }
0x232: {  	v62 =	vld [tilespmem:s18+$0x870];
	[tilespmem:s17+$0x15460] =	vst v4  }
0x233: {  	v4 =	vld [tilespmem:s19+$0x870];
	_ =	sdelay $0x1  }
0x234: {  	v3 =	vmul.f32 $2.262741660e+01, v3  }
0x235: {  	p0 =	sne.s32 s14, $0x10;
	v63 =	vmul.f32 $2.262741660e+01, v47  }
.Ltmp5:
0x236: {  	v3 =	vadd.f32 v62, v3;
	(pc) =	sbr.rel @p0 .LBB2_2-.Ltmp5, $4  }
0x237: {  	v4 =	vadd.f32 v4, v63  }
0x238: {  	[tilespmem:s12+$0x15470] =	vst v3  }
0x239: {  	s8 =	sadd.s32 s8, s11;
	[tilespmem:s17+$0x15470] =	vst v4  }
0x23a: {  	[hbm4b:s8+s4] =	stream.linear.scatter [tilespmem:s6], [sflag:$0x4], $0x4000, $0x38;
	[tilespmem:$0x18800] =	vst v63  }
0x23b: {  	s8 =	simm.s32 $0x3  }
0x23c: {  	_ =	swait.ge [sflag:s8], $0x4000  }
0x23d: {  	[sflag:s8] =	ssyncset.done $0x0  }
0x23e: {  	[sflag:s8] =	ssyncadd.s32 $0xFFFFC000  }
0x23f: {  	_ =	swait.ge [sflag:s16], $0x4000  }
0x240: {  	s12 =	rddreg [dreg:$0x8]  }
0x241: {  	s21 =	rddreg [dreg:$0x7];
	s12 =	sadd.s32 $0x1, s12  }
0x242: {  	p0 =	sne.s32 s12, s21  }
.Ltmp6:
0x243: {  	_ = 	snop;
	(pc) =	sbr.rel @p0 .LBB2_1-.Ltmp6, $3  }
0x244: {  	_ =	sdelay $0x1  }
0x245: {  	[sflag:s16] =	ssyncset.done $0x0  }
0x246: {  	[sflag:s16] =	ssyncadd.s32 $0xFFFFC000  }
0x247: {  	_ =	sfence.sel $0x180000  }
0x248: {  	[bflag:$0x0] =	sbarrier.arrive $0xFFFF  }
0x249: {  	_ =	strace $0x90000047  }
0x24a: {  	s0 =	stileid.u32;
	[bflag:$0x2] =	sbarrier.arrive $0xFFFF  }
0x24b: {  	p0 =	sne.s32 s0, $0x0;
	s0 =	rddreg [dreg:$0x4]  }
0x24c: {  	s0 =	sadd.s32 @!p0 $0x100000, s0  }
0x24d: {  	[sflag:s0] =	ssyncadd.tile.s32 @!p0 $0x1;
	_ =	shalt  }
.Lfunc_end2:
_tile_overlayer_lowered:
.L_overlay_start_2:
0x24e: {  	(tag) =	ssettag $0x2  }
0x24f: {  	s0 =	rddreg [dreg:$0x0];
	s2 =	stileid.u32  }
0x250: {  	s1 =	rddreg [dreg:$0x1];
	p0 =	sne.s32 s2, $0x0  }
0x251: {  	s3 =	rddreg [dreg:$0x2];
	[bflag:$0x3] =	sbarrier.arrive $0xFFFF;
	s2 =	simm.s32 @!p0 $0x1C05  }
0x252: {  	[timem:s3], [sflag:s2] =	dma.local @!p0 [hbm:s0], s1  }
0x253: {  	s0 =	simm.s32 @!p0 $0x5  }
0x254: {  	_ =	swait.ge @!p0 [sflag:s0], s1  }
0x255: {  	s1 =	ssub.s32 @!p0 $0x0, s1;
	[sflag:s0] =	ssyncset.done @!p0 $0x0  }
0x256: {  	[sflag:s0] =	ssyncadd.s32 @!p0 s1  }
0x257: {  	[bflag:$0x3] =	sbarrier.arrive $0xFFFF  }
0x258: {  	_ =	shalt  }

</sc_bundles>
